<compile_context>
chip_gen: v7x
topology: tpu7x:2x2x1
jax: 0.10.2.dev20260603
libtpu: 0.0.44.dev20260713+nightly
codegen_flags: <defaults>
</compile_context>

<pallas_src>
import functools

import jax
import jax.numpy as jnp
from jax import lax
from jax.experimental import pallas as pl
from jax.experimental.pallas import tpu as pltpu
from jax.experimental.pallas import tpu_sc as plsc

N = 10000
D = 128
E = 320000
O = 40
OP = 48
HID = 128

NC = 2
NS = 16
NW = NC * NS
K = 128
CH = 80
CHH = CH // 2
EPAD = NW * CH * K
ABSORB = N
RS = 632
NPAD = NS * RS
DS = 640
NDPAD = NS * DS


def _sc_agg(dcols, with_deg):
    mesh = plsc.VectorSubcoreMesh(core_axis_name="c", subcore_axis_name="s")
    out_type = jax.ShapeDtypeStruct((NC, NPAD, dcols), jnp.float32)
    if with_deg:
        out_type = [out_type]
    scratch = [
        pltpu.VMEM((CHH, K), jnp.int32),
        pltpu.VMEM((CHH, K), jnp.int32),
        pltpu.VMEM((K, dcols), jnp.float32),
        pltpu.VMEM((K, dcols), jnp.float32),
        pltpu.VMEM_SHARED((NPAD, dcols), jnp.float32),
        pltpu.SemaphoreType.DMA,
        pltpu.SemaphoreType.DMA,
    ]
    if with_deg:
        out_type.append(jax.ShapeDtypeStruct((NC, NDPAD), jnp.float32))
        scratch += [
            pltpu.VMEM((K,), jnp.float32),
            pltpu.VMEM((DS,), jnp.float32),
            pltpu.VMEM_SHARED((NDPAD,), jnp.float32),
        ]

    @functools.partial(
        pl.kernel, out_type=out_type, mesh=mesh, scratch_types=scratch,
        compiler_params=pltpu.CompilerParams(
            use_tc_tiling_on_sc=(dcols % 128 == 0)))
    def agg(h_hbm, src_hbm, dst_hbm, zero_hbm, *refs):
        if with_deg:
            (out_hbm, deg_hbm, src_v, dst_v, rows_v, rows_w, accum,
             sem, sem2, ones_v, zv, dacc) = refs
        else:
            (out_hbm, src_v, dst_v, rows_v, rows_w, accum, sem, sem2) = refs
        c = lax.axis_index("c")
        s = lax.axis_index("s")
        wid = c * NS + s
        base = s * RS
        pltpu.async_copy(src_hbm.at[wid, pl.ds(0, CHH)], src_v, sem2)
        pltpu.async_copy(dst_hbm.at[wid, pl.ds(0, CHH)], dst_v, sem2)
        pltpu.sync_copy(zero_hbm, rows_v)
        for t in range(RS // K):
            pltpu.sync_copy(rows_v, accum.at[pl.ds(base + t * K, K)])
        rem = RS - (RS // K) * K
        pltpu.sync_copy(rows_v.at[pl.ds(0, rem)],
                        accum.at[pl.ds(base + (RS // K) * K, rem)])
        if with_deg:
            ones16 = jnp.ones((16,), jnp.float32)
            zero16 = jnp.zeros((16,), jnp.float32)

            def fill_ones(i, carry):
                ones_v[pl.ds(i * 16, 16)] = ones16
                return carry

            lax.fori_loop(0, K // 16, fill_ones, 0)

            def fill_zero(i, carry):
                zv[pl.ds(i * 16, 16)] = zero16
                return carry

            lax.fori_loop(0, DS // 16, fill_zero, 0)
            pltpu.sync_copy(zv, dacc.at[pl.ds(s * DS, DS)])
        plsc.subcore_barrier()

        for half in range(2):
            if half == 0:
                pltpu.make_async_copy(
                    src_hbm.at[wid, pl.ds(0, CHH)], src_v, sem2).wait()
                pltpu.make_async_copy(
                    dst_hbm.at[wid, pl.ds(0, CHH)], dst_v, sem2).wait()
            else:
                pltpu.sync_copy(src_hbm.at[wid, pl.ds(half * CHH, CHH)], src_v)
                pltpu.sync_copy(dst_hbm.at[wid, pl.ds(half * CHH, CHH)], dst_v)
            pltpu.async_copy(h_hbm.at[src_v.at[0]], rows_v, sem)

            def body(t, carry):
                g = 2 * t
                pltpu.async_copy(h_hbm.at[src_v.at[g + 1]], rows_w, sem2)
                pltpu.make_async_copy(h_hbm.at[src_v.at[g]], rows_v, sem).wait()
                pltpu.sync_copy(rows_v, accum.at[dst_v.at[g]], add=True)
                if with_deg:
                    pltpu.sync_copy(ones_v, dacc.at[dst_v.at[g]], add=True)

                @pl.when(g + 2 < CHH)
                def _():
                    pltpu.async_copy(h_hbm.at[src_v.at[g + 2]], rows_v, sem)

                pltpu.make_async_copy(h_hbm.at[src_v.at[g + 1]], rows_w, sem2).wait()
                pltpu.sync_copy(rows_w, accum.at[dst_v.at[g + 1]], add=True)
                if with_deg:
                    pltpu.sync_copy(ones_v, dacc.at[dst_v.at[g + 1]], add=True)
                return carry

            lax.fori_loop(0, CHH // 2, body, 0)
        plsc.subcore_barrier()
        pltpu.sync_copy(accum.at[pl.ds(base, RS)],
                        out_hbm.at[c, pl.ds(base, RS)])
        if with_deg:
            pltpu.sync_copy(dacc.at[pl.ds(s * DS, DS)],
                            deg_hbm.at[c, pl.ds(s * DS, DS)])

    return agg


RB = 2000
GRID = N // RB


def _log_softmax(y):
    z = y - jnp.max(y, axis=1, keepdims=True)
    return z - jnp.log(jnp.sum(jnp.exp(z), axis=1, keepdims=True))


def _tc_update1_body(x_ref, a0_ref, a1_ref, d0_ref, d1_ref, we0_ref, be0_ref,
                     we_ref, be_ref, wc_ref, bc_ref, out0_ref, out_ref, h_ref):
    y0 = jnp.dot(x_ref[...], we0_ref[...],
                 preferred_element_type=jnp.float32) + be0_ref[...]
    out0_ref[...] = _log_softmax(y0)
    deg = jnp.maximum(d0_ref[...] + d1_ref[...], 1.0)
    a = (a0_ref[0] + a1_ref[0]) / deg
    y = jnp.dot(a, we_ref[...], preferred_element_type=jnp.float32) + be_ref[...]
    out_ref[...] = _log_softmax(y)
    h = jnp.dot(a, wc_ref[...], preferred_element_type=jnp.float32) + bc_ref[...]
    h_ref[...] = jnp.maximum(h, 0.0)


def _tc_update2_body(a0_ref, a1_ref, d0_ref, d1_ref, we_ref, be_ref,
                     wc_ref, bc_ref, wep_ref, out_ref, h_ref, g_ref):
    deg = jnp.maximum(d0_ref[...] + d1_ref[...], 1.0)
    a = (a0_ref[0] + a1_ref[0]) / deg
    y = jnp.dot(a, we_ref[...], preferred_element_type=jnp.float32) + be_ref[...]
    out_ref[...] = _log_softmax(y)
    h = jnp.dot(a, wc_ref[...], preferred_element_type=jnp.float32) + bc_ref[...]
    h = jnp.maximum(h, 0.0)
    h_ref[...] = h
    g_ref[...] = jnp.dot(h, wep_ref[...], preferred_element_type=jnp.float32)


def _tc_exit3_body(g0_ref, g1_ref, d0_ref, d1_ref, be_ref, out_ref):
    deg = jnp.maximum(d0_ref[...] + d1_ref[...], 1.0)
    a = (g0_ref[0, :, :O] + g1_ref[0, :, :O]) / deg
    out_ref[...] = _log_softmax(a + be_ref[...])


def _row_spec(shape):
    return pl.BlockSpec((RB,) + shape[1:], lambda i: (i,) + (0,) * (len(shape) - 1))


def _a_spec(core, dcols):
    return pl.BlockSpec((1, RB, dcols), lambda i, _c=core: (_c, i, 0))


_D_SPEC = pl.BlockSpec((RB, 1), lambda i: (i, 0))


def _w_spec(din, dout):
    return pl.BlockSpec((din, dout), lambda i: (0, 0))


def _tc_update1(x, a, d0, d1, we0, be0, we, be, wc, bc):
    return pl.pallas_call(
        _tc_update1_body,
        grid=(GRID,),
        in_specs=[_row_spec((N, D)), _a_spec(0, D), _a_spec(1, D),
                  _D_SPEC, _D_SPEC, _w_spec(D, O), _w_spec(1, O),
                  _w_spec(D, O), _w_spec(1, O), _w_spec(D, HID), _w_spec(1, HID)],
        out_specs=[_row_spec((N, O)), _row_spec((N, O)), _row_spec((N, HID))],
        out_shape=[jax.ShapeDtypeStruct((N, O), jnp.float32),
                   jax.ShapeDtypeStruct((N, O), jnp.float32),
                   jax.ShapeDtypeStruct((N, HID), jnp.float32)],
    )(x, a, a, d0, d1, we0, be0.reshape(1, O), we, be.reshape(1, O),
      wc, bc.reshape(1, HID))


def _tc_update2(a, d0, d1, we, be, wc, bc, wep):
    return pl.pallas_call(
        _tc_update2_body,
        grid=(GRID,),
        in_specs=[_a_spec(0, D), _a_spec(1, D), _D_SPEC, _D_SPEC,
                  _w_spec(D, O), _w_spec(1, O), _w_spec(D, HID), _w_spec(1, HID),
                  _w_spec(D, OP)],
        out_specs=[_row_spec((N, O)), _row_spec((N, HID)), _row_spec((N, OP))],
        out_shape=[jax.ShapeDtypeStruct((N, O), jnp.float32),
                   jax.ShapeDtypeStruct((N, HID), jnp.float32),
                   jax.ShapeDtypeStruct((N, OP), jnp.float32)],
    )(a, a, d0, d1, we, be.reshape(1, O), wc, bc.reshape(1, HID), wep)


def _tc_exit3(g, d0, d1, be):
    return pl.pallas_call(
        _tc_exit3_body,
        grid=(GRID,),
        in_specs=[_a_spec(0, OP), _a_spec(1, OP), _D_SPEC, _D_SPEC,
                  _w_spec(1, O)],
        out_specs=_row_spec((N, O)),
        out_shape=jax.ShapeDtypeStruct((N, O), jnp.float32),
    )(g, g, d0, d1, be.reshape(1, O))


def kernel(x, edge_index, We0, be0, We1, be1, We2, be2, We3, be3,
           Wc0, bc0, Wc1, bc1, Wc2, bc2):
    src = edge_index[0]
    dst = edge_index[1]
    pad = EPAD - E
    pad_src = jnp.arange(pad, dtype=jnp.int32) % N
    pad_dst = ABSORB + jnp.arange(pad, dtype=jnp.int32) % (NPAD - N)
    src3 = jnp.concatenate([src, pad_src]).reshape(NW, CH, K)
    dst3 = jnp.concatenate([dst, pad_dst]).reshape(NW, CH, K)
    zeros_kd = jnp.zeros((K, D), jnp.float32)
    zeros_kp = jnp.zeros((K, OP), jnp.float32)
    We3p = jnp.pad(We3, ((0, 0), (0, OP - O)))

    agg_deg = _sc_agg(D, True)
    agg_d = _sc_agg(D, False)
    agg_o = _sc_agg(OP, False)

    a1, degp = agg_deg(x, src3, dst3, zeros_kd)
    d0 = degp[0].reshape(NDPAD, 1)
    d1 = degp[1].reshape(NDPAD, 1)
    out0, out1, h1 = _tc_update1(x, a1, d0, d1, We0, be0, We1, be1, Wc0, bc0)
    a2 = agg_d(h1, src3, dst3, zeros_kd)
    out2, h2, g2 = _tc_update2(a2, d0, d1, We2, be2, Wc1, bc1, We3p)
    g3 = agg_o(g2, src3, dst3, zeros_kp)
    out3 = _tc_exit3(g3, d0, d1, be3)
    return jnp.stack([out0, out1, out2, out3], axis=1)

# --- scband reference (transcript-rebuilt; emitter-appended) ---
"""Pipeline reference for scband-gcn-node-classification-53884659695768 (READ-ONLY COPY).

The authoritative reference and input builder live on the scoring server;
editing this copy changes nothing except your own understanding.
"""

import jax, jax.numpy as jnp
import numpy as np

N = 10000
E = 320000
D = 128
H = 128
O = 40
NUM_LAYERS = 3


def _agg(h, edge_index):
    # AGG_Conv: parameterless mean aggregation of neighbor features (scatter-add + degree normalize)
    src = edge_index[0]
    dst = edge_index[1]
    msg = jnp.take(h, src, axis=0)
    summed = jax.ops.segment_sum(msg, dst, num_segments=N)
    deg = jax.ops.segment_sum(jnp.ones((E,), dtype=h.dtype), dst, num_segments=N)
    return summed / jnp.clip(deg, 1.0)[:, None]


def setup_inputs(seed: int = 0):
    key = jax.random.key(seed)
    ks = jax.random.split(key, 20)
    inp = {}
    inp['x'] = jax.random.normal(ks[0], (N, D), dtype=jnp.float32)
    inp['edge_index'] = jax.random.randint(ks[1], (2, E), 0, N, dtype=jnp.int32)
    # updates_exit: num_layers+1 linear layers
    exit_dims = [(D, O), (D, O), (H, O), (H, O)]
    for i, (din, dout) in enumerate(exit_dims):
        inp['We%d' % i] = jax.random.normal(ks[2 + i], (din, dout), dtype=jnp.float32) * (1.0 / np.sqrt(din))
        inp['be%d' % i] = jnp.zeros((dout,), dtype=jnp.float32)
    # updates_continues: num_layers linear layers
    cont_dims = [(D, H), (H, H), (H, O)]
    for i, (din, dout) in enumerate(cont_dims):
        inp['Wc%d' % i] = jax.random.normal(ks[10 + i], (din, dout), dtype=jnp.float32) * (1.0 / np.sqrt(din))
        inp['bc%d' % i] = jnp.zeros((dout,), dtype=jnp.float32)
    return inp


def reference(x, edge_index, We0, be0, We1, be1, We2, be2, We3, be3, Wc0, bc0, Wc1, bc1, Wc2, bc2):
    We = [(We0, be0), (We1, be1), (We2, be2), (We3, be3)]
    Wc = [(Wc0, bc0), (Wc1, bc1), (Wc2, bc2)]
    h = x
    outs = [jax.nn.log_softmax(h @ We[0][0] + We[0][1], axis=1)]
    for i in range(NUM_LAYERS):
        h = _agg(h, edge_index)
        outs.append(jax.nn.log_softmax(h @ We[i + 1][0] + We[i + 1][1], axis=1))
        h = h @ Wc[i][0] + Wc[i][1]
        if i < NUM_LAYERS - 1:
            h = jax.nn.relu(h)
            # dropout: inference mode (identity)
    return jnp.stack(outs, axis=1)

if __name__ == "__main__":
    import jax
    _d = setup_inputs()
    print(jax.jit(kernel)(*tuple(_d.values())))

</pallas_src>

<mosaic_0001>
#map = affine_map<(d0, d1) -> (0, 0)>
#map1 = affine_map<(d0, d1) -> (0, 0, 0)>
module attributes {stable_mosaic.version = 14 : i64} {
  func.func @agg(%arg0: i32, %arg1: i32, %arg2: memref<10000x128xf32, #tpu.memory_space<hbm>>, %arg3: memref<32x80x128xi32, #tpu.memory_space<hbm>>, %arg4: memref<32x80x128xi32, #tpu.memory_space<hbm>>, %arg5: memref<128x128xf32, #tpu.memory_space<hbm>>, %arg6: memref<2x10112x128xf32, #tpu.memory_space<hbm>>, %arg7: memref<2x10240xf32, #tpu.memory_space<hbm>>, %arg8: memref<40x128xi32, #tpu.memory_space<vmem>>, %arg9: memref<40x128xi32, #tpu.memory_space<vmem>>, %arg10: memref<128x128xf32, #tpu.memory_space<vmem>>, %arg11: memref<128x128xf32, #tpu.memory_space<vmem>>, %arg12: memref<10112x128xf32, #tpu.memory_space<vmem_shared>>, %arg13: memref<!tpu.dma_semaphore, #tpu.memory_space<semaphore_mem>>, %arg14: memref<!tpu.dma_semaphore, #tpu.memory_space<semaphore_mem>>, %arg15: memref<128xf32, #tpu.memory_space<vmem>>, %arg16: memref<640xf32, #tpu.memory_space<vmem>>, %arg17: memref<10240xf32, #tpu.memory_space<vmem_shared>>) attributes {dimension_semantics = [#tpu.dimension_semantics<core_parallel>, #tpu.dimension_semantics<subcore_parallel>], iteration_bounds = array<i64: 2, 16>, scalar_prefetch = 0 : i64, scratch_operands = 10 : i64, tpu.core_type = #tpu.core_type<sc_vector_subcore>, window_params = [{transform_indices = #map}, {transform_indices = #map1}, {transform_indices = #map1}, {transform_indices = #map}, {transform_indices = #map1}, {transform_indices = #map}]} {
    %mul3A = arith.constant 16 : i32
    %mul3A_0 = arith.muli %arg0, %mul3A : i32
    %add3A = arith.addi %mul3A_0, %arg1 : i32
    %mul3A_1 = arith.constant 632 : i32
    %mul3A_2 = arith.muli %arg1, %mul3A_1 : i32
    %dma_start3A = arith.constant 0 : i32
    %dma_start3A_3 = arith.constant 0 : i32
    %dma_start3A_4 = tpu.memref_slice %arg3[%add3A, %dma_start3A, %dma_start3A_3] : memref<32x80x128xi32, #tpu.memory_space<hbm>> -> memref<1x40x128xi32, #tpu.memory_space<hbm>>
    %dma_start3A_5 = tpu.memref_squeeze %dma_start3A_4 : memref<1x40x128xi32, #tpu.memory_space<hbm>> -> memref<40x128xi32, #tpu.memory_space<hbm>>
    %dma_start3A_6 = arith.constant 0 : i32
    %dma_start3A_7 = arith.constant 0 : i32
    %dma_start3A_8 = tpu.memref_slice %arg3[%add3A, %dma_start3A_6, %dma_start3A_7] : memref<32x80x128xi32, #tpu.memory_space<hbm>> -> memref<1x40x128xi32, #tpu.memory_space<hbm>>
    %dma_start3A_9 = tpu.memref_squeeze %dma_start3A_8 : memref<1x40x128xi32, #tpu.memory_space<hbm>> -> memref<40x128xi32, #tpu.memory_space<hbm>>
    tpu.enqueue_dma source(%dma_start3A_9 : memref<40x128xi32, #tpu.memory_space<hbm>>) target(%arg8 : memref<40x128xi32, #tpu.memory_space<vmem>>) target_semaphore(%arg14 : memref<!tpu.dma_semaphore, #tpu.memory_space<semaphore_mem>>)
    %dma_start3A_10 = arith.constant 0 : i32
    %dma_start3A_11 = arith.constant 0 : i32
    %dma_start3A_12 = tpu.memref_slice %arg4[%add3A, %dma_start3A_10, %dma_start3A_11] : memref<32x80x128xi32, #tpu.memory_space<hbm>> -> memref<1x40x128xi32, #tpu.memory_space<hbm>>
    %dma_start3A_13 = tpu.memref_squeeze %dma_start3A_12 : memref<1x40x128xi32, #tpu.memory_space<hbm>> -> memref<40x128xi32, #tpu.memory_space<hbm>>
    %dma_start3A_14 = arith.constant 0 : i32
    %dma_start3A_15 = arith.constant 0 : i32
    %dma_start3A_16 = tpu.memref_slice %arg4[%add3A, %dma_start3A_14, %dma_start3A_15] : memref<32x80x128xi32, #tpu.memory_space<hbm>> -> memref<1x40x128xi32, #tpu.memory_space<hbm>>
    %dma_start3A_17 = tpu.memref_squeeze %dma_start3A_16 : memref<1x40x128xi32, #tpu.memory_space<hbm>> -> memref<40x128xi32, #tpu.memory_space<hbm>>
    tpu.enqueue_dma source(%dma_start3A_17 : memref<40x128xi32, #tpu.memory_space<hbm>>) target(%arg9 : memref<40x128xi32, #tpu.memory_space<vmem>>) target_semaphore(%arg14 : memref<!tpu.dma_semaphore, #tpu.memory_space<semaphore_mem>>)
    "tpu.region"() ({
      %run_scoped3A = tpu.sem_alloc : memref<!tpu.dma_semaphore, #tpu.memory_space<semaphore_mem>>
      tpu.enqueue_dma source(%arg5 : memref<128x128xf32, #tpu.memory_space<hbm>>) target(%arg10 : memref<128x128xf32, #tpu.memory_space<vmem>>) target_semaphore(%run_scoped3A : memref<!tpu.dma_semaphore, #tpu.memory_space<semaphore_mem>>)
      tpu.wait_dma2 semaphore(%run_scoped3A : memref<!tpu.dma_semaphore, #tpu.memory_space<semaphore_mem>>) src(%arg5 : memref<128x128xf32, #tpu.memory_space<hbm>>) dst(%arg10 : memref<128x128xf32, #tpu.memory_space<vmem>>)
      tpu.yield
    }) : () -> ()
    %add3A_18 = arith.constant 0 : i32
    %add3A_19 = arith.addi %mul3A_2, %add3A_18 : i32
    "tpu.region"() ({
      %run_scoped3A = tpu.sem_alloc : memref<!tpu.dma_semaphore, #tpu.memory_space<semaphore_mem>>
      %dma_start3A_90 = arith.constant 0 : i32
      %dma_start3A_91 = tpu.memref_slice %arg12[%add3A_19, %dma_start3A_90] : memref<10112x128xf32, #tpu.memory_space<vmem_shared>> -> memref<128x128xf32, #tpu.memory_space<vmem_shared>>
      %dma_start3A_92 = arith.constant 0 : i32
      %dma_start3A_93 = tpu.memref_slice %arg12[%add3A_19, %dma_start3A_92] : memref<10112x128xf32, #tpu.memory_space<vmem_shared>> -> memref<128x128xf32, #tpu.memory_space<vmem_shared>>
      tpu.enqueue_dma source(%arg10 : memref<128x128xf32, #tpu.memory_space<vmem>>) target(%dma_start3A_93 : memref<128x128xf32, #tpu.memory_space<vmem_shared>>) target_semaphore(%run_scoped3A : memref<!tpu.dma_semaphore, #tpu.memory_space<semaphore_mem>>)
      %dma_wait3A_94 = arith.constant 0 : i32
      %dma_wait3A_95 = tpu.memref_slice %arg12[%add3A_19, %dma_wait3A_94] : memref<10112x128xf32, #tpu.memory_space<vmem_shared>> -> memref<128x128xf32, #tpu.memory_space<vmem_shared>>
      %dma_wait3A_96 = arith.constant 0 : i32
      %dma_wait3A_97 = tpu.memref_slice %arg12[%add3A_19, %dma_wait3A_96] : memref<10112x128xf32, #tpu.memory_space<vmem_shared>> -> memref<128x128xf32, #tpu.memory_space<vmem_shared>>
      tpu.wait_dma2 semaphore(%run_scoped3A : memref<!tpu.dma_semaphore, #tpu.memory_space<semaphore_mem>>) src(%arg10 : memref<128x128xf32, #tpu.memory_space<vmem>>) dst(%dma_wait3A_97 : memref<128x128xf32, #tpu.memory_space<vmem_shared>>)
      tpu.yield
    }) : () -> ()
    %add3A_20 = arith.constant 128 : i32
    %add3A_21 = arith.addi %mul3A_2, %add3A_20 : i32
    "tpu.region"() ({
      %run_scoped3A = tpu.sem_alloc : memref<!tpu.dma_semaphore, #tpu.memory_space<semaphore_mem>>
      %dma_start3A_90 = arith.constant 0 : i32
      %dma_start3A_91 = tpu.memref_slice %arg12[%add3A_21, %dma_start3A_90] : memref<10112x128xf32, #tpu.memory_space<vmem_shared>> -> memref<128x128xf32, #tpu.memory_space<vmem_shared>>
      %dma_start3A_92 = arith.constant 0 : i32
      %dma_start3A_93 = tpu.memref_slice %arg12[%add3A_21, %dma_start3A_92] : memref<10112x128xf32, #tpu.memory_space<vmem_shared>> -> memref<128x128xf32, #tpu.memory_space<vmem_shared>>
      tpu.enqueue_dma source(%arg10 : memref<128x128xf32, #tpu.memory_space<vmem>>) target(%dma_start3A_93 : memref<128x128xf32, #tpu.memory_space<vmem_shared>>) target_semaphore(%run_scoped3A : memref<!tpu.dma_semaphore, #tpu.memory_space<semaphore_mem>>)
      %dma_wait3A_94 = arith.constant 0 : i32
      %dma_wait3A_95 = tpu.memref_slice %arg12[%add3A_21, %dma_wait3A_94] : memref<10112x128xf32, #tpu.memory_space<vmem_shared>> -> memref<128x128xf32, #tpu.memory_space<vmem_shared>>
      %dma_wait3A_96 = arith.constant 0 : i32
      %dma_wait3A_97 = tpu.memref_slice %arg12[%add3A_21, %dma_wait3A_96] : memref<10112x128xf32, #tpu.memory_space<vmem_shared>> -> memref<128x128xf32, #tpu.memory_space<vmem_shared>>
      tpu.wait_dma2 semaphore(%run_scoped3A : memref<!tpu.dma_semaphore, #tpu.memory_space<semaphore_mem>>) src(%arg10 : memref<128x128xf32, #tpu.memory_space<vmem>>) dst(%dma_wait3A_97 : memref<128x128xf32, #tpu.memory_space<vmem_shared>>)
      tpu.yield
    }) : () -> ()
    %add3A_22 = arith.constant 256 : i32
    %add3A_23 = arith.addi %mul3A_2, %add3A_22 : i32
    "tpu.region"() ({
      %run_scoped3A = tpu.sem_alloc : memref<!tpu.dma_semaphore, #tpu.memory_space<semaphore_mem>>
      %dma_start3A_90 = arith.constant 0 : i32
      %dma_start3A_91 = tpu.memref_slice %arg12[%add3A_23, %dma_start3A_90] : memref<10112x128xf32, #tpu.memory_space<vmem_shared>> -> memref<128x128xf32, #tpu.memory_space<vmem_shared>>
      %dma_start3A_92 = arith.constant 0 : i32
      %dma_start3A_93 = tpu.memref_slice %arg12[%add3A_23, %dma_start3A_92] : memref<10112x128xf32, #tpu.memory_space<vmem_shared>> -> memref<128x128xf32, #tpu.memory_space<vmem_shared>>
      tpu.enqueue_dma source(%arg10 : memref<128x128xf32, #tpu.memory_space<vmem>>) target(%dma_start3A_93 : memref<128x128xf32, #tpu.memory_space<vmem_shared>>) target_semaphore(%run_scoped3A : memref<!tpu.dma_semaphore, #tpu.memory_space<semaphore_mem>>)
      %dma_wait3A_94 = arith.constant 0 : i32
      %dma_wait3A_95 = tpu.memref_slice %arg12[%add3A_23, %dma_wait3A_94] : memref<10112x128xf32, #tpu.memory_space<vmem_shared>> -> memref<128x128xf32, #tpu.memory_space<vmem_shared>>
      %dma_wait3A_96 = arith.constant 0 : i32
      %dma_wait3A_97 = tpu.memref_slice %arg12[%add3A_23, %dma_wait3A_96] : memref<10112x128xf32, #tpu.memory_space<vmem_shared>> -> memref<128x128xf32, #tpu.memory_space<vmem_shared>>
      tpu.wait_dma2 semaphore(%run_scoped3A : memref<!tpu.dma_semaphore, #tpu.memory_space<semaphore_mem>>) src(%arg10 : memref<128x128xf32, #tpu.memory_space<vmem>>) dst(%dma_wait3A_97 : memref<128x128xf32, #tpu.memory_space<vmem_shared>>)
      tpu.yield
    }) : () -> ()
    %add3A_24 = arith.constant 384 : i32
    %add3A_25 = arith.addi %mul3A_2, %add3A_24 : i32
    "tpu.region"() ({
      %run_scoped3A = tpu.sem_alloc : memref<!tpu.dma_semaphore, #tpu.memory_space<semaphore_mem>>
      %dma_start3A_90 = arith.constant 0 : i32
      %dma_start3A_91 = tpu.memref_slice %arg12[%add3A_25, %dma_start3A_90] : memref<10112x128xf32, #tpu.memory_space<vmem_shared>> -> memref<128x128xf32, #tpu.memory_space<vmem_shared>>
      %dma_start3A_92 = arith.constant 0 : i32
      %dma_start3A_93 = tpu.memref_slice %arg12[%add3A_25, %dma_start3A_92] : memref<10112x128xf32, #tpu.memory_space<vmem_shared>> -> memref<128x128xf32, #tpu.memory_space<vmem_shared>>
      tpu.enqueue_dma source(%arg10 : memref<128x128xf32, #tpu.memory_space<vmem>>) target(%dma_start3A_93 : memref<128x128xf32, #tpu.memory_space<vmem_shared>>) target_semaphore(%run_scoped3A : memref<!tpu.dma_semaphore, #tpu.memory_space<semaphore_mem>>)
      %dma_wait3A_94 = arith.constant 0 : i32
      %dma_wait3A_95 = tpu.memref_slice %arg12[%add3A_25, %dma_wait3A_94] : memref<10112x128xf32, #tpu.memory_space<vmem_shared>> -> memref<128x128xf32, #tpu.memory_space<vmem_shared>>
      %dma_wait3A_96 = arith.constant 0 : i32
      %dma_wait3A_97 = tpu.memref_slice %arg12[%add3A_25, %dma_wait3A_96] : memref<10112x128xf32, #tpu.memory_space<vmem_shared>> -> memref<128x128xf32, #tpu.memory_space<vmem_shared>>
      tpu.wait_dma2 semaphore(%run_scoped3A : memref<!tpu.dma_semaphore, #tpu.memory_space<semaphore_mem>>) src(%arg10 : memref<128x128xf32, #tpu.memory_space<vmem>>) dst(%dma_wait3A_97 : memref<128x128xf32, #tpu.memory_space<vmem_shared>>)
      tpu.yield
    }) : () -> ()
    %add3A_26 = arith.constant 512 : i32
    %add3A_27 = arith.addi %mul3A_2, %add3A_26 : i32
    "tpu.region"() ({
      %run_scoped3A = tpu.sem_alloc : memref<!tpu.dma_semaphore, #tpu.memory_space<semaphore_mem>>
      %dma_start3A_90 = arith.constant 0 : i32
      %dma_start3A_91 = arith.constant 0 : i32
      %dma_start3A_92 = tpu.memref_slice %arg10[%dma_start3A_90, %dma_start3A_91] : memref<128x128xf32, #tpu.memory_space<vmem>> -> memref<120x128xf32, #tpu.memory_space<vmem>>
      %dma_start3A_93 = arith.constant 0 : i32
      %dma_start3A_94 = tpu.memref_slice %arg12[%add3A_27, %dma_start3A_93] : memref<10112x128xf32, #tpu.memory_space<vmem_shared>> -> memref<120x128xf32, #tpu.memory_space<vmem_shared>>
      %dma_start3A_95 = arith.constant 0 : i32
      %dma_start3A_96 = tpu.memref_slice %arg12[%add3A_27, %dma_start3A_95] : memref<10112x128xf32, #tpu.memory_space<vmem_shared>> -> memref<120x128xf32, #tpu.memory_space<vmem_shared>>
      %dma_start3A_97 = arith.constant 0 : i32
      %dma_start3A_98 = arith.constant 0 : i32
      %dma_start3A_99 = tpu.memref_slice %arg10[%dma_start3A_97, %dma_start3A_98] : memref<128x128xf32, #tpu.memory_space<vmem>> -> memref<120x128xf32, #tpu.memory_space<vmem>>
      tpu.enqueue_dma source(%dma_start3A_99 : memref<120x128xf32, #tpu.memory_space<vmem>>) target(%dma_start3A_96 : memref<120x128xf32, #tpu.memory_space<vmem_shared>>) target_semaphore(%run_scoped3A : memref<!tpu.dma_semaphore, #tpu.memory_space<semaphore_mem>>)
      %dma_wait3A_100 = arith.constant 0 : i32
      %dma_wait3A_101 = arith.constant 0 : i32
      %dma_wait3A_102 = tpu.memref_slice %arg10[%dma_wait3A_100, %dma_wait3A_101] : memref<128x128xf32, #tpu.memory_space<vmem>> -> memref<120x128xf32, #tpu.memory_space<vmem>>
      %dma_wait3A_103 = arith.constant 0 : i32
      %dma_wait3A_104 = tpu.memref_slice %arg12[%add3A_27, %dma_wait3A_103] : memref<10112x128xf32, #tpu.memory_space<vmem_shared>> -> memref<120x128xf32, #tpu.memory_space<vmem_shared>>
      %dma_wait3A_105 = arith.constant 0 : i32
      %dma_wait3A_106 = tpu.memref_slice %arg12[%add3A_27, %dma_wait3A_105] : memref<10112x128xf32, #tpu.memory_space<vmem_shared>> -> memref<120x128xf32, #tpu.memory_space<vmem_shared>>
      %dma_wait3A_107 = arith.constant 0 : i32
      %dma_wait3A_108 = arith.constant 0 : i32
      %dma_wait3A_109 = tpu.memref_slice %arg10[%dma_wait3A_107, %dma_wait3A_108] : memref<128x128xf32, #tpu.memory_space<vmem>> -> memref<120x128xf32, #tpu.memory_space<vmem>>
      tpu.wait_dma2 semaphore(%run_scoped3A : memref<!tpu.dma_semaphore, #tpu.memory_space<semaphore_mem>>) src(%dma_wait3A_109 : memref<120x128xf32, #tpu.memory_space<vmem>>) dst(%dma_wait3A_106 : memref<120x128xf32, #tpu.memory_space<vmem_shared>>)
      tpu.yield
    }) : () -> ()
    %broadcast_in_dim3A = arith.constant 1.000000e+00 : f32
    %broadcast_in_dim3A_28 = vector.broadcast %broadcast_in_dim3A : f32 to vector<16xf32>
    %broadcast_in_dim3A_29 = arith.constant 0.000000e+00 : f32
    %broadcast_in_dim3A_30 = vector.broadcast %broadcast_in_dim3A_29 : f32 to vector<16xf32>
    %scan3A = arith.constant 0 : i32
    %scan3A_31 = arith.constant 0 : i32
    %scan3A_32 = arith.constant 8 : i32
    %scan3A_33 = arith.addi %scan3A_31, %scan3A_32 : i32
    %scan3A_34 = arith.constant 1 : i32
    scf.for %scan3A_90 = %scan3A_31 to %scan3A_33 step %scan3A_34  : i32 {
      %mul3A_91 = arith.constant 16 : i32
      %mul3A_92 = arith.muli %scan3A_90, %mul3A_91 : i32
      %swap3A = arith.index_cast %mul3A_92 : i32 to index
      %swap3A_93 = tpu.vector_load %arg15[%swap3A] {strides = array<i32>} : memref<128xf32, #tpu.memory_space<vmem>>, vector<16xf32>,
      %swap3A_94 = vector.shape_cast %swap3A_93 : vector<16xf32> to vector<16xf32>
      %swap3A_95 = vector.shape_cast %broadcast_in_dim3A_28 : vector<16xf32> to vector<16xf32>
      tpu.vector_store %arg15[%swap3A], %swap3A_95 {strides = array<i32>} : memref<128xf32, #tpu.memory_space<vmem>>, vector<16xf32>,
    }
    %scan3A_35 = arith.constant 8 : i32
    %scan3A_36 = arith.constant 0 : i32
    %scan3A_37 = arith.constant 0 : i32
    %scan3A_38 = arith.constant 40 : i32
    %scan3A_39 = arith.addi %scan3A_37, %scan3A_38 : i32
    %scan3A_40 = arith.constant 1 : i32
    scf.for %scan3A_90 = %scan3A_37 to %scan3A_39 step %scan3A_40  : i32 {
      %mul3A_91 = arith.constant 16 : i32
      %mul3A_92 = arith.muli %scan3A_90, %mul3A_91 : i32
      %swap3A = arith.index_cast %mul3A_92 : i32 to index
      %swap3A_93 = tpu.vector_load %arg16[%swap3A] {strides = array<i32>} : memref<640xf32, #tpu.memory_space<vmem>>, vector<16xf32>,
      %swap3A_94 = vector.shape_cast %swap3A_93 : vector<16xf32> to vector<16xf32>
      %swap3A_95 = vector.shape_cast %broadcast_in_dim3A_30 : vector<16xf32> to vector<16xf32>
      tpu.vector_store %arg16[%swap3A], %swap3A_95 {strides = array<i32>} : memref<640xf32, #tpu.memory_space<vmem>>, vector<16xf32>,
    }
    %scan3A_41 = arith.constant 40 : i32
    %mul3A_42 = arith.constant 640 : i32
    %mul3A_43 = arith.muli %arg1, %mul3A_42 : i32
    "tpu.region"() ({
      %run_scoped3A = tpu.sem_alloc : memref<!tpu.dma_semaphore, #tpu.memory_space<semaphore_mem>>
      %dma_start3A_90 = tpu.memref_slice %arg17[%mul3A_43] : memref<10240xf32, #tpu.memory_space<vmem_shared>> -> memref<640xf32, #tpu.memory_space<vmem_shared>>
      %dma_start3A_91 = tpu.memref_slice %arg17[%mul3A_43] : memref<10240xf32, #tpu.memory_space<vmem_shared>> -> memref<640xf32, #tpu.memory_space<vmem_shared>>
      tpu.enqueue_dma source(%arg16 : memref<640xf32, #tpu.memory_space<vmem>>) target(%dma_start3A_91 : memref<640xf32, #tpu.memory_space<vmem_shared>>) target_semaphore(%run_scoped3A : memref<!tpu.dma_semaphore, #tpu.memory_space<semaphore_mem>>)
      %dma_wait3A_92 = tpu.memref_slice %arg17[%mul3A_43] : memref<10240xf32, #tpu.memory_space<vmem_shared>> -> memref<640xf32, #tpu.memory_space<vmem_shared>>
      %dma_wait3A_93 = tpu.memref_slice %arg17[%mul3A_43] : memref<10240xf32, #tpu.memory_space<vmem_shared>> -> memref<640xf32, #tpu.memory_space<vmem_shared>>
      tpu.wait_dma2 semaphore(%run_scoped3A : memref<!tpu.dma_semaphore, #tpu.memory_space<semaphore_mem>>) src(%arg16 : memref<640xf32, #tpu.memory_space<vmem>>) dst(%dma_wait3A_93 : memref<640xf32, #tpu.memory_space<vmem_shared>>)
      tpu.yield
    }) : () -> ()
    %barrier3A = arith.constant 0 : index
    tpu.barrier barrier_id(%barrier3A)
    %dma_wait3A = arith.constant 0 : i32
    %dma_wait3A_44 = arith.constant 0 : i32
    %dma_wait3A_45 = tpu.memref_slice %arg3[%add3A, %dma_wait3A, %dma_wait3A_44] : memref<32x80x128xi32, #tpu.memory_space<hbm>> -> memref<1x40x128xi32, #tpu.memory_space<hbm>>
    %dma_wait3A_46 = tpu.memref_squeeze %dma_wait3A_45 : memref<1x40x128xi32, #tpu.memory_space<hbm>> -> memref<40x128xi32, #tpu.memory_space<hbm>>
    %dma_wait3A_47 = arith.constant 0 : i32
    %dma_wait3A_48 = arith.constant 0 : i32
    %dma_wait3A_49 = tpu.memref_slice %arg3[%add3A, %dma_wait3A_47, %dma_wait3A_48] : memref<32x80x128xi32, #tpu.memory_space<hbm>> -> memref<1x40x128xi32, #tpu.memory_space<hbm>>
    %dma_wait3A_50 = tpu.memref_squeeze %dma_wait3A_49 : memref<1x40x128xi32, #tpu.memory_space<hbm>> -> memref<40x128xi32, #tpu.memory_space<hbm>>
    tpu.wait_dma2 semaphore(%arg14 : memref<!tpu.dma_semaphore, #tpu.memory_space<semaphore_mem>>) src(%dma_wait3A_50 : memref<40x128xi32, #tpu.memory_space<hbm>>) dst(%arg8 : memref<40x128xi32, #tpu.memory_space<vmem>>)
    %dma_wait3A_51 = arith.constant 0 : i32
    %dma_wait3A_52 = arith.constant 0 : i32
    %dma_wait3A_53 = tpu.memref_slice %arg4[%add3A, %dma_wait3A_51, %dma_wait3A_52] : memref<32x80x128xi32, #tpu.memory_space<hbm>> -> memref<1x40x128xi32, #tpu.memory_space<hbm>>
    %dma_wait3A_54 = tpu.memref_squeeze %dma_wait3A_53 : memref<1x40x128xi32, #tpu.memory_space<hbm>> -> memref<40x128xi32, #tpu.memory_space<hbm>>
    %dma_wait3A_55 = arith.constant 0 : i32
    %dma_wait3A_56 = arith.constant 0 : i32
    %dma_wait3A_57 = tpu.memref_slice %arg4[%add3A, %dma_wait3A_55, %dma_wait3A_56] : memref<32x80x128xi32, #tpu.memory_space<hbm>> -> memref<1x40x128xi32, #tpu.memory_space<hbm>>
    %dma_wait3A_58 = tpu.memref_squeeze %dma_wait3A_57 : memref<1x40x128xi32, #tpu.memory_space<hbm>> -> memref<40x128xi32, #tpu.memory_space<hbm>>
    tpu.wait_dma2 semaphore(%arg14 : memref<!tpu.dma_semaphore, #tpu.memory_space<semaphore_mem>>) src(%dma_wait3A_58 : memref<40x128xi32, #tpu.memory_space<hbm>>) dst(%arg9 : memref<40x128xi32, #tpu.memory_space<vmem>>)
    %dma_start3A_59 = arith.constant 0 : i32
    %dma_start3A_60 = arith.constant 0 : i32
    %dma_start3A_61 = tpu.memref_slice %arg8[%dma_start3A_59, %dma_start3A_60] : memref<40x128xi32, #tpu.memory_space<vmem>> -> memref<1x128xi32, #tpu.memory_space<vmem>>
    %dma_start3A_62 = tpu.memref_squeeze %dma_start3A_61 : memref<1x128xi32, #tpu.memory_space<vmem>> -> memref<128xi32, #tpu.memory_space<vmem>>
    %dma_start3A_63 = arith.constant 0 : i32
    %dma_start3A_64 = arith.constant 0 : i32
    %dma_start3A_65 = tpu.memref_slice %arg2[%dma_start3A_63, %dma_start3A_64] : memref<10000x128xf32, #tpu.memory_space<hbm>> -> memref<10000x128xf32, #tpu.memory_space<hbm>>
    tpu.enqueue_indirect_dma source(%dma_start3A_65 : memref<10000x128xf32, #tpu.memory_space<hbm>>) target(%arg10 : memref<128x128xf32, #tpu.memory_space<vmem>>) offsets(%dma_start3A_62 : memref<128xi32, #tpu.memory_space<vmem>>) semaphore(%arg13 : memref<!tpu.dma_semaphore, #tpu.memory_space<semaphore_mem>>)
    %scan3A_66 = arith.constant 0 : i32
    %scan3A_67 = arith.constant 0 : i32
    %scan3A_68 = arith.constant 20 : i32
    %scan3A_69 = arith.addi %scan3A_67, %scan3A_68 : i32
    %scan3A_70 = arith.constant 1 : i32
    scf.for %scan3A_90 = %scan3A_67 to %scan3A_69 step %scan3A_70  : i32 {
      %mul3A_91 = arith.constant 2 : i32
      %mul3A_92 = arith.muli %mul3A_91, %scan3A_90 : i32
      %add3A_93 = arith.constant 1 : i32
      %add3A_94 = arith.addi %mul3A_92, %add3A_93 : i32
      %dma_start3A_95 = arith.constant 0 : i32
      %dma_start3A_96 = tpu.memref_slice %arg8[%add3A_94, %dma_start3A_95] : memref<40x128xi32, #tpu.memory_space<vmem>> -> memref<1x128xi32, #tpu.memory_space<vmem>>
      %dma_start3A_97 = tpu.memref_squeeze %dma_start3A_96 : memref<1x128xi32, #tpu.memory_space<vmem>> -> memref<128xi32, #tpu.memory_space<vmem>>
      %dma_start3A_98 = arith.constant 0 : i32
      %dma_start3A_99 = arith.constant 0 : i32
      %dma_start3A_100 = tpu.memref_slice %arg2[%dma_start3A_98, %dma_start3A_99] : memref<10000x128xf32, #tpu.memory_space<hbm>> -> memref<10000x128xf32, #tpu.memory_space<hbm>>
      tpu.enqueue_indirect_dma source(%dma_start3A_100 : memref<10000x128xf32, #tpu.memory_space<hbm>>) target(%arg11 : memref<128x128xf32, #tpu.memory_space<vmem>>) offsets(%dma_start3A_97 : memref<128xi32, #tpu.memory_space<vmem>>) semaphore(%arg14 : memref<!tpu.dma_semaphore, #tpu.memory_space<semaphore_mem>>)
      %dma_wait3A_101 = arith.constant 0 : i32
      %dma_wait3A_102 = tpu.memref_slice %arg8[%mul3A_92, %dma_wait3A_101] : memref<40x128xi32, #tpu.memory_space<vmem>> -> memref<1x128xi32, #tpu.memory_space<vmem>>
      %dma_wait3A_103 = tpu.memref_squeeze %dma_wait3A_102 : memref<1x128xi32, #tpu.memory_space<vmem>> -> memref<128xi32, #tpu.memory_space<vmem>>
      %dma_wait3A_104 = arith.constant 0 : i32
      %dma_wait3A_105 = arith.constant 0 : i32
      %dma_wait3A_106 = tpu.memref_slice %arg2[%dma_wait3A_104, %dma_wait3A_105] : memref<10000x128xf32, #tpu.memory_space<hbm>> -> memref<10000x128xf32, #tpu.memory_space<hbm>>
      tpu.wait_indirect_dma semaphore(%arg13 : memref<!tpu.dma_semaphore, #tpu.memory_space<semaphore_mem>>) src(%dma_wait3A_106 : memref<10000x128xf32, #tpu.memory_space<hbm>>) dst(%arg10 : memref<128x128xf32, #tpu.memory_space<vmem>>)
      "tpu.region"() ({
        %run_scoped3A = tpu.sem_alloc : memref<!tpu.dma_semaphore, #tpu.memory_space<semaphore_mem>>
        %dma_start3A_123 = arith.constant 0 : i32
        %dma_start3A_124 = tpu.memref_slice %arg9[%mul3A_92, %dma_start3A_123] : memref<40x128xi32, #tpu.memory_space<vmem>> -> memref<1x128xi32, #tpu.memory_space<vmem>>
        %dma_start3A_125 = tpu.memref_squeeze %dma_start3A_124 : memref<1x128xi32, #tpu.memory_space<vmem>> -> memref<128xi32, #tpu.memory_space<vmem>>
        %dma_start3A_126 = arith.constant 0 : i32
        %dma_start3A_127 = arith.constant 0 : i32
        %dma_start3A_128 = tpu.memref_slice %arg12[%dma_start3A_126, %dma_start3A_127] : memref<10112x128xf32, #tpu.memory_space<vmem_shared>> -> memref<10112x128xf32, #tpu.memory_space<vmem_shared>>
        tpu.enqueue_indirect_dma source(%arg10 : memref<128x128xf32, #tpu.memory_space<vmem>>) target(%dma_start3A_128 : memref<10112x128xf32, #tpu.memory_space<vmem_shared>>) offsets(%dma_start3A_125 : memref<128xi32, #tpu.memory_space<vmem>>) semaphore(%run_scoped3A : memref<!tpu.dma_semaphore, #tpu.memory_space<semaphore_mem>>) {add = true}
        %dma_wait3A_129 = arith.constant 0 : i32
        %dma_wait3A_130 = tpu.memref_slice %arg9[%mul3A_92, %dma_wait3A_129] : memref<40x128xi32, #tpu.memory_space<vmem>> -> memref<1x128xi32, #tpu.memory_space<vmem>>
        %dma_wait3A_131 = tpu.memref_squeeze %dma_wait3A_130 : memref<1x128xi32, #tpu.memory_space<vmem>> -> memref<128xi32, #tpu.memory_space<vmem>>
        %dma_wait3A_132 = arith.constant 0 : i32
        %dma_wait3A_133 = arith.constant 0 : i32
        %dma_wait3A_134 = tpu.memref_slice %arg12[%dma_wait3A_132, %dma_wait3A_133] : memref<10112x128xf32, #tpu.memory_space<vmem_shared>> -> memref<10112x128xf32, #tpu.memory_space<vmem_shared>>
        tpu.wait_indirect_dma semaphore(%run_scoped3A : memref<!tpu.dma_semaphore, #tpu.memory_space<semaphore_mem>>) src(%arg10 : memref<128x128xf32, #tpu.memory_space<vmem>>) dst(%dma_wait3A_134 : memref<10112x128xf32, #tpu.memory_space<vmem_shared>>)
        tpu.yield
      }) : () -> ()
      "tpu.region"() ({
        %run_scoped3A = tpu.sem_alloc : memref<!tpu.dma_semaphore, #tpu.memory_space<semaphore_mem>>
        %dma_start3A_123 = arith.constant 0 : i32
        %dma_start3A_124 = tpu.memref_slice %arg9[%mul3A_92, %dma_start3A_123] : memref<40x128xi32, #tpu.memory_space<vmem>> -> memref<1x128xi32, #tpu.memory_space<vmem>>
        %dma_start3A_125 = tpu.memref_squeeze %dma_start3A_124 : memref<1x128xi32, #tpu.memory_space<vmem>> -> memref<128xi32, #tpu.memory_space<vmem>>
        %dma_start3A_126 = arith.constant 0 : i32
        %dma_start3A_127 = tpu.memref_slice %arg17[%dma_start3A_126] : memref<10240xf32, #tpu.memory_space<vmem_shared>> -> memref<10240xf32, #tpu.memory_space<vmem_shared>>
        tpu.enqueue_indirect_dma source(%arg15 : memref<128xf32, #tpu.memory_space<vmem>>) target(%dma_start3A_127 : memref<10240xf32, #tpu.memory_space<vmem_shared>>) offsets(%dma_start3A_125 : memref<128xi32, #tpu.memory_space<vmem>>) semaphore(%run_scoped3A : memref<!tpu.dma_semaphore, #tpu.memory_space<semaphore_mem>>) {add = true}
        %dma_wait3A_128 = arith.constant 0 : i32
        %dma_wait3A_129 = tpu.memref_slice %arg9[%mul3A_92, %dma_wait3A_128] : memref<40x128xi32, #tpu.memory_space<vmem>> -> memref<1x128xi32, #tpu.memory_space<vmem>>
        %dma_wait3A_130 = tpu.memref_squeeze %dma_wait3A_129 : memref<1x128xi32, #tpu.memory_space<vmem>> -> memref<128xi32, #tpu.memory_space<vmem>>
        %dma_wait3A_131 = arith.constant 0 : i32
        %dma_wait3A_132 = tpu.memref_slice %arg17[%dma_wait3A_131] : memref<10240xf32, #tpu.memory_space<vmem_shared>> -> memref<10240xf32, #tpu.memory_space<vmem_shared>>
        tpu.wait_indirect_dma semaphore(%run_scoped3A : memref<!tpu.dma_semaphore, #tpu.memory_space<semaphore_mem>>) src(%arg15 : memref<128xf32, #tpu.memory_space<vmem>>) dst(%dma_wait3A_132 : memref<10240xf32, #tpu.memory_space<vmem_shared>>)
        tpu.yield
      }) : () -> ()
      %add3A_107 = arith.constant 2 : i32
      %add3A_108 = arith.addi %mul3A_92, %add3A_107 : i32
      %lt3A = arith.constant 40 : i32
      %lt3A_109 = arith.cmpi slt, %add3A_108, %lt3A : i32
      %convert_element_type3A = arith.extui %lt3A_109 : i1 to i32
      %cond3A = arith.constant 0 : i32
      %cond3A_110 = arith.cmpi ne, %convert_element_type3A, %cond3A : i32
      scf.if %cond3A_110 {
        %add3A_123 = arith.constant 2 : i32
        %add3A_124 = arith.addi %mul3A_92, %add3A_123 : i32
        %dma_start3A_125 = arith.constant 0 : i32
        %dma_start3A_126 = tpu.memref_slice %arg8[%add3A_124, %dma_start3A_125] : memref<40x128xi32, #tpu.memory_space<vmem>> -> memref<1x128xi32, #tpu.memory_space<vmem>>
        %dma_start3A_127 = tpu.memref_squeeze %dma_start3A_126 : memref<1x128xi32, #tpu.memory_space<vmem>> -> memref<128xi32, #tpu.memory_space<vmem>>
        %dma_start3A_128 = arith.constant 0 : i32
        %dma_start3A_129 = arith.constant 0 : i32
        %dma_start3A_130 = tpu.memref_slice %arg2[%dma_start3A_128, %dma_start3A_129] : memref<10000x128xf32, #tpu.memory_space<hbm>> -> memref<10000x128xf32, #tpu.memory_space<hbm>>
        tpu.enqueue_indirect_dma source(%dma_start3A_130 : memref<10000x128xf32, #tpu.memory_space<hbm>>) target(%arg10 : memref<128x128xf32, #tpu.memory_space<vmem>>) offsets(%dma_start3A_127 : memref<128xi32, #tpu.memory_space<vmem>>) semaphore(%arg13 : memref<!tpu.dma_semaphore, #tpu.memory_space<semaphore_mem>>)
      } else {
      }
      %add3A_111 = arith.constant 1 : i32
      %add3A_112 = arith.addi %mul3A_92, %add3A_111 : i32
      %dma_wait3A_113 = arith.constant 0 : i32
      %dma_wait3A_114 = tpu.memref_slice %arg8[%add3A_112, %dma_wait3A_113] : memref<40x128xi32, #tpu.memory_space<vmem>> -> memref<1x128xi32, #tpu.memory_space<vmem>>
      %dma_wait3A_115 = tpu.memref_squeeze %dma_wait3A_114 : memref<1x128xi32, #tpu.memory_space<vmem>> -> memref<128xi32, #tpu.memory_space<vmem>>
      %dma_wait3A_116 = arith.constant 0 : i32
      %dma_wait3A_117 = arith.constant 0 : i32
      %dma_wait3A_118 = tpu.memref_slice %arg2[%dma_wait3A_116, %dma_wait3A_117] : memref<10000x128xf32, #tpu.memory_space<hbm>> -> memref<10000x128xf32, #tpu.memory_space<hbm>>
      tpu.wait_indirect_dma semaphore(%arg14 : memref<!tpu.dma_semaphore, #tpu.memory_space<semaphore_mem>>) src(%dma_wait3A_118 : memref<10000x128xf32, #tpu.memory_space<hbm>>) dst(%arg11 : memref<128x128xf32, #tpu.memory_space<vmem>>)
      %add3A_119 = arith.constant 1 : i32
      %add3A_120 = arith.addi %mul3A_92, %add3A_119 : i32
      "tpu.region"() ({
        %run_scoped3A = tpu.sem_alloc : memref<!tpu.dma_semaphore, #tpu.memory_space<semaphore_mem>>
        %dma_start3A_123 = arith.constant 0 : i32
        %dma_start3A_124 = tpu.memref_slice %arg9[%add3A_120, %dma_start3A_123] : memref<40x128xi32, #tpu.memory_space<vmem>> -> memref<1x128xi32, #tpu.memory_space<vmem>>
        %dma_start3A_125 = tpu.memref_squeeze %dma_start3A_124 : memref<1x128xi32, #tpu.memory_space<vmem>> -> memref<128xi32, #tpu.memory_space<vmem>>
        %dma_start3A_126 = arith.constant 0 : i32
        %dma_start3A_127 = arith.constant 0 : i32
        %dma_start3A_128 = tpu.memref_slice %arg12[%dma_start3A_126, %dma_start3A_127] : memref<10112x128xf32, #tpu.memory_space<vmem_shared>> -> memref<10112x128xf32, #tpu.memory_space<vmem_shared>>
        tpu.enqueue_indirect_dma source(%arg11 : memref<128x128xf32, #tpu.memory_space<vmem>>) target(%dma_start3A_128 : memref<10112x128xf32, #tpu.memory_space<vmem_shared>>) offsets(%dma_start3A_125 : memref<128xi32, #tpu.memory_space<vmem>>) semaphore(%run_scoped3A : memref<!tpu.dma_semaphore, #tpu.memory_space<semaphore_mem>>) {add = true}
        %dma_wait3A_129 = arith.constant 0 : i32
        %dma_wait3A_130 = tpu.memref_slice %arg9[%add3A_120, %dma_wait3A_129] : memref<40x128xi32, #tpu.memory_space<vmem>> -> memref<1x128xi32, #tpu.memory_space<vmem>>
        %dma_wait3A_131 = tpu.memref_squeeze %dma_wait3A_130 : memref<1x128xi32, #tpu.memory_space<vmem>> -> memref<128xi32, #tpu.memory_space<vmem>>
        %dma_wait3A_132 = arith.constant 0 : i32
        %dma_wait3A_133 = arith.constant 0 : i32
        %dma_wait3A_134 = tpu.memref_slice %arg12[%dma_wait3A_132, %dma_wait3A_133] : memref<10112x128xf32, #tpu.memory_space<vmem_shared>> -> memref<10112x128xf32, #tpu.memory_space<vmem_shared>>
        tpu.wait_indirect_dma semaphore(%run_scoped3A : memref<!tpu.dma_semaphore, #tpu.memory_space<semaphore_mem>>) src(%arg11 : memref<128x128xf32, #tpu.memory_space<vmem>>) dst(%dma_wait3A_134 : memref<10112x128xf32, #tpu.memory_space<vmem_shared>>)
        tpu.yield
      }) : () -> ()
      %add3A_121 = arith.constant 1 : i32
      %add3A_122 = arith.addi %mul3A_92, %add3A_121 : i32
      "tpu.region"() ({
        %run_scoped3A = tpu.sem_alloc : memref<!tpu.dma_semaphore, #tpu.memory_space<semaphore_mem>>
        %dma_start3A_123 = arith.constant 0 : i32
        %dma_start3A_124 = tpu.memref_slice %arg9[%add3A_122, %dma_start3A_123] : memref<40x128xi32, #tpu.memory_space<vmem>> -> memref<1x128xi32, #tpu.memory_space<vmem>>
        %dma_start3A_125 = tpu.memref_squeeze %dma_start3A_124 : memref<1x128xi32, #tpu.memory_space<vmem>> -> memref<128xi32, #tpu.memory_space<vmem>>
        %dma_start3A_126 = arith.constant 0 : i32
        %dma_start3A_127 = tpu.memref_slice %arg17[%dma_start3A_126] : memref<10240xf32, #tpu.memory_space<vmem_shared>> -> memref<10240xf32, #tpu.memory_space<vmem_shared>>
        tpu.enqueue_indirect_dma source(%arg15 : memref<128xf32, #tpu.memory_space<vmem>>) target(%dma_start3A_127 : memref<10240xf32, #tpu.memory_space<vmem_shared>>) offsets(%dma_start3A_125 : memref<128xi32, #tpu.memory_space<vmem>>) semaphore(%run_scoped3A : memref<!tpu.dma_semaphore, #tpu.memory_space<semaphore_mem>>) {add = true}
        %dma_wait3A_128 = arith.constant 0 : i32
        %dma_wait3A_129 = tpu.memref_slice %arg9[%add3A_122, %dma_wait3A_128] : memref<40x128xi32, #tpu.memory_space<vmem>> -> memref<1x128xi32, #tpu.memory_space<vmem>>
        %dma_wait3A_130 = tpu.memref_squeeze %dma_wait3A_129 : memref<1x128xi32, #tpu.memory_space<vmem>> -> memref<128xi32, #tpu.memory_space<vmem>>
        %dma_wait3A_131 = arith.constant 0 : i32
        %dma_wait3A_132 = tpu.memref_slice %arg17[%dma_wait3A_131] : memref<10240xf32, #tpu.memory_space<vmem_shared>> -> memref<10240xf32, #tpu.memory_space<vmem_shared>>
        tpu.wait_indirect_dma semaphore(%run_scoped3A : memref<!tpu.dma_semaphore, #tpu.memory_space<semaphore_mem>>) src(%arg15 : memref<128xf32, #tpu.memory_space<vmem>>) dst(%dma_wait3A_132 : memref<10240xf32, #tpu.memory_space<vmem_shared>>)
        tpu.yield
      }) : () -> ()
    }
    %scan3A_71 = arith.constant 20 : i32
    "tpu.region"() ({
      %run_scoped3A = tpu.sem_alloc : memref<!tpu.dma_semaphore, #tpu.memory_space<semaphore_mem>>
      %dma_start3A_90 = arith.constant 40 : i32
      %dma_start3A_91 = arith.constant 0 : i32
      %dma_start3A_92 = tpu.memref_slice %arg3[%add3A, %dma_start3A_90, %dma_start3A_91] : memref<32x80x128xi32, #tpu.memory_space<hbm>> -> memref<1x40x128xi32, #tpu.memory_space<hbm>>
      %dma_start3A_93 = tpu.memref_squeeze %dma_start3A_92 : memref<1x40x128xi32, #tpu.memory_space<hbm>> -> memref<40x128xi32, #tpu.memory_space<hbm>>
      %dma_start3A_94 = arith.constant 40 : i32
      %dma_start3A_95 = arith.constant 0 : i32
      %dma_start3A_96 = tpu.memref_slice %arg3[%add3A, %dma_start3A_94, %dma_start3A_95] : memref<32x80x128xi32, #tpu.memory_space<hbm>> -> memref<1x40x128xi32, #tpu.memory_space<hbm>>
      %dma_start3A_97 = tpu.memref_squeeze %dma_start3A_96 : memref<1x40x128xi32, #tpu.memory_space<hbm>> -> memref<40x128xi32, #tpu.memory_space<hbm>>
      tpu.enqueue_dma source(%dma_start3A_97 : memref<40x128xi32, #tpu.memory_space<hbm>>) target(%arg8 : memref<40x128xi32, #tpu.memory_space<vmem>>) target_semaphore(%run_scoped3A : memref<!tpu.dma_semaphore, #tpu.memory_space<semaphore_mem>>)
      %dma_wait3A_98 = arith.constant 40 : i32
      %dma_wait3A_99 = arith.constant 0 : i32
      %dma_wait3A_100 = tpu.memref_slice %arg3[%add3A, %dma_wait3A_98, %dma_wait3A_99] : memref<32x80x128xi32, #tpu.memory_space<hbm>> -> memref<1x40x128xi32, #tpu.memory_space<hbm>>
      %dma_wait3A_101 = tpu.memref_squeeze %dma_wait3A_100 : memref<1x40x128xi32, #tpu.memory_space<hbm>> -> memref<40x128xi32, #tpu.memory_space<hbm>>
      %dma_wait3A_102 = arith.constant 40 : i32
      %dma_wait3A_103 = arith.constant 0 : i32
      %dma_wait3A_104 = tpu.memref_slice %arg3[%add3A, %dma_wait3A_102, %dma_wait3A_103] : memref<32x80x128xi32, #tpu.memory_space<hbm>> -> memref<1x40x128xi32, #tpu.memory_space<hbm>>
      %dma_wait3A_105 = tpu.memref_squeeze %dma_wait3A_104 : memref<1x40x128xi32, #tpu.memory_space<hbm>> -> memref<40x128xi32, #tpu.memory_space<hbm>>
      tpu.wait_dma2 semaphore(%run_scoped3A : memref<!tpu.dma_semaphore, #tpu.memory_space<semaphore_mem>>) src(%dma_wait3A_105 : memref<40x128xi32, #tpu.memory_space<hbm>>) dst(%arg8 : memref<40x128xi32, #tpu.memory_space<vmem>>)
      tpu.yield
    }) : () -> ()
    "tpu.region"() ({
      %run_scoped3A = tpu.sem_alloc : memref<!tpu.dma_semaphore, #tpu.memory_space<semaphore_mem>>
      %dma_start3A_90 = arith.constant 40 : i32
      %dma_start3A_91 = arith.constant 0 : i32
      %dma_start3A_92 = tpu.memref_slice %arg4[%add3A, %dma_start3A_90, %dma_start3A_91] : memref<32x80x128xi32, #tpu.memory_space<hbm>> -> memref<1x40x128xi32, #tpu.memory_space<hbm>>
      %dma_start3A_93 = tpu.memref_squeeze %dma_start3A_92 : memref<1x40x128xi32, #tpu.memory_space<hbm>> -> memref<40x128xi32, #tpu.memory_space<hbm>>
      %dma_start3A_94 = arith.constant 40 : i32
      %dma_start3A_95 = arith.constant 0 : i32
      %dma_start3A_96 = tpu.memref_slice %arg4[%add3A, %dma_start3A_94, %dma_start3A_95] : memref<32x80x128xi32, #tpu.memory_space<hbm>> -> memref<1x40x128xi32, #tpu.memory_space<hbm>>
      %dma_start3A_97 = tpu.memref_squeeze %dma_start3A_96 : memref<1x40x128xi32, #tpu.memory_space<hbm>> -> memref<40x128xi32, #tpu.memory_space<hbm>>
      tpu.enqueue_dma source(%dma_start3A_97 : memref<40x128xi32, #tpu.memory_space<hbm>>) target(%arg9 : memref<40x128xi32, #tpu.memory_space<vmem>>) target_semaphore(%run_scoped3A : memref<!tpu.dma_semaphore, #tpu.memory_space<semaphore_mem>>)
      %dma_wait3A_98 = arith.constant 40 : i32
      %dma_wait3A_99 = arith.constant 0 : i32
      %dma_wait3A_100 = tpu.memref_slice %arg4[%add3A, %dma_wait3A_98, %dma_wait3A_99] : memref<32x80x128xi32, #tpu.memory_space<hbm>> -> memref<1x40x128xi32, #tpu.memory_space<hbm>>
      %dma_wait3A_101 = tpu.memref_squeeze %dma_wait3A_100 : memref<1x40x128xi32, #tpu.memory_space<hbm>> -> memref<40x128xi32, #tpu.memory_space<hbm>>
      %dma_wait3A_102 = arith.constant 40 : i32
      %dma_wait3A_103 = arith.constant 0 : i32
      %dma_wait3A_104 = tpu.memref_slice %arg4[%add3A, %dma_wait3A_102, %dma_wait3A_103] : memref<32x80x128xi32, #tpu.memory_space<hbm>> -> memref<1x40x128xi32, #tpu.memory_space<hbm>>
      %dma_wait3A_105 = tpu.memref_squeeze %dma_wait3A_104 : memref<1x40x128xi32, #tpu.memory_space<hbm>> -> memref<40x128xi32, #tpu.memory_space<hbm>>
      tpu.wait_dma2 semaphore(%run_scoped3A : memref<!tpu.dma_semaphore, #tpu.memory_space<semaphore_mem>>) src(%dma_wait3A_105 : memref<40x128xi32, #tpu.memory_space<hbm>>) dst(%arg9 : memref<40x128xi32, #tpu.memory_space<vmem>>)
      tpu.yield
    }) : () -> ()
    %dma_start3A_72 = arith.constant 0 : i32
    %dma_start3A_73 = arith.constant 0 : i32
    %dma_start3A_74 = tpu.memref_slice %arg8[%dma_start3A_72, %dma_start3A_73] : memref<40x128xi32, #tpu.memory_space<vmem>> -> memref<1x128xi32, #tpu.memory_space<vmem>>
    %dma_start3A_75 = tpu.memref_squeeze %dma_start3A_74 : memref<1x128xi32, #tpu.memory_space<vmem>> -> memref<128xi32, #tpu.memory_space<vmem>>
    %dma_start3A_76 = arith.constant 0 : i32
    %dma_start3A_77 = arith.constant 0 : i32
    %dma_start3A_78 = tpu.memref_slice %arg2[%dma_start3A_76, %dma_start3A_77] : memref<10000x128xf32, #tpu.memory_space<hbm>> -> memref<10000x128xf32, #tpu.memory_space<hbm>>
    tpu.enqueue_indirect_dma source(%dma_start3A_78 : memref<10000x128xf32, #tpu.memory_space<hbm>>) target(%arg10 : memref<128x128xf32, #tpu.memory_space<vmem>>) offsets(%dma_start3A_75 : memref<128xi32, #tpu.memory_space<vmem>>) semaphore(%arg13 : memref<!tpu.dma_semaphore, #tpu.memory_space<semaphore_mem>>)
    %scan3A_79 = arith.constant 0 : i32
    %scan3A_80 = arith.constant 0 : i32
    %scan3A_81 = arith.constant 20 : i32
    %scan3A_82 = arith.addi %scan3A_80, %scan3A_81 : i32
    %scan3A_83 = arith.constant 1 : i32
    scf.for %scan3A_90 = %scan3A_80 to %scan3A_82 step %scan3A_83  : i32 {
      %mul3A_91 = arith.constant 2 : i32
      %mul3A_92 = arith.muli %mul3A_91, %scan3A_90 : i32
      %add3A_93 = arith.constant 1 : i32
      %add3A_94 = arith.addi %mul3A_92, %add3A_93 : i32
      %dma_start3A_95 = arith.constant 0 : i32
      %dma_start3A_96 = tpu.memref_slice %arg8[%add3A_94, %dma_start3A_95] : memref<40x128xi32, #tpu.memory_space<vmem>> -> memref<1x128xi32, #tpu.memory_space<vmem>>
      %dma_start3A_97 = tpu.memref_squeeze %dma_start3A_96 : memref<1x128xi32, #tpu.memory_space<vmem>> -> memref<128xi32, #tpu.memory_space<vmem>>
      %dma_start3A_98 = arith.constant 0 : i32
      %dma_start3A_99 = arith.constant 0 : i32
      %dma_start3A_100 = tpu.memref_slice %arg2[%dma_start3A_98, %dma_start3A_99] : memref<10000x128xf32, #tpu.memory_space<hbm>> -> memref<10000x128xf32, #tpu.memory_space<hbm>>
      tpu.enqueue_indirect_dma source(%dma_start3A_100 : memref<10000x128xf32, #tpu.memory_space<hbm>>) target(%arg11 : memref<128x128xf32, #tpu.memory_space<vmem>>) offsets(%dma_start3A_97 : memref<128xi32, #tpu.memory_space<vmem>>) semaphore(%arg14 : memref<!tpu.dma_semaphore, #tpu.memory_space<semaphore_mem>>)
      %dma_wait3A_101 = arith.constant 0 : i32
      %dma_wait3A_102 = tpu.memref_slice %arg8[%mul3A_92, %dma_wait3A_101] : memref<40x128xi32, #tpu.memory_space<vmem>> -> memref<1x128xi32, #tpu.memory_space<vmem>>
      %dma_wait3A_103 = tpu.memref_squeeze %dma_wait3A_102 : memref<1x128xi32, #tpu.memory_space<vmem>> -> memref<128xi32, #tpu.memory_space<vmem>>
      %dma_wait3A_104 = arith.constant 0 : i32
      %dma_wait3A_105 = arith.constant 0 : i32
      %dma_wait3A_106 = tpu.memref_slice %arg2[%dma_wait3A_104, %dma_wait3A_105] : memref<10000x128xf32, #tpu.memory_space<hbm>> -> memref<10000x128xf32, #tpu.memory_space<hbm>>
      tpu.wait_indirect_dma semaphore(%arg13 : memref<!tpu.dma_semaphore, #tpu.memory_space<semaphore_mem>>) src(%dma_wait3A_106 : memref<10000x128xf32, #tpu.memory_space<hbm>>) dst(%arg10 : memref<128x128xf32, #tpu.memory_space<vmem>>)
      "tpu.region"() ({
        %run_scoped3A = tpu.sem_alloc : memref<!tpu.dma_semaphore, #tpu.memory_space<semaphore_mem>>
        %dma_start3A_123 = arith.constant 0 : i32
        %dma_start3A_124 = tpu.memref_slice %arg9[%mul3A_92, %dma_start3A_123] : memref<40x128xi32, #tpu.memory_space<vmem>> -> memref<1x128xi32, #tpu.memory_space<vmem>>
        %dma_start3A_125 = tpu.memref_squeeze %dma_start3A_124 : memref<1x128xi32, #tpu.memory_space<vmem>> -> memref<128xi32, #tpu.memory_space<vmem>>
        %dma_start3A_126 = arith.constant 0 : i32
        %dma_start3A_127 = arith.constant 0 : i32
        %dma_start3A_128 = tpu.memref_slice %arg12[%dma_start3A_126, %dma_start3A_127] : memref<10112x128xf32, #tpu.memory_space<vmem_shared>> -> memref<10112x128xf32, #tpu.memory_space<vmem_shared>>
        tpu.enqueue_indirect_dma source(%arg10 : memref<128x128xf32, #tpu.memory_space<vmem>>) target(%dma_start3A_128 : memref<10112x128xf32, #tpu.memory_space<vmem_shared>>) offsets(%dma_start3A_125 : memref<128xi32, #tpu.memory_space<vmem>>) semaphore(%run_scoped3A : memref<!tpu.dma_semaphore, #tpu.memory_space<semaphore_mem>>) {add = true}
        %dma_wait3A_129 = arith.constant 0 : i32
        %dma_wait3A_130 = tpu.memref_slice %arg9[%mul3A_92, %dma_wait3A_129] : memref<40x128xi32, #tpu.memory_space<vmem>> -> memref<1x128xi32, #tpu.memory_space<vmem>>
        %dma_wait3A_131 = tpu.memref_squeeze %dma_wait3A_130 : memref<1x128xi32, #tpu.memory_space<vmem>> -> memref<128xi32, #tpu.memory_space<vmem>>
        %dma_wait3A_132 = arith.constant 0 : i32
        %dma_wait3A_133 = arith.constant 0 : i32
        %dma_wait3A_134 = tpu.memref_slice %arg12[%dma_wait3A_132, %dma_wait3A_133] : memref<10112x128xf32, #tpu.memory_space<vmem_shared>> -> memref<10112x128xf32, #tpu.memory_space<vmem_shared>>
        tpu.wait_indirect_dma semaphore(%run_scoped3A : memref<!tpu.dma_semaphore, #tpu.memory_space<semaphore_mem>>) src(%arg10 : memref<128x128xf32, #tpu.memory_space<vmem>>) dst(%dma_wait3A_134 : memref<10112x128xf32, #tpu.memory_space<vmem_shared>>)
        tpu.yield
      }) : () -> ()
      "tpu.region"() ({
        %run_scoped3A = tpu.sem_alloc : memref<!tpu.dma_semaphore, #tpu.memory_space<semaphore_mem>>
        %dma_start3A_123 = arith.constant 0 : i32
        %dma_start3A_124 = tpu.memref_slice %arg9[%mul3A_92, %dma_start3A_123] : memref<40x128xi32, #tpu.memory_space<vmem>> -> memref<1x128xi32, #tpu.memory_space<vmem>>
        %dma_start3A_125 = tpu.memref_squeeze %dma_start3A_124 : memref<1x128xi32, #tpu.memory_space<vmem>> -> memref<128xi32, #tpu.memory_space<vmem>>
        %dma_start3A_126 = arith.constant 0 : i32
        %dma_start3A_127 = tpu.memref_slice %arg17[%dma_start3A_126] : memref<10240xf32, #tpu.memory_space<vmem_shared>> -> memref<10240xf32, #tpu.memory_space<vmem_shared>>
        tpu.enqueue_indirect_dma source(%arg15 : memref<128xf32, #tpu.memory_space<vmem>>) target(%dma_start3A_127 : memref<10240xf32, #tpu.memory_space<vmem_shared>>) offsets(%dma_start3A_125 : memref<128xi32, #tpu.memory_space<vmem>>) semaphore(%run_scoped3A : memref<!tpu.dma_semaphore, #tpu.memory_space<semaphore_mem>>) {add = true}
        %dma_wait3A_128 = arith.constant 0 : i32
        %dma_wait3A_129 = tpu.memref_slice %arg9[%mul3A_92, %dma_wait3A_128] : memref<40x128xi32, #tpu.memory_space<vmem>> -> memref<1x128xi32, #tpu.memory_space<vmem>>
        %dma_wait3A_130 = tpu.memref_squeeze %dma_wait3A_129 : memref<1x128xi32, #tpu.memory_space<vmem>> -> memref<128xi32, #tpu.memory_space<vmem>>
        %dma_wait3A_131 = arith.constant 0 : i32
        %dma_wait3A_132 = tpu.memref_slice %arg17[%dma_wait3A_131] : memref<10240xf32, #tpu.memory_space<vmem_shared>> -> memref<10240xf32, #tpu.memory_space<vmem_shared>>
        tpu.wait_indirect_dma semaphore(%run_scoped3A : memref<!tpu.dma_semaphore, #tpu.memory_space<semaphore_mem>>) src(%arg15 : memref<128xf32, #tpu.memory_space<vmem>>) dst(%dma_wait3A_132 : memref<10240xf32, #tpu.memory_space<vmem_shared>>)
        tpu.yield
      }) : () -> ()
      %add3A_107 = arith.constant 2 : i32
      %add3A_108 = arith.addi %mul3A_92, %add3A_107 : i32
      %lt3A = arith.constant 40 : i32
      %lt3A_109 = arith.cmpi slt, %add3A_108, %lt3A : i32
      %convert_element_type3A = arith.extui %lt3A_109 : i1 to i32
      %cond3A = arith.constant 0 : i32
      %cond3A_110 = arith.cmpi ne, %convert_element_type3A, %cond3A : i32
      scf.if %cond3A_110 {
        %add3A_123 = arith.constant 2 : i32
        %add3A_124 = arith.addi %mul3A_92, %add3A_123 : i32
        %dma_start3A_125 = arith.constant 0 : i32
        %dma_start3A_126 = tpu.memref_slice %arg8[%add3A_124, %dma_start3A_125] : memref<40x128xi32, #tpu.memory_space<vmem>> -> memref<1x128xi32, #tpu.memory_space<vmem>>
        %dma_start3A_127 = tpu.memref_squeeze %dma_start3A_126 : memref<1x128xi32, #tpu.memory_space<vmem>> -> memref<128xi32, #tpu.memory_space<vmem>>
        %dma_start3A_128 = arith.constant 0 : i32
        %dma_start3A_129 = arith.constant 0 : i32
        %dma_start3A_130 = tpu.memref_slice %arg2[%dma_start3A_128, %dma_start3A_129] : memref<10000x128xf32, #tpu.memory_space<hbm>> -> memref<10000x128xf32, #tpu.memory_space<hbm>>
        tpu.enqueue_indirect_dma source(%dma_start3A_130 : memref<10000x128xf32, #tpu.memory_space<hbm>>) target(%arg10 : memref<128x128xf32, #tpu.memory_space<vmem>>) offsets(%dma_start3A_127 : memref<128xi32, #tpu.memory_space<vmem>>) semaphore(%arg13 : memref<!tpu.dma_semaphore, #tpu.memory_space<semaphore_mem>>)
      } else {
      }
      %add3A_111 = arith.constant 1 : i32
      %add3A_112 = arith.addi %mul3A_92, %add3A_111 : i32
      %dma_wait3A_113 = arith.constant 0 : i32
      %dma_wait3A_114 = tpu.memref_slice %arg8[%add3A_112, %dma_wait3A_113] : memref<40x128xi32, #tpu.memory_space<vmem>> -> memref<1x128xi32, #tpu.memory_space<vmem>>
      %dma_wait3A_115 = tpu.memref_squeeze %dma_wait3A_114 : memref<1x128xi32, #tpu.memory_space<vmem>> -> memref<128xi32, #tpu.memory_space<vmem>>
      %dma_wait3A_116 = arith.constant 0 : i32
      %dma_wait3A_117 = arith.constant 0 : i32
      %dma_wait3A_118 = tpu.memref_slice %arg2[%dma_wait3A_116, %dma_wait3A_117] : memref<10000x128xf32, #tpu.memory_space<hbm>> -> memref<10000x128xf32, #tpu.memory_space<hbm>>
      tpu.wait_indirect_dma semaphore(%arg14 : memref<!tpu.dma_semaphore, #tpu.memory_space<semaphore_mem>>) src(%dma_wait3A_118 : memref<10000x128xf32, #tpu.memory_space<hbm>>) dst(%arg11 : memref<128x128xf32, #tpu.memory_space<vmem>>)
      %add3A_119 = arith.constant 1 : i32
      %add3A_120 = arith.addi %mul3A_92, %add3A_119 : i32
      "tpu.region"() ({
        %run_scoped3A = tpu.sem_alloc : memref<!tpu.dma_semaphore, #tpu.memory_space<semaphore_mem>>
        %dma_start3A_123 = arith.constant 0 : i32
        %dma_start3A_124 = tpu.memref_slice %arg9[%add3A_120, %dma_start3A_123] : memref<40x128xi32, #tpu.memory_space<vmem>> -> memref<1x128xi32, #tpu.memory_space<vmem>>
        %dma_start3A_125 = tpu.memref_squeeze %dma_start3A_124 : memref<1x128xi32, #tpu.memory_space<vmem>> -> memref<128xi32, #tpu.memory_space<vmem>>
        %dma_start3A_126 = arith.constant 0 : i32
        %dma_start3A_127 = arith.constant 0 : i32
        %dma_start3A_128 = tpu.memref_slice %arg12[%dma_start3A_126, %dma_start3A_127] : memref<10112x128xf32, #tpu.memory_space<vmem_shared>> -> memref<10112x128xf32, #tpu.memory_space<vmem_shared>>
        tpu.enqueue_indirect_dma source(%arg11 : memref<128x128xf32, #tpu.memory_space<vmem>>) target(%dma_start3A_128 : memref<10112x128xf32, #tpu.memory_space<vmem_shared>>) offsets(%dma_start3A_125 : memref<128xi32, #tpu.memory_space<vmem>>) semaphore(%run_scoped3A : memref<!tpu.dma_semaphore, #tpu.memory_space<semaphore_mem>>) {add = true}
        %dma_wait3A_129 = arith.constant 0 : i32
        %dma_wait3A_130 = tpu.memref_slice %arg9[%add3A_120, %dma_wait3A_129] : memref<40x128xi32, #tpu.memory_space<vmem>> -> memref<1x128xi32, #tpu.memory_space<vmem>>
        %dma_wait3A_131 = tpu.memref_squeeze %dma_wait3A_130 : memref<1x128xi32, #tpu.memory_space<vmem>> -> memref<128xi32, #tpu.memory_space<vmem>>
        %dma_wait3A_132 = arith.constant 0 : i32
        %dma_wait3A_133 = arith.constant 0 : i32
        %dma_wait3A_134 = tpu.memref_slice %arg12[%dma_wait3A_132, %dma_wait3A_133] : memref<10112x128xf32, #tpu.memory_space<vmem_shared>> -> memref<10112x128xf32, #tpu.memory_space<vmem_shared>>
        tpu.wait_indirect_dma semaphore(%run_scoped3A : memref<!tpu.dma_semaphore, #tpu.memory_space<semaphore_mem>>) src(%arg11 : memref<128x128xf32, #tpu.memory_space<vmem>>) dst(%dma_wait3A_134 : memref<10112x128xf32, #tpu.memory_space<vmem_shared>>)
        tpu.yield
      }) : () -> ()
      %add3A_121 = arith.constant 1 : i32
      %add3A_122 = arith.addi %mul3A_92, %add3A_121 : i32
      "tpu.region"() ({
        %run_scoped3A = tpu.sem_alloc : memref<!tpu.dma_semaphore, #tpu.memory_space<semaphore_mem>>
        %dma_start3A_123 = arith.constant 0 : i32
        %dma_start3A_124 = tpu.memref_slice %arg9[%add3A_122, %dma_start3A_123] : memref<40x128xi32, #tpu.memory_space<vmem>> -> memref<1x128xi32, #tpu.memory_space<vmem>>
        %dma_start3A_125 = tpu.memref_squeeze %dma_start3A_124 : memref<1x128xi32, #tpu.memory_space<vmem>> -> memref<128xi32, #tpu.memory_space<vmem>>
        %dma_start3A_126 = arith.constant 0 : i32
        %dma_start3A_127 = tpu.memref_slice %arg17[%dma_start3A_126] : memref<10240xf32, #tpu.memory_space<vmem_shared>> -> memref<10240xf32, #tpu.memory_space<vmem_shared>>
        tpu.enqueue_indirect_dma source(%arg15 : memref<128xf32, #tpu.memory_space<vmem>>) target(%dma_start3A_127 : memref<10240xf32, #tpu.memory_space<vmem_shared>>) offsets(%dma_start3A_125 : memref<128xi32, #tpu.memory_space<vmem>>) semaphore(%run_scoped3A : memref<!tpu.dma_semaphore, #tpu.memory_space<semaphore_mem>>) {add = true}
        %dma_wait3A_128 = arith.constant 0 : i32
        %dma_wait3A_129 = tpu.memref_slice %arg9[%add3A_122, %dma_wait3A_128] : memref<40x128xi32, #tpu.memory_space<vmem>> -> memref<1x128xi32, #tpu.memory_space<vmem>>
        %dma_wait3A_130 = tpu.memref_squeeze %dma_wait3A_129 : memref<1x128xi32, #tpu.memory_space<vmem>> -> memref<128xi32, #tpu.memory_space<vmem>>
        %dma_wait3A_131 = arith.constant 0 : i32
        %dma_wait3A_132 = tpu.memref_slice %arg17[%dma_wait3A_131] : memref<10240xf32, #tpu.memory_space<vmem_shared>> -> memref<10240xf32, #tpu.memory_space<vmem_shared>>
        tpu.wait_indirect_dma semaphore(%run_scoped3A : memref<!tpu.dma_semaphore, #tpu.memory_space<semaphore_mem>>) src(%arg15 : memref<128xf32, #tpu.memory_space<vmem>>) dst(%dma_wait3A_132 : memref<10240xf32, #tpu.memory_space<vmem_shared>>)
        tpu.yield
      }) : () -> ()
    }
    %scan3A_84 = arith.constant 20 : i32
    %barrier3A_85 = arith.constant 0 : index
    tpu.barrier barrier_id(%barrier3A_85)
    "tpu.region"() ({
      %run_scoped3A = tpu.sem_alloc : memref<!tpu.dma_semaphore, #tpu.memory_space<semaphore_mem>>
      %dma_start3A_90 = arith.constant 0 : i32
      %dma_start3A_91 = tpu.memref_slice %arg6[%arg0, %mul3A_2, %dma_start3A_90] : memref<2x10112x128xf32, #tpu.memory_space<hbm>> -> memref<1x632x128xf32, #tpu.memory_space<hbm>>
      %dma_start3A_92 = tpu.memref_squeeze %dma_start3A_91 : memref<1x632x128xf32, #tpu.memory_space<hbm>> -> memref<632x128xf32, #tpu.memory_space<hbm>>
      %dma_start3A_93 = arith.constant 0 : i32
      %dma_start3A_94 = tpu.memref_slice %arg12[%mul3A_2, %dma_start3A_93] : memref<10112x128xf32, #tpu.memory_space<vmem_shared>> -> memref<632x128xf32, #tpu.memory_space<vmem_shared>>
      tpu.enqueue_dma source(%dma_start3A_94 : memref<632x128xf32, #tpu.memory_space<vmem_shared>>) target(%dma_start3A_92 : memref<632x128xf32, #tpu.memory_space<hbm>>) target_semaphore(%run_scoped3A : memref<!tpu.dma_semaphore, #tpu.memory_space<semaphore_mem>>)
      %dma_wait3A_95 = arith.constant 0 : i32
      %dma_wait3A_96 = tpu.memref_slice %arg6[%arg0, %mul3A_2, %dma_wait3A_95] : memref<2x10112x128xf32, #tpu.memory_space<hbm>> -> memref<1x632x128xf32, #tpu.memory_space<hbm>>
      %dma_wait3A_97 = tpu.memref_squeeze %dma_wait3A_96 : memref<1x632x128xf32, #tpu.memory_space<hbm>> -> memref<632x128xf32, #tpu.memory_space<hbm>>
      %dma_wait3A_98 = arith.constant 0 : i32
      %dma_wait3A_99 = tpu.memref_slice %arg12[%mul3A_2, %dma_wait3A_98] : memref<10112x128xf32, #tpu.memory_space<vmem_shared>> -> memref<632x128xf32, #tpu.memory_space<vmem_shared>>
      tpu.wait_dma2 semaphore(%run_scoped3A : memref<!tpu.dma_semaphore, #tpu.memory_space<semaphore_mem>>) src(%dma_wait3A_99 : memref<632x128xf32, #tpu.memory_space<vmem_shared>>) dst(%dma_wait3A_97 : memref<632x128xf32, #tpu.memory_space<hbm>>)
      tpu.yield
    }) : () -> ()
    %mul3A_86 = arith.constant 640 : i32
    %mul3A_87 = arith.muli %arg1, %mul3A_86 : i32
    %mul3A_88 = arith.constant 640 : i32
    %mul3A_89 = arith.muli %arg1, %mul3A_88 : i32
    "tpu.region"() ({
      %run_scoped3A = tpu.sem_alloc : memref<!tpu.dma_semaphore, #tpu.memory_space<semaphore_mem>>
      %dma_start3A_90 = tpu.memref_slice %arg7[%arg0, %mul3A_89] : memref<2x10240xf32, #tpu.memory_space<hbm>> -> memref<1x640xf32, #tpu.memory_space<hbm>>
      %dma_start3A_91 = tpu.memref_squeeze %dma_start3A_90 : memref<1x640xf32, #tpu.memory_space<hbm>> -> memref<640xf32, #tpu.memory_space<hbm>>
      %dma_start3A_92 = tpu.memref_slice %arg17[%mul3A_87] : memref<10240xf32, #tpu.memory_space<vmem_shared>> -> memref<640xf32, #tpu.memory_space<vmem_shared>>
      tpu.enqueue_dma source(%dma_start3A_92 : memref<640xf32, #tpu.memory_space<vmem_shared>>) target(%dma_start3A_91 : memref<640xf32, #tpu.memory_space<hbm>>) target_semaphore(%run_scoped3A : memref<!tpu.dma_semaphore, #tpu.memory_space<semaphore_mem>>)
      %dma_wait3A_93 = tpu.memref_slice %arg7[%arg0, %mul3A_89] : memref<2x10240xf32, #tpu.memory_space<hbm>> -> memref<1x640xf32, #tpu.memory_space<hbm>>
      %dma_wait3A_94 = tpu.memref_squeeze %dma_wait3A_93 : memref<1x640xf32, #tpu.memory_space<hbm>> -> memref<640xf32, #tpu.memory_space<hbm>>
      %dma_wait3A_95 = tpu.memref_slice %arg17[%mul3A_87] : memref<10240xf32, #tpu.memory_space<vmem_shared>> -> memref<640xf32, #tpu.memory_space<vmem_shared>>
      tpu.wait_dma2 semaphore(%run_scoped3A : memref<!tpu.dma_semaphore, #tpu.memory_space<semaphore_mem>>) src(%dma_wait3A_95 : memref<640xf32, #tpu.memory_space<vmem_shared>>) dst(%dma_wait3A_94 : memref<640xf32, #tpu.memory_space<hbm>>)
      tpu.yield
    }) : () -> ()
    return
  }
}

#map = affine_map<(d0, d1) -> (0, 0)>
#map1 = affine_map<(d0, d1) -> (0, 0, 0)>
module attributes {stable_mosaic.version = 14 : i64} {
  func.func @agg(%arg0: i32, %arg1: i32, %arg2: memref<10000x48xf32, #tpu.memory_space<hbm>>, %arg3: memref<32x80x128xi32, #tpu.memory_space<hbm>>, %arg4: memref<32x80x128xi32, #tpu.memory_space<hbm>>, %arg5: memref<128x48xf32, #tpu.memory_space<hbm>>, %arg6: memref<2x10112x48xf32, #tpu.memory_space<hbm>>, %arg7: memref<40x128xi32, #tpu.memory_space<vmem>>, %arg8: memref<40x128xi32, #tpu.memory_space<vmem>>, %arg9: memref<128x48xf32, #tpu.memory_space<vmem>>, %arg10: memref<128x48xf32, #tpu.memory_space<vmem>>, %arg11: memref<10112x48xf32, #tpu.memory_space<vmem_shared>>, %arg12: memref<!tpu.dma_semaphore, #tpu.memory_space<semaphore_mem>>, %arg13: memref<!tpu.dma_semaphore, #tpu.memory_space<semaphore_mem>>) attributes {dimension_semantics = [#tpu.dimension_semantics<core_parallel>, #tpu.dimension_semantics<subcore_parallel>], iteration_bounds = array<i64: 2, 16>, scalar_prefetch = 0 : i64, scratch_operands = 7 : i64, tpu.core_type = #tpu.core_type<sc_vector_subcore>, window_params = [{transform_indices = #map}, {transform_indices = #map1}, {transform_indices = #map1}, {transform_indices = #map}, {transform_indices = #map1}]} {
    %mul3A = arith.constant 16 : i32
    %mul3A_0 = arith.muli %arg0, %mul3A : i32
    %add3A = arith.addi %mul3A_0, %arg1 : i32
    %mul3A_1 = arith.constant 632 : i32
    %mul3A_2 = arith.muli %arg1, %mul3A_1 : i32
    %dma_start3A = arith.constant 0 : i32
    %dma_start3A_3 = arith.constant 0 : i32
    %dma_start3A_4 = tpu.memref_slice %arg3[%add3A, %dma_start3A, %dma_start3A_3] : memref<32x80x128xi32, #tpu.memory_space<hbm>> -> memref<1x40x128xi32, #tpu.memory_space<hbm>>
    %dma_start3A_5 = tpu.memref_squeeze %dma_start3A_4 : memref<1x40x128xi32, #tpu.memory_space<hbm>> -> memref<40x128xi32, #tpu.memory_space<hbm>>
    %dma_start3A_6 = arith.constant 0 : i32
    %dma_start3A_7 = arith.constant 0 : i32
    %dma_start3A_8 = tpu.memref_slice %arg3[%add3A, %dma_start3A_6, %dma_start3A_7] : memref<32x80x128xi32, #tpu.memory_space<hbm>> -> memref<1x40x128xi32, #tpu.memory_space<hbm>>
    %dma_start3A_9 = tpu.memref_squeeze %dma_start3A_8 : memref<1x40x128xi32, #tpu.memory_space<hbm>> -> memref<40x128xi32, #tpu.memory_space<hbm>>
    tpu.enqueue_dma source(%dma_start3A_9 : memref<40x128xi32, #tpu.memory_space<hbm>>) target(%arg7 : memref<40x128xi32, #tpu.memory_space<vmem>>) target_semaphore(%arg13 : memref<!tpu.dma_semaphore, #tpu.memory_space<semaphore_mem>>)
    %dma_start3A_10 = arith.constant 0 : i32
    %dma_start3A_11 = arith.constant 0 : i32
    %dma_start3A_12 = tpu.memref_slice %arg4[%add3A, %dma_start3A_10, %dma_start3A_11] : memref<32x80x128xi32, #tpu.memory_space<hbm>> -> memref<1x40x128xi32, #tpu.memory_space<hbm>>
    %dma_start3A_13 = tpu.memref_squeeze %dma_start3A_12 : memref<1x40x128xi32, #tpu.memory_space<hbm>> -> memref<40x128xi32, #tpu.memory_space<hbm>>
    %dma_start3A_14 = arith.constant 0 : i32
    %dma_start3A_15 = arith.constant 0 : i32
    %dma_start3A_16 = tpu.memref_slice %arg4[%add3A, %dma_start3A_14, %dma_start3A_15] : memref<32x80x128xi32, #tpu.memory_space<hbm>> -> memref<1x40x128xi32, #tpu.memory_space<hbm>>
    %dma_start3A_17 = tpu.memref_squeeze %dma_start3A_16 : memref<1x40x128xi32, #tpu.memory_space<hbm>> -> memref<40x128xi32, #tpu.memory_space<hbm>>
    tpu.enqueue_dma source(%dma_start3A_17 : memref<40x128xi32, #tpu.memory_space<hbm>>) target(%arg8 : memref<40x128xi32, #tpu.memory_space<vmem>>) target_semaphore(%arg13 : memref<!tpu.dma_semaphore, #tpu.memory_space<semaphore_mem>>)
    "tpu.region"() ({
      %run_scoped3A = tpu.sem_alloc : memref<!tpu.dma_semaphore, #tpu.memory_space<semaphore_mem>>
      tpu.enqueue_dma source(%arg5 : memref<128x48xf32, #tpu.memory_space<hbm>>) target(%arg9 : memref<128x48xf32, #tpu.memory_space<vmem>>) target_semaphore(%run_scoped3A : memref<!tpu.dma_semaphore, #tpu.memory_space<semaphore_mem>>)
      tpu.wait_dma2 semaphore(%run_scoped3A : memref<!tpu.dma_semaphore, #tpu.memory_space<semaphore_mem>>) src(%arg5 : memref<128x48xf32, #tpu.memory_space<hbm>>) dst(%arg9 : memref<128x48xf32, #tpu.memory_space<vmem>>)
      tpu.yield
    }) : () -> ()
    %add3A_18 = arith.constant 0 : i32
    %add3A_19 = arith.addi %mul3A_2, %add3A_18 : i32
    "tpu.region"() ({
      %run_scoped3A = tpu.sem_alloc : memref<!tpu.dma_semaphore, #tpu.memory_space<semaphore_mem>>
      %dma_start3A_69 = arith.constant 0 : i32
      %dma_start3A_70 = tpu.memref_slice %arg11[%add3A_19, %dma_start3A_69] : memref<10112x48xf32, #tpu.memory_space<vmem_shared>> -> memref<128x48xf32, #tpu.memory_space<vmem_shared>>
      %dma_start3A_71 = arith.constant 0 : i32
      %dma_start3A_72 = tpu.memref_slice %arg11[%add3A_19, %dma_start3A_71] : memref<10112x48xf32, #tpu.memory_space<vmem_shared>> -> memref<128x48xf32, #tpu.memory_space<vmem_shared>>
      tpu.enqueue_dma source(%arg9 : memref<128x48xf32, #tpu.memory_space<vmem>>) target(%dma_start3A_72 : memref<128x48xf32, #tpu.memory_space<vmem_shared>>) target_semaphore(%run_scoped3A : memref<!tpu.dma_semaphore, #tpu.memory_space<semaphore_mem>>)
      %dma_wait3A_73 = arith.constant 0 : i32
      %dma_wait3A_74 = tpu.memref_slice %arg11[%add3A_19, %dma_wait3A_73] : memref<10112x48xf32, #tpu.memory_space<vmem_shared>> -> memref<128x48xf32, #tpu.memory_space<vmem_shared>>
      %dma_wait3A_75 = arith.constant 0 : i32
      %dma_wait3A_76 = tpu.memref_slice %arg11[%add3A_19, %dma_wait3A_75] : memref<10112x48xf32, #tpu.memory_space<vmem_shared>> -> memref<128x48xf32, #tpu.memory_space<vmem_shared>>
      tpu.wait_dma2 semaphore(%run_scoped3A : memref<!tpu.dma_semaphore, #tpu.memory_space<semaphore_mem>>) src(%arg9 : memref<128x48xf32, #tpu.memory_space<vmem>>) dst(%dma_wait3A_76 : memref<128x48xf32, #tpu.memory_space<vmem_shared>>)
      tpu.yield
    }) : () -> ()
    %add3A_20 = arith.constant 128 : i32
    %add3A_21 = arith.addi %mul3A_2, %add3A_20 : i32
    "tpu.region"() ({
      %run_scoped3A = tpu.sem_alloc : memref<!tpu.dma_semaphore, #tpu.memory_space<semaphore_mem>>
      %dma_start3A_69 = arith.constant 0 : i32
      %dma_start3A_70 = tpu.memref_slice %arg11[%add3A_21, %dma_start3A_69] : memref<10112x48xf32, #tpu.memory_space<vmem_shared>> -> memref<128x48xf32, #tpu.memory_space<vmem_shared>>
      %dma_start3A_71 = arith.constant 0 : i32
      %dma_start3A_72 = tpu.memref_slice %arg11[%add3A_21, %dma_start3A_71] : memref<10112x48xf32, #tpu.memory_space<vmem_shared>> -> memref<128x48xf32, #tpu.memory_space<vmem_shared>>
      tpu.enqueue_dma source(%arg9 : memref<128x48xf32, #tpu.memory_space<vmem>>) target(%dma_start3A_72 : memref<128x48xf32, #tpu.memory_space<vmem_shared>>) target_semaphore(%run_scoped3A : memref<!tpu.dma_semaphore, #tpu.memory_space<semaphore_mem>>)
      %dma_wait3A_73 = arith.constant 0 : i32
      %dma_wait3A_74 = tpu.memref_slice %arg11[%add3A_21, %dma_wait3A_73] : memref<10112x48xf32, #tpu.memory_space<vmem_shared>> -> memref<128x48xf32, #tpu.memory_space<vmem_shared>>
      %dma_wait3A_75 = arith.constant 0 : i32
      %dma_wait3A_76 = tpu.memref_slice %arg11[%add3A_21, %dma_wait3A_75] : memref<10112x48xf32, #tpu.memory_space<vmem_shared>> -> memref<128x48xf32, #tpu.memory_space<vmem_shared>>
      tpu.wait_dma2 semaphore(%run_scoped3A : memref<!tpu.dma_semaphore, #tpu.memory_space<semaphore_mem>>) src(%arg9 : memref<128x48xf32, #tpu.memory_space<vmem>>) dst(%dma_wait3A_76 : memref<128x48xf32, #tpu.memory_space<vmem_shared>>)
      tpu.yield
    }) : () -> ()
    %add3A_22 = arith.constant 256 : i32
    %add3A_23 = arith.addi %mul3A_2, %add3A_22 : i32
    "tpu.region"() ({
      %run_scoped3A = tpu.sem_alloc : memref<!tpu.dma_semaphore, #tpu.memory_space<semaphore_mem>>
      %dma_start3A_69 = arith.constant 0 : i32
      %dma_start3A_70 = tpu.memref_slice %arg11[%add3A_23, %dma_start3A_69] : memref<10112x48xf32, #tpu.memory_space<vmem_shared>> -> memref<128x48xf32, #tpu.memory_space<vmem_shared>>
      %dma_start3A_71 = arith.constant 0 : i32
      %dma_start3A_72 = tpu.memref_slice %arg11[%add3A_23, %dma_start3A_71] : memref<10112x48xf32, #tpu.memory_space<vmem_shared>> -> memref<128x48xf32, #tpu.memory_space<vmem_shared>>
      tpu.enqueue_dma source(%arg9 : memref<128x48xf32, #tpu.memory_space<vmem>>) target(%dma_start3A_72 : memref<128x48xf32, #tpu.memory_space<vmem_shared>>) target_semaphore(%run_scoped3A : memref<!tpu.dma_semaphore, #tpu.memory_space<semaphore_mem>>)
      %dma_wait3A_73 = arith.constant 0 : i32
      %dma_wait3A_74 = tpu.memref_slice %arg11[%add3A_23, %dma_wait3A_73] : memref<10112x48xf32, #tpu.memory_space<vmem_shared>> -> memref<128x48xf32, #tpu.memory_space<vmem_shared>>
      %dma_wait3A_75 = arith.constant 0 : i32
      %dma_wait3A_76 = tpu.memref_slice %arg11[%add3A_23, %dma_wait3A_75] : memref<10112x48xf32, #tpu.memory_space<vmem_shared>> -> memref<128x48xf32, #tpu.memory_space<vmem_shared>>
      tpu.wait_dma2 semaphore(%run_scoped3A : memref<!tpu.dma_semaphore, #tpu.memory_space<semaphore_mem>>) src(%arg9 : memref<128x48xf32, #tpu.memory_space<vmem>>) dst(%dma_wait3A_76 : memref<128x48xf32, #tpu.memory_space<vmem_shared>>)
      tpu.yield
    }) : () -> ()
    %add3A_24 = arith.constant 384 : i32
    %add3A_25 = arith.addi %mul3A_2, %add3A_24 : i32
    "tpu.region"() ({
      %run_scoped3A = tpu.sem_alloc : memref<!tpu.dma_semaphore, #tpu.memory_space<semaphore_mem>>
      %dma_start3A_69 = arith.constant 0 : i32
      %dma_start3A_70 = tpu.memref_slice %arg11[%add3A_25, %dma_start3A_69] : memref<10112x48xf32, #tpu.memory_space<vmem_shared>> -> memref<128x48xf32, #tpu.memory_space<vmem_shared>>
      %dma_start3A_71 = arith.constant 0 : i32
      %dma_start3A_72 = tpu.memref_slice %arg11[%add3A_25, %dma_start3A_71] : memref<10112x48xf32, #tpu.memory_space<vmem_shared>> -> memref<128x48xf32, #tpu.memory_space<vmem_shared>>
      tpu.enqueue_dma source(%arg9 : memref<128x48xf32, #tpu.memory_space<vmem>>) target(%dma_start3A_72 : memref<128x48xf32, #tpu.memory_space<vmem_shared>>) target_semaphore(%run_scoped3A : memref<!tpu.dma_semaphore, #tpu.memory_space<semaphore_mem>>)
      %dma_wait3A_73 = arith.constant 0 : i32
      %dma_wait3A_74 = tpu.memref_slice %arg11[%add3A_25, %dma_wait3A_73] : memref<10112x48xf32, #tpu.memory_space<vmem_shared>> -> memref<128x48xf32, #tpu.memory_space<vmem_shared>>
      %dma_wait3A_75 = arith.constant 0 : i32
      %dma_wait3A_76 = tpu.memref_slice %arg11[%add3A_25, %dma_wait3A_75] : memref<10112x48xf32, #tpu.memory_space<vmem_shared>> -> memref<128x48xf32, #tpu.memory_space<vmem_shared>>
      tpu.wait_dma2 semaphore(%run_scoped3A : memref<!tpu.dma_semaphore, #tpu.memory_space<semaphore_mem>>) src(%arg9 : memref<128x48xf32, #tpu.memory_space<vmem>>) dst(%dma_wait3A_76 : memref<128x48xf32, #tpu.memory_space<vmem_shared>>)
      tpu.yield
    }) : () -> ()
    %add3A_26 = arith.constant 512 : i32
    %add3A_27 = arith.addi %mul3A_2, %add3A_26 : i32
    "tpu.region"() ({
      %run_scoped3A = tpu.sem_alloc : memref<!tpu.dma_semaphore, #tpu.memory_space<semaphore_mem>>
      %dma_start3A_69 = arith.constant 0 : i32
      %dma_start3A_70 = arith.constant 0 : i32
      %dma_start3A_71 = tpu.memref_slice %arg9[%dma_start3A_69, %dma_start3A_70] : memref<128x48xf32, #tpu.memory_space<vmem>> -> memref<120x48xf32, #tpu.memory_space<vmem>>
      %dma_start3A_72 = arith.constant 0 : i32
      %dma_start3A_73 = tpu.memref_slice %arg11[%add3A_27, %dma_start3A_72] : memref<10112x48xf32, #tpu.memory_space<vmem_shared>> -> memref<120x48xf32, #tpu.memory_space<vmem_shared>>
      %dma_start3A_74 = arith.constant 0 : i32
      %dma_start3A_75 = tpu.memref_slice %arg11[%add3A_27, %dma_start3A_74] : memref<10112x48xf32, #tpu.memory_space<vmem_shared>> -> memref<120x48xf32, #tpu.memory_space<vmem_shared>>
      %dma_start3A_76 = arith.constant 0 : i32
      %dma_start3A_77 = arith.constant 0 : i32
      %dma_start3A_78 = tpu.memref_slice %arg9[%dma_start3A_76, %dma_start3A_77] : memref<128x48xf32, #tpu.memory_space<vmem>> -> memref<120x48xf32, #tpu.memory_space<vmem>>
      tpu.enqueue_dma source(%dma_start3A_78 : memref<120x48xf32, #tpu.memory_space<vmem>>) target(%dma_start3A_75 : memref<120x48xf32, #tpu.memory_space<vmem_shared>>) target_semaphore(%run_scoped3A : memref<!tpu.dma_semaphore, #tpu.memory_space<semaphore_mem>>)
      %dma_wait3A_79 = arith.constant 0 : i32
      %dma_wait3A_80 = arith.constant 0 : i32
      %dma_wait3A_81 = tpu.memref_slice %arg9[%dma_wait3A_79, %dma_wait3A_80] : memref<128x48xf32, #tpu.memory_space<vmem>> -> memref<120x48xf32, #tpu.memory_space<vmem>>
      %dma_wait3A_82 = arith.constant 0 : i32
      %dma_wait3A_83 = tpu.memref_slice %arg11[%add3A_27, %dma_wait3A_82] : memref<10112x48xf32, #tpu.memory_space<vmem_shared>> -> memref<120x48xf32, #tpu.memory_space<vmem_shared>>
      %dma_wait3A_84 = arith.constant 0 : i32
      %dma_wait3A_85 = tpu.memref_slice %arg11[%add3A_27, %dma_wait3A_84] : memref<10112x48xf32, #tpu.memory_space<vmem_shared>> -> memref<120x48xf32, #tpu.memory_space<vmem_shared>>
      %dma_wait3A_86 = arith.constant 0 : i32
      %dma_wait3A_87 = arith.constant 0 : i32
      %dma_wait3A_88 = tpu.memref_slice %arg9[%dma_wait3A_86, %dma_wait3A_87] : memref<128x48xf32, #tpu.memory_space<vmem>> -> memref<120x48xf32, #tpu.memory_space<vmem>>
      tpu.wait_dma2 semaphore(%run_scoped3A : memref<!tpu.dma_semaphore, #tpu.memory_space<semaphore_mem>>) src(%dma_wait3A_88 : memref<120x48xf32, #tpu.memory_space<vmem>>) dst(%dma_wait3A_85 : memref<120x48xf32, #tpu.memory_space<vmem_shared>>)
      tpu.yield
    }) : () -> ()
    %barrier3A = arith.constant 0 : index
    tpu.barrier barrier_id(%barrier3A)
    %dma_wait3A = arith.constant 0 : i32
    %dma_wait3A_28 = arith.constant 0 : i32
    %dma_wait3A_29 = tpu.memref_slice %arg3[%add3A, %dma_wait3A, %dma_wait3A_28] : memref<32x80x128xi32, #tpu.memory_space<hbm>> -> memref<1x40x128xi32, #tpu.memory_space<hbm>>
    %dma_wait3A_30 = tpu.memref_squeeze %dma_wait3A_29 : memref<1x40x128xi32, #tpu.memory_space<hbm>> -> memref<40x128xi32, #tpu.memory_space<hbm>>
    %dma_wait3A_31 = arith.constant 0 : i32
    %dma_wait3A_32 = arith.constant 0 : i32
    %dma_wait3A_33 = tpu.memref_slice %arg3[%add3A, %dma_wait3A_31, %dma_wait3A_32] : memref<32x80x128xi32, #tpu.memory_space<hbm>> -> memref<1x40x128xi32, #tpu.memory_space<hbm>>
    %dma_wait3A_34 = tpu.memref_squeeze %dma_wait3A_33 : memref<1x40x128xi32, #tpu.memory_space<hbm>> -> memref<40x128xi32, #tpu.memory_space<hbm>>
    tpu.wait_dma2 semaphore(%arg13 : memref<!tpu.dma_semaphore, #tpu.memory_space<semaphore_mem>>) src(%dma_wait3A_34 : memref<40x128xi32, #tpu.memory_space<hbm>>) dst(%arg7 : memref<40x128xi32, #tpu.memory_space<vmem>>)
    %dma_wait3A_35 = arith.constant 0 : i32
    %dma_wait3A_36 = arith.constant 0 : i32
    %dma_wait3A_37 = tpu.memref_slice %arg4[%add3A, %dma_wait3A_35, %dma_wait3A_36] : memref<32x80x128xi32, #tpu.memory_space<hbm>> -> memref<1x40x128xi32, #tpu.memory_space<hbm>>
    %dma_wait3A_38 = tpu.memref_squeeze %dma_wait3A_37 : memref<1x40x128xi32, #tpu.memory_space<hbm>> -> memref<40x128xi32, #tpu.memory_space<hbm>>
    %dma_wait3A_39 = arith.constant 0 : i32
    %dma_wait3A_40 = arith.constant 0 : i32
    %dma_wait3A_41 = tpu.memref_slice %arg4[%add3A, %dma_wait3A_39, %dma_wait3A_40] : memref<32x80x128xi32, #tpu.memory_space<hbm>> -> memref<1x40x128xi32, #tpu.memory_space<hbm>>
    %dma_wait3A_42 = tpu.memref_squeeze %dma_wait3A_41 : memref<1x40x128xi32, #tpu.memory_space<hbm>> -> memref<40x128xi32, #tpu.memory_space<hbm>>
    tpu.wait_dma2 semaphore(%arg13 : memref<!tpu.dma_semaphore, #tpu.memory_space<semaphore_mem>>) src(%dma_wait3A_42 : memref<40x128xi32, #tpu.memory_space<hbm>>) dst(%arg8 : memref<40x128xi32, #tpu.memory_space<vmem>>)
    %dma_start3A_43 = arith.constant 0 : i32
    %dma_start3A_44 = arith.constant 0 : i32
    %dma_start3A_45 = tpu.memref_slice %arg7[%dma_start3A_43, %dma_start3A_44] : memref<40x128xi32, #tpu.memory_space<vmem>> -> memref<1x128xi32, #tpu.memory_space<vmem>>
    %dma_start3A_46 = tpu.memref_squeeze %dma_start3A_45 : memref<1x128xi32, #tpu.memory_space<vmem>> -> memref<128xi32, #tpu.memory_space<vmem>>
    %dma_start3A_47 = arith.constant 0 : i32
    %dma_start3A_48 = arith.constant 0 : i32
    %dma_start3A_49 = tpu.memref_slice %arg2[%dma_start3A_47, %dma_start3A_48] : memref<10000x48xf32, #tpu.memory_space<hbm>> -> memref<10000x48xf32, #tpu.memory_space<hbm>>
    tpu.enqueue_indirect_dma source(%dma_start3A_49 : memref<10000x48xf32, #tpu.memory_space<hbm>>) target(%arg9 : memref<128x48xf32, #tpu.memory_space<vmem>>) offsets(%dma_start3A_46 : memref<128xi32, #tpu.memory_space<vmem>>) semaphore(%arg12 : memref<!tpu.dma_semaphore, #tpu.memory_space<semaphore_mem>>)
    %scan3A = arith.constant 0 : i32
    %scan3A_50 = arith.constant 0 : i32
    %scan3A_51 = arith.constant 20 : i32
    %scan3A_52 = arith.addi %scan3A_50, %scan3A_51 : i32
    %scan3A_53 = arith.constant 1 : i32
    scf.for %scan3A_69 = %scan3A_50 to %scan3A_52 step %scan3A_53  : i32 {
      %mul3A_70 = arith.constant 2 : i32
      %mul3A_71 = arith.muli %mul3A_70, %scan3A_69 : i32
      %add3A_72 = arith.constant 1 : i32
      %add3A_73 = arith.addi %mul3A_71, %add3A_72 : i32
      %dma_start3A_74 = arith.constant 0 : i32
      %dma_start3A_75 = tpu.memref_slice %arg7[%add3A_73, %dma_start3A_74] : memref<40x128xi32, #tpu.memory_space<vmem>> -> memref<1x128xi32, #tpu.memory_space<vmem>>
      %dma_start3A_76 = tpu.memref_squeeze %dma_start3A_75 : memref<1x128xi32, #tpu.memory_space<vmem>> -> memref<128xi32, #tpu.memory_space<vmem>>
      %dma_start3A_77 = arith.constant 0 : i32
      %dma_start3A_78 = arith.constant 0 : i32
      %dma_start3A_79 = tpu.memref_slice %arg2[%dma_start3A_77, %dma_start3A_78] : memref<10000x48xf32, #tpu.memory_space<hbm>> -> memref<10000x48xf32, #tpu.memory_space<hbm>>
      tpu.enqueue_indirect_dma source(%dma_start3A_79 : memref<10000x48xf32, #tpu.memory_space<hbm>>) target(%arg10 : memref<128x48xf32, #tpu.memory_space<vmem>>) offsets(%dma_start3A_76 : memref<128xi32, #tpu.memory_space<vmem>>) semaphore(%arg13 : memref<!tpu.dma_semaphore, #tpu.memory_space<semaphore_mem>>)
      %dma_wait3A_80 = arith.constant 0 : i32
      %dma_wait3A_81 = tpu.memref_slice %arg7[%mul3A_71, %dma_wait3A_80] : memref<40x128xi32, #tpu.memory_space<vmem>> -> memref<1x128xi32, #tpu.memory_space<vmem>>
      %dma_wait3A_82 = tpu.memref_squeeze %dma_wait3A_81 : memref<1x128xi32, #tpu.memory_space<vmem>> -> memref<128xi32, #tpu.memory_space<vmem>>
      %dma_wait3A_83 = arith.constant 0 : i32
      %dma_wait3A_84 = arith.constant 0 : i32
      %dma_wait3A_85 = tpu.memref_slice %arg2[%dma_wait3A_83, %dma_wait3A_84] : memref<10000x48xf32, #tpu.memory_space<hbm>> -> memref<10000x48xf32, #tpu.memory_space<hbm>>
      tpu.wait_indirect_dma semaphore(%arg12 : memref<!tpu.dma_semaphore, #tpu.memory_space<semaphore_mem>>) src(%dma_wait3A_85 : memref<10000x48xf32, #tpu.memory_space<hbm>>) dst(%arg9 : memref<128x48xf32, #tpu.memory_space<vmem>>)
      "tpu.region"() ({
        %run_scoped3A = tpu.sem_alloc : memref<!tpu.dma_semaphore, #tpu.memory_space<semaphore_mem>>
        %dma_start3A_100 = arith.constant 0 : i32
        %dma_start3A_101 = tpu.memref_slice %arg8[%mul3A_71, %dma_start3A_100] : memref<40x128xi32, #tpu.memory_space<vmem>> -> memref<1x128xi32, #tpu.memory_space<vmem>>
        %dma_start3A_102 = tpu.memref_squeeze %dma_start3A_101 : memref<1x128xi32, #tpu.memory_space<vmem>> -> memref<128xi32, #tpu.memory_space<vmem>>
        %dma_start3A_103 = arith.constant 0 : i32
        %dma_start3A_104 = arith.constant 0 : i32
        %dma_start3A_105 = tpu.memref_slice %arg11[%dma_start3A_103, %dma_start3A_104] : memref<10112x48xf32, #tpu.memory_space<vmem_shared>> -> memref<10112x48xf32, #tpu.memory_space<vmem_shared>>
        tpu.enqueue_indirect_dma source(%arg9 : memref<128x48xf32, #tpu.memory_space<vmem>>) target(%dma_start3A_105 : memref<10112x48xf32, #tpu.memory_space<vmem_shared>>) offsets(%dma_start3A_102 : memref<128xi32, #tpu.memory_space<vmem>>) semaphore(%run_scoped3A : memref<!tpu.dma_semaphore, #tpu.memory_space<semaphore_mem>>) {add = true}
        %dma_wait3A_106 = arith.constant 0 : i32
        %dma_wait3A_107 = tpu.memref_slice %arg8[%mul3A_71, %dma_wait3A_106] : memref<40x128xi32, #tpu.memory_space<vmem>> -> memref<1x128xi32, #tpu.memory_space<vmem>>
        %dma_wait3A_108 = tpu.memref_squeeze %dma_wait3A_107 : memref<1x128xi32, #tpu.memory_space<vmem>> -> memref<128xi32, #tpu.memory_space<vmem>>
        %dma_wait3A_109 = arith.constant 0 : i32
        %dma_wait3A_110 = arith.constant 0 : i32
        %dma_wait3A_111 = tpu.memref_slice %arg11[%dma_wait3A_109, %dma_wait3A_110] : memref<10112x48xf32, #tpu.memory_space<vmem_shared>> -> memref<10112x48xf32, #tpu.memory_space<vmem_shared>>
        tpu.wait_indirect_dma semaphore(%run_scoped3A : memref<!tpu.dma_semaphore, #tpu.memory_space<semaphore_mem>>) src(%arg9 : memref<128x48xf32, #tpu.memory_space<vmem>>) dst(%dma_wait3A_111 : memref<10112x48xf32, #tpu.memory_space<vmem_shared>>)
        tpu.yield
      }) : () -> ()
      %add3A_86 = arith.constant 2 : i32
      %add3A_87 = arith.addi %mul3A_71, %add3A_86 : i32
      %lt3A = arith.constant 40 : i32
      %lt3A_88 = arith.cmpi slt, %add3A_87, %lt3A : i32
      %convert_element_type3A = arith.extui %lt3A_88 : i1 to i32
      %cond3A = arith.constant 0 : i32
      %cond3A_89 = arith.cmpi ne, %convert_element_type3A, %cond3A : i32
      scf.if %cond3A_89 {
        %add3A_100 = arith.constant 2 : i32
        %add3A_101 = arith.addi %mul3A_71, %add3A_100 : i32
        %dma_start3A_102 = arith.constant 0 : i32
        %dma_start3A_103 = tpu.memref_slice %arg7[%add3A_101, %dma_start3A_102] : memref<40x128xi32, #tpu.memory_space<vmem>> -> memref<1x128xi32, #tpu.memory_space<vmem>>
        %dma_start3A_104 = tpu.memref_squeeze %dma_start3A_103 : memref<1x128xi32, #tpu.memory_space<vmem>> -> memref<128xi32, #tpu.memory_space<vmem>>
        %dma_start3A_105 = arith.constant 0 : i32
        %dma_start3A_106 = arith.constant 0 : i32
        %dma_start3A_107 = tpu.memref_slice %arg2[%dma_start3A_105, %dma_start3A_106] : memref<10000x48xf32, #tpu.memory_space<hbm>> -> memref<10000x48xf32, #tpu.memory_space<hbm>>
        tpu.enqueue_indirect_dma source(%dma_start3A_107 : memref<10000x48xf32, #tpu.memory_space<hbm>>) target(%arg9 : memref<128x48xf32, #tpu.memory_space<vmem>>) offsets(%dma_start3A_104 : memref<128xi32, #tpu.memory_space<vmem>>) semaphore(%arg12 : memref<!tpu.dma_semaphore, #tpu.memory_space<semaphore_mem>>)
      } else {
      }
      %add3A_90 = arith.constant 1 : i32
      %add3A_91 = arith.addi %mul3A_71, %add3A_90 : i32
      %dma_wait3A_92 = arith.constant 0 : i32
      %dma_wait3A_93 = tpu.memref_slice %arg7[%add3A_91, %dma_wait3A_92] : memref<40x128xi32, #tpu.memory_space<vmem>> -> memref<1x128xi32, #tpu.memory_space<vmem>>
      %dma_wait3A_94 = tpu.memref_squeeze %dma_wait3A_93 : memref<1x128xi32, #tpu.memory_space<vmem>> -> memref<128xi32, #tpu.memory_space<vmem>>
      %dma_wait3A_95 = arith.constant 0 : i32
      %dma_wait3A_96 = arith.constant 0 : i32
      %dma_wait3A_97 = tpu.memref_slice %arg2[%dma_wait3A_95, %dma_wait3A_96] : memref<10000x48xf32, #tpu.memory_space<hbm>> -> memref<10000x48xf32, #tpu.memory_space<hbm>>
      tpu.wait_indirect_dma semaphore(%arg13 : memref<!tpu.dma_semaphore, #tpu.memory_space<semaphore_mem>>) src(%dma_wait3A_97 : memref<10000x48xf32, #tpu.memory_space<hbm>>) dst(%arg10 : memref<128x48xf32, #tpu.memory_space<vmem>>)
      %add3A_98 = arith.constant 1 : i32
      %add3A_99 = arith.addi %mul3A_71, %add3A_98 : i32
      "tpu.region"() ({
        %run_scoped3A = tpu.sem_alloc : memref<!tpu.dma_semaphore, #tpu.memory_space<semaphore_mem>>
        %dma_start3A_100 = arith.constant 0 : i32
        %dma_start3A_101 = tpu.memref_slice %arg8[%add3A_99, %dma_start3A_100] : memref<40x128xi32, #tpu.memory_space<vmem>> -> memref<1x128xi32, #tpu.memory_space<vmem>>
        %dma_start3A_102 = tpu.memref_squeeze %dma_start3A_101 : memref<1x128xi32, #tpu.memory_space<vmem>> -> memref<128xi32, #tpu.memory_space<vmem>>
        %dma_start3A_103 = arith.constant 0 : i32
        %dma_start3A_104 = arith.constant 0 : i32
        %dma_start3A_105 = tpu.memref_slice %arg11[%dma_start3A_103, %dma_start3A_104] : memref<10112x48xf32, #tpu.memory_space<vmem_shared>> -> memref<10112x48xf32, #tpu.memory_space<vmem_shared>>
        tpu.enqueue_indirect_dma source(%arg10 : memref<128x48xf32, #tpu.memory_space<vmem>>) target(%dma_start3A_105 : memref<10112x48xf32, #tpu.memory_space<vmem_shared>>) offsets(%dma_start3A_102 : memref<128xi32, #tpu.memory_space<vmem>>) semaphore(%run_scoped3A : memref<!tpu.dma_semaphore, #tpu.memory_space<semaphore_mem>>) {add = true}
        %dma_wait3A_106 = arith.constant 0 : i32
        %dma_wait3A_107 = tpu.memref_slice %arg8[%add3A_99, %dma_wait3A_106] : memref<40x128xi32, #tpu.memory_space<vmem>> -> memref<1x128xi32, #tpu.memory_space<vmem>>
        %dma_wait3A_108 = tpu.memref_squeeze %dma_wait3A_107 : memref<1x128xi32, #tpu.memory_space<vmem>> -> memref<128xi32, #tpu.memory_space<vmem>>
        %dma_wait3A_109 = arith.constant 0 : i32
        %dma_wait3A_110 = arith.constant 0 : i32
        %dma_wait3A_111 = tpu.memref_slice %arg11[%dma_wait3A_109, %dma_wait3A_110] : memref<10112x48xf32, #tpu.memory_space<vmem_shared>> -> memref<10112x48xf32, #tpu.memory_space<vmem_shared>>
        tpu.wait_indirect_dma semaphore(%run_scoped3A : memref<!tpu.dma_semaphore, #tpu.memory_space<semaphore_mem>>) src(%arg10 : memref<128x48xf32, #tpu.memory_space<vmem>>) dst(%dma_wait3A_111 : memref<10112x48xf32, #tpu.memory_space<vmem_shared>>)
        tpu.yield
      }) : () -> ()
    }
    %scan3A_54 = arith.constant 20 : i32
    "tpu.region"() ({
      %run_scoped3A = tpu.sem_alloc : memref<!tpu.dma_semaphore, #tpu.memory_space<semaphore_mem>>
      %dma_start3A_69 = arith.constant 40 : i32
      %dma_start3A_70 = arith.constant 0 : i32
      %dma_start3A_71 = tpu.memref_slice %arg3[%add3A, %dma_start3A_69, %dma_start3A_70] : memref<32x80x128xi32, #tpu.memory_space<hbm>> -> memref<1x40x128xi32, #tpu.memory_space<hbm>>
      %dma_start3A_72 = tpu.memref_squeeze %dma_start3A_71 : memref<1x40x128xi32, #tpu.memory_space<hbm>> -> memref<40x128xi32, #tpu.memory_space<hbm>>
      %dma_start3A_73 = arith.constant 40 : i32
      %dma_start3A_74 = arith.constant 0 : i32
      %dma_start3A_75 = tpu.memref_slice %arg3[%add3A, %dma_start3A_73, %dma_start3A_74] : memref<32x80x128xi32, #tpu.memory_space<hbm>> -> memref<1x40x128xi32, #tpu.memory_space<hbm>>
      %dma_start3A_76 = tpu.memref_squeeze %dma_start3A_75 : memref<1x40x128xi32, #tpu.memory_space<hbm>> -> memref<40x128xi32, #tpu.memory_space<hbm>>
      tpu.enqueue_dma source(%dma_start3A_76 : memref<40x128xi32, #tpu.memory_space<hbm>>) target(%arg7 : memref<40x128xi32, #tpu.memory_space<vmem>>) target_semaphore(%run_scoped3A : memref<!tpu.dma_semaphore, #tpu.memory_space<semaphore_mem>>)
      %dma_wait3A_77 = arith.constant 40 : i32
      %dma_wait3A_78 = arith.constant 0 : i32
      %dma_wait3A_79 = tpu.memref_slice %arg3[%add3A, %dma_wait3A_77, %dma_wait3A_78] : memref<32x80x128xi32, #tpu.memory_space<hbm>> -> memref<1x40x128xi32, #tpu.memory_space<hbm>>
      %dma_wait3A_80 = tpu.memref_squeeze %dma_wait3A_79 : memref<1x40x128xi32, #tpu.memory_space<hbm>> -> memref<40x128xi32, #tpu.memory_space<hbm>>
      %dma_wait3A_81 = arith.constant 40 : i32
      %dma_wait3A_82 = arith.constant 0 : i32
      %dma_wait3A_83 = tpu.memref_slice %arg3[%add3A, %dma_wait3A_81, %dma_wait3A_82] : memref<32x80x128xi32, #tpu.memory_space<hbm>> -> memref<1x40x128xi32, #tpu.memory_space<hbm>>
      %dma_wait3A_84 = tpu.memref_squeeze %dma_wait3A_83 : memref<1x40x128xi32, #tpu.memory_space<hbm>> -> memref<40x128xi32, #tpu.memory_space<hbm>>
      tpu.wait_dma2 semaphore(%run_scoped3A : memref<!tpu.dma_semaphore, #tpu.memory_space<semaphore_mem>>) src(%dma_wait3A_84 : memref<40x128xi32, #tpu.memory_space<hbm>>) dst(%arg7 : memref<40x128xi32, #tpu.memory_space<vmem>>)
      tpu.yield
    }) : () -> ()
    "tpu.region"() ({
      %run_scoped3A = tpu.sem_alloc : memref<!tpu.dma_semaphore, #tpu.memory_space<semaphore_mem>>
      %dma_start3A_69 = arith.constant 40 : i32
      %dma_start3A_70 = arith.constant 0 : i32
      %dma_start3A_71 = tpu.memref_slice %arg4[%add3A, %dma_start3A_69, %dma_start3A_70] : memref<32x80x128xi32, #tpu.memory_space<hbm>> -> memref<1x40x128xi32, #tpu.memory_space<hbm>>
      %dma_start3A_72 = tpu.memref_squeeze %dma_start3A_71 : memref<1x40x128xi32, #tpu.memory_space<hbm>> -> memref<40x128xi32, #tpu.memory_space<hbm>>
      %dma_start3A_73 = arith.constant 40 : i32
      %dma_start3A_74 = arith.constant 0 : i32
      %dma_start3A_75 = tpu.memref_slice %arg4[%add3A, %dma_start3A_73, %dma_start3A_74] : memref<32x80x128xi32, #tpu.memory_space<hbm>> -> memref<1x40x128xi32, #tpu.memory_space<hbm>>
      %dma_start3A_76 = tpu.memref_squeeze %dma_start3A_75 : memref<1x40x128xi32, #tpu.memory_space<hbm>> -> memref<40x128xi32, #tpu.memory_space<hbm>>
      tpu.enqueue_dma source(%dma_start3A_76 : memref<40x128xi32, #tpu.memory_space<hbm>>) target(%arg8 : memref<40x128xi32, #tpu.memory_space<vmem>>) target_semaphore(%run_scoped3A : memref<!tpu.dma_semaphore, #tpu.memory_space<semaphore_mem>>)
      %dma_wait3A_77 = arith.constant 40 : i32
      %dma_wait3A_78 = arith.constant 0 : i32
      %dma_wait3A_79 = tpu.memref_slice %arg4[%add3A, %dma_wait3A_77, %dma_wait3A_78] : memref<32x80x128xi32, #tpu.memory_space<hbm>> -> memref<1x40x128xi32, #tpu.memory_space<hbm>>
      %dma_wait3A_80 = tpu.memref_squeeze %dma_wait3A_79 : memref<1x40x128xi32, #tpu.memory_space<hbm>> -> memref<40x128xi32, #tpu.memory_space<hbm>>
      %dma_wait3A_81 = arith.constant 40 : i32
      %dma_wait3A_82 = arith.constant 0 : i32
      %dma_wait3A_83 = tpu.memref_slice %arg4[%add3A, %dma_wait3A_81, %dma_wait3A_82] : memref<32x80x128xi32, #tpu.memory_space<hbm>> -> memref<1x40x128xi32, #tpu.memory_space<hbm>>
      %dma_wait3A_84 = tpu.memref_squeeze %dma_wait3A_83 : memref<1x40x128xi32, #tpu.memory_space<hbm>> -> memref<40x128xi32, #tpu.memory_space<hbm>>
      tpu.wait_dma2 semaphore(%run_scoped3A : memref<!tpu.dma_semaphore, #tpu.memory_space<semaphore_mem>>) src(%dma_wait3A_84 : memref<40x128xi32, #tpu.memory_space<hbm>>) dst(%arg8 : memref<40x128xi32, #tpu.memory_space<vmem>>)
      tpu.yield
    }) : () -> ()
    %dma_start3A_55 = arith.constant 0 : i32
    %dma_start3A_56 = arith.constant 0 : i32
    %dma_start3A_57 = tpu.memref_slice %arg7[%dma_start3A_55, %dma_start3A_56] : memref<40x128xi32, #tpu.memory_space<vmem>> -> memref<1x128xi32, #tpu.memory_space<vmem>>
    %dma_start3A_58 = tpu.memref_squeeze %dma_start3A_57 : memref<1x128xi32, #tpu.memory_space<vmem>> -> memref<128xi32, #tpu.memory_space<vmem>>
    %dma_start3A_59 = arith.constant 0 : i32
    %dma_start3A_60 = arith.constant 0 : i32
    %dma_start3A_61 = tpu.memref_slice %arg2[%dma_start3A_59, %dma_start3A_60] : memref<10000x48xf32, #tpu.memory_space<hbm>> -> memref<10000x48xf32, #tpu.memory_space<hbm>>
    tpu.enqueue_indirect_dma source(%dma_start3A_61 : memref<10000x48xf32, #tpu.memory_space<hbm>>) target(%arg9 : memref<128x48xf32, #tpu.memory_space<vmem>>) offsets(%dma_start3A_58 : memref<128xi32, #tpu.memory_space<vmem>>) semaphore(%arg12 : memref<!tpu.dma_semaphore, #tpu.memory_space<semaphore_mem>>)
    %scan3A_62 = arith.constant 0 : i32
    %scan3A_63 = arith.constant 0 : i32
    %scan3A_64 = arith.constant 20 : i32
    %scan3A_65 = arith.addi %scan3A_63, %scan3A_64 : i32
    %scan3A_66 = arith.constant 1 : i32
    scf.for %scan3A_69 = %scan3A_63 to %scan3A_65 step %scan3A_66  : i32 {
      %mul3A_70 = arith.constant 2 : i32
      %mul3A_71 = arith.muli %mul3A_70, %scan3A_69 : i32
      %add3A_72 = arith.constant 1 : i32
      %add3A_73 = arith.addi %mul3A_71, %add3A_72 : i32
      %dma_start3A_74 = arith.constant 0 : i32
      %dma_start3A_75 = tpu.memref_slice %arg7[%add3A_73, %dma_start3A_74] : memref<40x128xi32, #tpu.memory_space<vmem>> -> memref<1x128xi32, #tpu.memory_space<vmem>>
      %dma_start3A_76 = tpu.memref_squeeze %dma_start3A_75 : memref<1x128xi32, #tpu.memory_space<vmem>> -> memref<128xi32, #tpu.memory_space<vmem>>
      %dma_start3A_77 = arith.constant 0 : i32
      %dma_start3A_78 = arith.constant 0 : i32
      %dma_start3A_79 = tpu.memref_slice %arg2[%dma_start3A_77, %dma_start3A_78] : memref<10000x48xf32, #tpu.memory_space<hbm>> -> memref<10000x48xf32, #tpu.memory_space<hbm>>
      tpu.enqueue_indirect_dma source(%dma_start3A_79 : memref<10000x48xf32, #tpu.memory_space<hbm>>) target(%arg10 : memref<128x48xf32, #tpu.memory_space<vmem>>) offsets(%dma_start3A_76 : memref<128xi32, #tpu.memory_space<vmem>>) semaphore(%arg13 : memref<!tpu.dma_semaphore, #tpu.memory_space<semaphore_mem>>)
      %dma_wait3A_80 = arith.constant 0 : i32
      %dma_wait3A_81 = tpu.memref_slice %arg7[%mul3A_71, %dma_wait3A_80] : memref<40x128xi32, #tpu.memory_space<vmem>> -> memref<1x128xi32, #tpu.memory_space<vmem>>
      %dma_wait3A_82 = tpu.memref_squeeze %dma_wait3A_81 : memref<1x128xi32, #tpu.memory_space<vmem>> -> memref<128xi32, #tpu.memory_space<vmem>>
      %dma_wait3A_83 = arith.constant 0 : i32
      %dma_wait3A_84 = arith.constant 0 : i32
      %dma_wait3A_85 = tpu.memref_slice %arg2[%dma_wait3A_83, %dma_wait3A_84] : memref<10000x48xf32, #tpu.memory_space<hbm>> -> memref<10000x48xf32, #tpu.memory_space<hbm>>
      tpu.wait_indirect_dma semaphore(%arg12 : memref<!tpu.dma_semaphore, #tpu.memory_space<semaphore_mem>>) src(%dma_wait3A_85 : memref<10000x48xf32, #tpu.memory_space<hbm>>) dst(%arg9 : memref<128x48xf32, #tpu.memory_space<vmem>>)
      "tpu.region"() ({
        %run_scoped3A = tpu.sem_alloc : memref<!tpu.dma_semaphore, #tpu.memory_space<semaphore_mem>>
        %dma_start3A_100 = arith.constant 0 : i32
        %dma_start3A_101 = tpu.memref_slice %arg8[%mul3A_71, %dma_start3A_100] : memref<40x128xi32, #tpu.memory_space<vmem>> -> memref<1x128xi32, #tpu.memory_space<vmem>>
        %dma_start3A_102 = tpu.memref_squeeze %dma_start3A_101 : memref<1x128xi32, #tpu.memory_space<vmem>> -> memref<128xi32, #tpu.memory_space<vmem>>
        %dma_start3A_103 = arith.constant 0 : i32
        %dma_start3A_104 = arith.constant 0 : i32
        %dma_start3A_105 = tpu.memref_slice %arg11[%dma_start3A_103, %dma_start3A_104] : memref<10112x48xf32, #tpu.memory_space<vmem_shared>> -> memref<10112x48xf32, #tpu.memory_space<vmem_shared>>
        tpu.enqueue_indirect_dma source(%arg9 : memref<128x48xf32, #tpu.memory_space<vmem>>) target(%dma_start3A_105 : memref<10112x48xf32, #tpu.memory_space<vmem_shared>>) offsets(%dma_start3A_102 : memref<128xi32, #tpu.memory_space<vmem>>) semaphore(%run_scoped3A : memref<!tpu.dma_semaphore, #tpu.memory_space<semaphore_mem>>) {add = true}
        %dma_wait3A_106 = arith.constant 0 : i32
        %dma_wait3A_107 = tpu.memref_slice %arg8[%mul3A_71, %dma_wait3A_106] : memref<40x128xi32, #tpu.memory_space<vmem>> -> memref<1x128xi32, #tpu.memory_space<vmem>>
        %dma_wait3A_108 = tpu.memref_squeeze %dma_wait3A_107 : memref<1x128xi32, #tpu.memory_space<vmem>> -> memref<128xi32, #tpu.memory_space<vmem>>
        %dma_wait3A_109 = arith.constant 0 : i32
        %dma_wait3A_110 = arith.constant 0 : i32
        %dma_wait3A_111 = tpu.memref_slice %arg11[%dma_wait3A_109, %dma_wait3A_110] : memref<10112x48xf32, #tpu.memory_space<vmem_shared>> -> memref<10112x48xf32, #tpu.memory_space<vmem_shared>>
        tpu.wait_indirect_dma semaphore(%run_scoped3A : memref<!tpu.dma_semaphore, #tpu.memory_space<semaphore_mem>>) src(%arg9 : memref<128x48xf32, #tpu.memory_space<vmem>>) dst(%dma_wait3A_111 : memref<10112x48xf32, #tpu.memory_space<vmem_shared>>)
        tpu.yield
      }) : () -> ()
      %add3A_86 = arith.constant 2 : i32
      %add3A_87 = arith.addi %mul3A_71, %add3A_86 : i32
      %lt3A = arith.constant 40 : i32
      %lt3A_88 = arith.cmpi slt, %add3A_87, %lt3A : i32
      %convert_element_type3A = arith.extui %lt3A_88 : i1 to i32
      %cond3A = arith.constant 0 : i32
      %cond3A_89 = arith.cmpi ne, %convert_element_type3A, %cond3A : i32
      scf.if %cond3A_89 {
        %add3A_100 = arith.constant 2 : i32
        %add3A_101 = arith.addi %mul3A_71, %add3A_100 : i32
        %dma_start3A_102 = arith.constant 0 : i32
        %dma_start3A_103 = tpu.memref_slice %arg7[%add3A_101, %dma_start3A_102] : memref<40x128xi32, #tpu.memory_space<vmem>> -> memref<1x128xi32, #tpu.memory_space<vmem>>
        %dma_start3A_104 = tpu.memref_squeeze %dma_start3A_103 : memref<1x128xi32, #tpu.memory_space<vmem>> -> memref<128xi32, #tpu.memory_space<vmem>>
        %dma_start3A_105 = arith.constant 0 : i32
        %dma_start3A_106 = arith.constant 0 : i32
        %dma_start3A_107 = tpu.memref_slice %arg2[%dma_start3A_105, %dma_start3A_106] : memref<10000x48xf32, #tpu.memory_space<hbm>> -> memref<10000x48xf32, #tpu.memory_space<hbm>>
        tpu.enqueue_indirect_dma source(%dma_start3A_107 : memref<10000x48xf32, #tpu.memory_space<hbm>>) target(%arg9 : memref<128x48xf32, #tpu.memory_space<vmem>>) offsets(%dma_start3A_104 : memref<128xi32, #tpu.memory_space<vmem>>) semaphore(%arg12 : memref<!tpu.dma_semaphore, #tpu.memory_space<semaphore_mem>>)
      } else {
      }
      %add3A_90 = arith.constant 1 : i32
      %add3A_91 = arith.addi %mul3A_71, %add3A_90 : i32
      %dma_wait3A_92 = arith.constant 0 : i32
      %dma_wait3A_93 = tpu.memref_slice %arg7[%add3A_91, %dma_wait3A_92] : memref<40x128xi32, #tpu.memory_space<vmem>> -> memref<1x128xi32, #tpu.memory_space<vmem>>
      %dma_wait3A_94 = tpu.memref_squeeze %dma_wait3A_93 : memref<1x128xi32, #tpu.memory_space<vmem>> -> memref<128xi32, #tpu.memory_space<vmem>>
      %dma_wait3A_95 = arith.constant 0 : i32
      %dma_wait3A_96 = arith.constant 0 : i32
      %dma_wait3A_97 = tpu.memref_slice %arg2[%dma_wait3A_95, %dma_wait3A_96] : memref<10000x48xf32, #tpu.memory_space<hbm>> -> memref<10000x48xf32, #tpu.memory_space<hbm>>
      tpu.wait_indirect_dma semaphore(%arg13 : memref<!tpu.dma_semaphore, #tpu.memory_space<semaphore_mem>>) src(%dma_wait3A_97 : memref<10000x48xf32, #tpu.memory_space<hbm>>) dst(%arg10 : memref<128x48xf32, #tpu.memory_space<vmem>>)
      %add3A_98 = arith.constant 1 : i32
      %add3A_99 = arith.addi %mul3A_71, %add3A_98 : i32
      "tpu.region"() ({
        %run_scoped3A = tpu.sem_alloc : memref<!tpu.dma_semaphore, #tpu.memory_space<semaphore_mem>>
        %dma_start3A_100 = arith.constant 0 : i32
        %dma_start3A_101 = tpu.memref_slice %arg8[%add3A_99, %dma_start3A_100] : memref<40x128xi32, #tpu.memory_space<vmem>> -> memref<1x128xi32, #tpu.memory_space<vmem>>
        %dma_start3A_102 = tpu.memref_squeeze %dma_start3A_101 : memref<1x128xi32, #tpu.memory_space<vmem>> -> memref<128xi32, #tpu.memory_space<vmem>>
        %dma_start3A_103 = arith.constant 0 : i32
        %dma_start3A_104 = arith.constant 0 : i32
        %dma_start3A_105 = tpu.memref_slice %arg11[%dma_start3A_103, %dma_start3A_104] : memref<10112x48xf32, #tpu.memory_space<vmem_shared>> -> memref<10112x48xf32, #tpu.memory_space<vmem_shared>>
        tpu.enqueue_indirect_dma source(%arg10 : memref<128x48xf32, #tpu.memory_space<vmem>>) target(%dma_start3A_105 : memref<10112x48xf32, #tpu.memory_space<vmem_shared>>) offsets(%dma_start3A_102 : memref<128xi32, #tpu.memory_space<vmem>>) semaphore(%run_scoped3A : memref<!tpu.dma_semaphore, #tpu.memory_space<semaphore_mem>>) {add = true}
        %dma_wait3A_106 = arith.constant 0 : i32
        %dma_wait3A_107 = tpu.memref_slice %arg8[%add3A_99, %dma_wait3A_106] : memref<40x128xi32, #tpu.memory_space<vmem>> -> memref<1x128xi32, #tpu.memory_space<vmem>>
        %dma_wait3A_108 = tpu.memref_squeeze %dma_wait3A_107 : memref<1x128xi32, #tpu.memory_space<vmem>> -> memref<128xi32, #tpu.memory_space<vmem>>
        %dma_wait3A_109 = arith.constant 0 : i32
        %dma_wait3A_110 = arith.constant 0 : i32
        %dma_wait3A_111 = tpu.memref_slice %arg11[%dma_wait3A_109, %dma_wait3A_110] : memref<10112x48xf32, #tpu.memory_space<vmem_shared>> -> memref<10112x48xf32, #tpu.memory_space<vmem_shared>>
        tpu.wait_indirect_dma semaphore(%run_scoped3A : memref<!tpu.dma_semaphore, #tpu.memory_space<semaphore_mem>>) src(%arg10 : memref<128x48xf32, #tpu.memory_space<vmem>>) dst(%dma_wait3A_111 : memref<10112x48xf32, #tpu.memory_space<vmem_shared>>)
        tpu.yield
      }) : () -> ()
    }
    %scan3A_67 = arith.constant 20 : i32
    %barrier3A_68 = arith.constant 0 : index
    tpu.barrier barrier_id(%barrier3A_68)
    "tpu.region"() ({
      %run_scoped3A = tpu.sem_alloc : memref<!tpu.dma_semaphore, #tpu.memory_space<semaphore_mem>>
      %dma_start3A_69 = arith.constant 0 : i32
      %dma_start3A_70 = tpu.memref_slice %arg6[%arg0, %mul3A_2, %dma_start3A_69] : memref<2x10112x48xf32, #tpu.memory_space<hbm>> -> memref<1x632x48xf32, #tpu.memory_space<hbm>>
      %dma_start3A_71 = tpu.memref_squeeze %dma_start3A_70 : memref<1x632x48xf32, #tpu.memory_space<hbm>> -> memref<632x48xf32, #tpu.memory_space<hbm>>
      %dma_start3A_72 = arith.constant 0 : i32
      %dma_start3A_73 = tpu.memref_slice %arg11[%mul3A_2, %dma_start3A_72] : memref<10112x48xf32, #tpu.memory_space<vmem_shared>> -> memref<632x48xf32, #tpu.memory_space<vmem_shared>>
      tpu.enqueue_dma source(%dma_start3A_73 : memref<632x48xf32, #tpu.memory_space<vmem_shared>>) target(%dma_start3A_71 : memref<632x48xf32, #tpu.memory_space<hbm>>) target_semaphore(%run_scoped3A : memref<!tpu.dma_semaphore, #tpu.memory_space<semaphore_mem>>)
      %dma_wait3A_74 = arith.constant 0 : i32
      %dma_wait3A_75 = tpu.memref_slice %arg6[%arg0, %mul3A_2, %dma_wait3A_74] : memref<2x10112x48xf32, #tpu.memory_space<hbm>> -> memref<1x632x48xf32, #tpu.memory_space<hbm>>
      %dma_wait3A_76 = tpu.memref_squeeze %dma_wait3A_75 : memref<1x632x48xf32, #tpu.memory_space<hbm>> -> memref<632x48xf32, #tpu.memory_space<hbm>>
      %dma_wait3A_77 = arith.constant 0 : i32
      %dma_wait3A_78 = tpu.memref_slice %arg11[%mul3A_2, %dma_wait3A_77] : memref<10112x48xf32, #tpu.memory_space<vmem_shared>> -> memref<632x48xf32, #tpu.memory_space<vmem_shared>>
      tpu.wait_dma2 semaphore(%run_scoped3A : memref<!tpu.dma_semaphore, #tpu.memory_space<semaphore_mem>>) src(%dma_wait3A_78 : memref<632x48xf32, #tpu.memory_space<vmem_shared>>) dst(%dma_wait3A_76 : memref<632x48xf32, #tpu.memory_space<hbm>>)
      tpu.yield
    }) : () -> ()
    return
  }
}

#map = affine_map<(d0, d1) -> (0, 0)>
#map1 = affine_map<(d0, d1) -> (0, 0, 0)>
module attributes {stable_mosaic.version = 14 : i64} {
  func.func @agg(%arg0: i32, %arg1: i32, %arg2: memref<10000x128xf32, #tpu.memory_space<hbm>>, %arg3: memref<32x80x128xi32, #tpu.memory_space<hbm>>, %arg4: memref<32x80x128xi32, #tpu.memory_space<hbm>>, %arg5: memref<128x128xf32, #tpu.memory_space<hbm>>, %arg6: memref<2x10112x128xf32, #tpu.memory_space<hbm>>, %arg7: memref<40x128xi32, #tpu.memory_space<vmem>>, %arg8: memref<40x128xi32, #tpu.memory_space<vmem>>, %arg9: memref<128x128xf32, #tpu.memory_space<vmem>>, %arg10: memref<128x128xf32, #tpu.memory_space<vmem>>, %arg11: memref<10112x128xf32, #tpu.memory_space<vmem_shared>>, %arg12: memref<!tpu.dma_semaphore, #tpu.memory_space<semaphore_mem>>, %arg13: memref<!tpu.dma_semaphore, #tpu.memory_space<semaphore_mem>>) attributes {dimension_semantics = [#tpu.dimension_semantics<core_parallel>, #tpu.dimension_semantics<subcore_parallel>], iteration_bounds = array<i64: 2, 16>, scalar_prefetch = 0 : i64, scratch_operands = 7 : i64, tpu.core_type = #tpu.core_type<sc_vector_subcore>, window_params = [{transform_indices = #map}, {transform_indices = #map1}, {transform_indices = #map1}, {transform_indices = #map}, {transform_indices = #map1}]} {
    %mul3A = arith.constant 16 : i32
    %mul3A_0 = arith.muli %arg0, %mul3A : i32
    %add3A = arith.addi %mul3A_0, %arg1 : i32
    %mul3A_1 = arith.constant 632 : i32
    %mul3A_2 = arith.muli %arg1, %mul3A_1 : i32
    %dma_start3A = arith.constant 0 : i32
    %dma_start3A_3 = arith.constant 0 : i32
    %dma_start3A_4 = tpu.memref_slice %arg3[%add3A, %dma_start3A, %dma_start3A_3] : memref<32x80x128xi32, #tpu.memory_space<hbm>> -> memref<1x40x128xi32, #tpu.memory_space<hbm>>
    %dma_start3A_5 = tpu.memref_squeeze %dma_start3A_4 : memref<1x40x128xi32, #tpu.memory_space<hbm>> -> memref<40x128xi32, #tpu.memory_space<hbm>>
    %dma_start3A_6 = arith.constant 0 : i32
    %dma_start3A_7 = arith.constant 0 : i32
    %dma_start3A_8 = tpu.memref_slice %arg3[%add3A, %dma_start3A_6, %dma_start3A_7] : memref<32x80x128xi32, #tpu.memory_space<hbm>> -> memref<1x40x128xi32, #tpu.memory_space<hbm>>
    %dma_start3A_9 = tpu.memref_squeeze %dma_start3A_8 : memref<1x40x128xi32, #tpu.memory_space<hbm>> -> memref<40x128xi32, #tpu.memory_space<hbm>>
    tpu.enqueue_dma source(%dma_start3A_9 : memref<40x128xi32, #tpu.memory_space<hbm>>) target(%arg7 : memref<40x128xi32, #tpu.memory_space<vmem>>) target_semaphore(%arg13 : memref<!tpu.dma_semaphore, #tpu.memory_space<semaphore_mem>>)
    %dma_start3A_10 = arith.constant 0 : i32
    %dma_start3A_11 = arith.constant 0 : i32
    %dma_start3A_12 = tpu.memref_slice %arg4[%add3A, %dma_start3A_10, %dma_start3A_11] : memref<32x80x128xi32, #tpu.memory_space<hbm>> -> memref<1x40x128xi32, #tpu.memory_space<hbm>>
    %dma_start3A_13 = tpu.memref_squeeze %dma_start3A_12 : memref<1x40x128xi32, #tpu.memory_space<hbm>> -> memref<40x128xi32, #tpu.memory_space<hbm>>
    %dma_start3A_14 = arith.constant 0 : i32
    %dma_start3A_15 = arith.constant 0 : i32
    %dma_start3A_16 = tpu.memref_slice %arg4[%add3A, %dma_start3A_14, %dma_start3A_15] : memref<32x80x128xi32, #tpu.memory_space<hbm>> -> memref<1x40x128xi32, #tpu.memory_space<hbm>>
    %dma_start3A_17 = tpu.memref_squeeze %dma_start3A_16 : memref<1x40x128xi32, #tpu.memory_space<hbm>> -> memref<40x128xi32, #tpu.memory_space<hbm>>
    tpu.enqueue_dma source(%dma_start3A_17 : memref<40x128xi32, #tpu.memory_space<hbm>>) target(%arg8 : memref<40x128xi32, #tpu.memory_space<vmem>>) target_semaphore(%arg13 : memref<!tpu.dma_semaphore, #tpu.memory_space<semaphore_mem>>)
    "tpu.region"() ({
      %run_scoped3A = tpu.sem_alloc : memref<!tpu.dma_semaphore, #tpu.memory_space<semaphore_mem>>
      tpu.enqueue_dma source(%arg5 : memref<128x128xf32, #tpu.memory_space<hbm>>) target(%arg9 : memref<128x128xf32, #tpu.memory_space<vmem>>) target_semaphore(%run_scoped3A : memref<!tpu.dma_semaphore, #tpu.memory_space<semaphore_mem>>)
      tpu.wait_dma2 semaphore(%run_scoped3A : memref<!tpu.dma_semaphore, #tpu.memory_space<semaphore_mem>>) src(%arg5 : memref<128x128xf32, #tpu.memory_space<hbm>>) dst(%arg9 : memref<128x128xf32, #tpu.memory_space<vmem>>)
      tpu.yield
    }) : () -> ()
    %add3A_18 = arith.constant 0 : i32
    %add3A_19 = arith.addi %mul3A_2, %add3A_18 : i32
    "tpu.region"() ({
      %run_scoped3A = tpu.sem_alloc : memref<!tpu.dma_semaphore, #tpu.memory_space<semaphore_mem>>
      %dma_start3A_69 = arith.constant 0 : i32
      %dma_start3A_70 = tpu.memref_slice %arg11[%add3A_19, %dma_start3A_69] : memref<10112x128xf32, #tpu.memory_space<vmem_shared>> -> memref<128x128xf32, #tpu.memory_space<vmem_shared>>
      %dma_start3A_71 = arith.constant 0 : i32
      %dma_start3A_72 = tpu.memref_slice %arg11[%add3A_19, %dma_start3A_71] : memref<10112x128xf32, #tpu.memory_space<vmem_shared>> -> memref<128x128xf32, #tpu.memory_space<vmem_shared>>
      tpu.enqueue_dma source(%arg9 : memref<128x128xf32, #tpu.memory_space<vmem>>) target(%dma_start3A_72 : memref<128x128xf32, #tpu.memory_space<vmem_shared>>) target_semaphore(%run_scoped3A : memref<!tpu.dma_semaphore, #tpu.memory_space<semaphore_mem>>)
      %dma_wait3A_73 = arith.constant 0 : i32
      %dma_wait3A_74 = tpu.memref_slice %arg11[%add3A_19, %dma_wait3A_73] : memref<10112x128xf32, #tpu.memory_space<vmem_shared>> -> memref<128x128xf32, #tpu.memory_space<vmem_shared>>
      %dma_wait3A_75 = arith.constant 0 : i32
      %dma_wait3A_76 = tpu.memref_slice %arg11[%add3A_19, %dma_wait3A_75] : memref<10112x128xf32, #tpu.memory_space<vmem_shared>> -> memref<128x128xf32, #tpu.memory_space<vmem_shared>>
      tpu.wait_dma2 semaphore(%run_scoped3A : memref<!tpu.dma_semaphore, #tpu.memory_space<semaphore_mem>>) src(%arg9 : memref<128x128xf32, #tpu.memory_space<vmem>>) dst(%dma_wait3A_76 : memref<128x128xf32, #tpu.memory_space<vmem_shared>>)
      tpu.yield
    }) : () -> ()
    %add3A_20 = arith.constant 128 : i32
    %add3A_21 = arith.addi %mul3A_2, %add3A_20 : i32
    "tpu.region"() ({
      %run_scoped3A = tpu.sem_alloc : memref<!tpu.dma_semaphore, #tpu.memory_space<semaphore_mem>>
      %dma_start3A_69 = arith.constant 0 : i32
      %dma_start3A_70 = tpu.memref_slice %arg11[%add3A_21, %dma_start3A_69] : memref<10112x128xf32, #tpu.memory_space<vmem_shared>> -> memref<128x128xf32, #tpu.memory_space<vmem_shared>>
      %dma_start3A_71 = arith.constant 0 : i32
      %dma_start3A_72 = tpu.memref_slice %arg11[%add3A_21, %dma_start3A_71] : memref<10112x128xf32, #tpu.memory_space<vmem_shared>> -> memref<128x128xf32, #tpu.memory_space<vmem_shared>>
      tpu.enqueue_dma source(%arg9 : memref<128x128xf32, #tpu.memory_space<vmem>>) target(%dma_start3A_72 : memref<128x128xf32, #tpu.memory_space<vmem_shared>>) target_semaphore(%run_scoped3A : memref<!tpu.dma_semaphore, #tpu.memory_space<semaphore_mem>>)
      %dma_wait3A_73 = arith.constant 0 : i32
      %dma_wait3A_74 = tpu.memref_slice %arg11[%add3A_21, %dma_wait3A_73] : memref<10112x128xf32, #tpu.memory_space<vmem_shared>> -> memref<128x128xf32, #tpu.memory_space<vmem_shared>>
      %dma_wait3A_75 = arith.constant 0 : i32
      %dma_wait3A_76 = tpu.memref_slice %arg11[%add3A_21, %dma_wait3A_75] : memref<10112x128xf32, #tpu.memory_space<vmem_shared>> -> memref<128x128xf32, #tpu.memory_space<vmem_shared>>
      tpu.wait_dma2 semaphore(%run_scoped3A : memref<!tpu.dma_semaphore, #tpu.memory_space<semaphore_mem>>) src(%arg9 : memref<128x128xf32, #tpu.memory_space<vmem>>) dst(%dma_wait3A_76 : memref<128x128xf32, #tpu.memory_space<vmem_shared>>)
      tpu.yield
    }) : () -> ()
    %add3A_22 = arith.constant 256 : i32
    %add3A_23 = arith.addi %mul3A_2, %add3A_22 : i32
    "tpu.region"() ({
      %run_scoped3A = tpu.sem_alloc : memref<!tpu.dma_semaphore, #tpu.memory_space<semaphore_mem>>
      %dma_start3A_69 = arith.constant 0 : i32
      %dma_start3A_70 = tpu.memref_slice %arg11[%add3A_23, %dma_start3A_69] : memref<10112x128xf32, #tpu.memory_space<vmem_shared>> -> memref<128x128xf32, #tpu.memory_space<vmem_shared>>
      %dma_start3A_71 = arith.constant 0 : i32
      %dma_start3A_72 = tpu.memref_slice %arg11[%add3A_23, %dma_start3A_71] : memref<10112x128xf32, #tpu.memory_space<vmem_shared>> -> memref<128x128xf32, #tpu.memory_space<vmem_shared>>
      tpu.enqueue_dma source(%arg9 : memref<128x128xf32, #tpu.memory_space<vmem>>) target(%dma_start3A_72 : memref<128x128xf32, #tpu.memory_space<vmem_shared>>) target_semaphore(%run_scoped3A : memref<!tpu.dma_semaphore, #tpu.memory_space<semaphore_mem>>)
      %dma_wait3A_73 = arith.constant 0 : i32
      %dma_wait3A_74 = tpu.memref_slice %arg11[%add3A_23, %dma_wait3A_73] : memref<10112x128xf32, #tpu.memory_space<vmem_shared>> -> memref<128x128xf32, #tpu.memory_space<vmem_shared>>
      %dma_wait3A_75 = arith.constant 0 : i32
      %dma_wait3A_76 = tpu.memref_slice %arg11[%add3A_23, %dma_wait3A_75] : memref<10112x128xf32, #tpu.memory_space<vmem_shared>> -> memref<128x128xf32, #tpu.memory_space<vmem_shared>>
      tpu.wait_dma2 semaphore(%run_scoped3A : memref<!tpu.dma_semaphore, #tpu.memory_space<semaphore_mem>>) src(%arg9 : memref<128x128xf32, #tpu.memory_space<vmem>>) dst(%dma_wait3A_76 : memref<128x128xf32, #tpu.memory_space<vmem_shared>>)
      tpu.yield
    }) : () -> ()
    %add3A_24 = arith.constant 384 : i32
    %add3A_25 = arith.addi %mul3A_2, %add3A_24 : i32
    "tpu.region"() ({
      %run_scoped3A = tpu.sem_alloc : memref<!tpu.dma_semaphore, #tpu.memory_space<semaphore_mem>>
      %dma_start3A_69 = arith.constant 0 : i32
      %dma_start3A_70 = tpu.memref_slice %arg11[%add3A_25, %dma_start3A_69] : memref<10112x128xf32, #tpu.memory_space<vmem_shared>> -> memref<128x128xf32, #tpu.memory_space<vmem_shared>>
      %dma_start3A_71 = arith.constant 0 : i32
      %dma_start3A_72 = tpu.memref_slice %arg11[%add3A_25, %dma_start3A_71] : memref<10112x128xf32, #tpu.memory_space<vmem_shared>> -> memref<128x128xf32, #tpu.memory_space<vmem_shared>>
      tpu.enqueue_dma source(%arg9 : memref<128x128xf32, #tpu.memory_space<vmem>>) target(%dma_start3A_72 : memref<128x128xf32, #tpu.memory_space<vmem_shared>>) target_semaphore(%run_scoped3A : memref<!tpu.dma_semaphore, #tpu.memory_space<semaphore_mem>>)
      %dma_wait3A_73 = arith.constant 0 : i32
      %dma_wait3A_74 = tpu.memref_slice %arg11[%add3A_25, %dma_wait3A_73] : memref<10112x128xf32, #tpu.memory_space<vmem_shared>> -> memref<128x128xf32, #tpu.memory_space<vmem_shared>>
      %dma_wait3A_75 = arith.constant 0 : i32
      %dma_wait3A_76 = tpu.memref_slice %arg11[%add3A_25, %dma_wait3A_75] : memref<10112x128xf32, #tpu.memory_space<vmem_shared>> -> memref<128x128xf32, #tpu.memory_space<vmem_shared>>
      tpu.wait_dma2 semaphore(%run_scoped3A : memref<!tpu.dma_semaphore, #tpu.memory_space<semaphore_mem>>) src(%arg9 : memref<128x128xf32, #tpu.memory_space<vmem>>) dst(%dma_wait3A_76 : memref<128x128xf32, #tpu.memory_space<vmem_shared>>)
      tpu.yield
    }) : () -> ()
    %add3A_26 = arith.constant 512 : i32
    %add3A_27 = arith.addi %mul3A_2, %add3A_26 : i32
    "tpu.region"() ({
      %run_scoped3A = tpu.sem_alloc : memref<!tpu.dma_semaphore, #tpu.memory_space<semaphore_mem>>
      %dma_start3A_69 = arith.constant 0 : i32
      %dma_start3A_70 = arith.constant 0 : i32
      %dma_start3A_71 = tpu.memref_slice %arg9[%dma_start3A_69, %dma_start3A_70] : memref<128x128xf32, #tpu.memory_space<vmem>> -> memref<120x128xf32, #tpu.memory_space<vmem>>
      %dma_start3A_72 = arith.constant 0 : i32
      %dma_start3A_73 = tpu.memref_slice %arg11[%add3A_27, %dma_start3A_72] : memref<10112x128xf32, #tpu.memory_space<vmem_shared>> -> memref<120x128xf32, #tpu.memory_space<vmem_shared>>
      %dma_start3A_74 = arith.constant 0 : i32
      %dma_start3A_75 = tpu.memref_slice %arg11[%add3A_27, %dma_start3A_74] : memref<10112x128xf32, #tpu.memory_space<vmem_shared>> -> memref<120x128xf32, #tpu.memory_space<vmem_shared>>
      %dma_start3A_76 = arith.constant 0 : i32
      %dma_start3A_77 = arith.constant 0 : i32
      %dma_start3A_78 = tpu.memref_slice %arg9[%dma_start3A_76, %dma_start3A_77] : memref<128x128xf32, #tpu.memory_space<vmem>> -> memref<120x128xf32, #tpu.memory_space<vmem>>
      tpu.enqueue_dma source(%dma_start3A_78 : memref<120x128xf32, #tpu.memory_space<vmem>>) target(%dma_start3A_75 : memref<120x128xf32, #tpu.memory_space<vmem_shared>>) target_semaphore(%run_scoped3A : memref<!tpu.dma_semaphore, #tpu.memory_space<semaphore_mem>>)
      %dma_wait3A_79 = arith.constant 0 : i32
      %dma_wait3A_80 = arith.constant 0 : i32
      %dma_wait3A_81 = tpu.memref_slice %arg9[%dma_wait3A_79, %dma_wait3A_80] : memref<128x128xf32, #tpu.memory_space<vmem>> -> memref<120x128xf32, #tpu.memory_space<vmem>>
      %dma_wait3A_82 = arith.constant 0 : i32
      %dma_wait3A_83 = tpu.memref_slice %arg11[%add3A_27, %dma_wait3A_82] : memref<10112x128xf32, #tpu.memory_space<vmem_shared>> -> memref<120x128xf32, #tpu.memory_space<vmem_shared>>
      %dma_wait3A_84 = arith.constant 0 : i32
      %dma_wait3A_85 = tpu.memref_slice %arg11[%add3A_27, %dma_wait3A_84] : memref<10112x128xf32, #tpu.memory_space<vmem_shared>> -> memref<120x128xf32, #tpu.memory_space<vmem_shared>>
      %dma_wait3A_86 = arith.constant 0 : i32
      %dma_wait3A_87 = arith.constant 0 : i32
      %dma_wait3A_88 = tpu.memref_slice %arg9[%dma_wait3A_86, %dma_wait3A_87] : memref<128x128xf32, #tpu.memory_space<vmem>> -> memref<120x128xf32, #tpu.memory_space<vmem>>
      tpu.wait_dma2 semaphore(%run_scoped3A : memref<!tpu.dma_semaphore, #tpu.memory_space<semaphore_mem>>) src(%dma_wait3A_88 : memref<120x128xf32, #tpu.memory_space<vmem>>) dst(%dma_wait3A_85 : memref<120x128xf32, #tpu.memory_space<vmem_shared>>)
      tpu.yield
    }) : () -> ()
    %barrier3A = arith.constant 0 : index
    tpu.barrier barrier_id(%barrier3A)
    %dma_wait3A = arith.constant 0 : i32
    %dma_wait3A_28 = arith.constant 0 : i32
    %dma_wait3A_29 = tpu.memref_slice %arg3[%add3A, %dma_wait3A, %dma_wait3A_28] : memref<32x80x128xi32, #tpu.memory_space<hbm>> -> memref<1x40x128xi32, #tpu.memory_space<hbm>>
    %dma_wait3A_30 = tpu.memref_squeeze %dma_wait3A_29 : memref<1x40x128xi32, #tpu.memory_space<hbm>> -> memref<40x128xi32, #tpu.memory_space<hbm>>
    %dma_wait3A_31 = arith.constant 0 : i32
    %dma_wait3A_32 = arith.constant 0 : i32
    %dma_wait3A_33 = tpu.memref_slice %arg3[%add3A, %dma_wait3A_31, %dma_wait3A_32] : memref<32x80x128xi32, #tpu.memory_space<hbm>> -> memref<1x40x128xi32, #tpu.memory_space<hbm>>
    %dma_wait3A_34 = tpu.memref_squeeze %dma_wait3A_33 : memref<1x40x128xi32, #tpu.memory_space<hbm>> -> memref<40x128xi32, #tpu.memory_space<hbm>>
    tpu.wait_dma2 semaphore(%arg13 : memref<!tpu.dma_semaphore, #tpu.memory_space<semaphore_mem>>) src(%dma_wait3A_34 : memref<40x128xi32, #tpu.memory_space<hbm>>) dst(%arg7 : memref<40x128xi32, #tpu.memory_space<vmem>>)
    %dma_wait3A_35 = arith.constant 0 : i32
    %dma_wait3A_36 = arith.constant 0 : i32
    %dma_wait3A_37 = tpu.memref_slice %arg4[%add3A, %dma_wait3A_35, %dma_wait3A_36] : memref<32x80x128xi32, #tpu.memory_space<hbm>> -> memref<1x40x128xi32, #tpu.memory_space<hbm>>
    %dma_wait3A_38 = tpu.memref_squeeze %dma_wait3A_37 : memref<1x40x128xi32, #tpu.memory_space<hbm>> -> memref<40x128xi32, #tpu.memory_space<hbm>>
    %dma_wait3A_39 = arith.constant 0 : i32
    %dma_wait3A_40 = arith.constant 0 : i32
    %dma_wait3A_41 = tpu.memref_slice %arg4[%add3A, %dma_wait3A_39, %dma_wait3A_40] : memref<32x80x128xi32, #tpu.memory_space<hbm>> -> memref<1x40x128xi32, #tpu.memory_space<hbm>>
    %dma_wait3A_42 = tpu.memref_squeeze %dma_wait3A_41 : memref<1x40x128xi32, #tpu.memory_space<hbm>> -> memref<40x128xi32, #tpu.memory_space<hbm>>
    tpu.wait_dma2 semaphore(%arg13 : memref<!tpu.dma_semaphore, #tpu.memory_space<semaphore_mem>>) src(%dma_wait3A_42 : memref<40x128xi32, #tpu.memory_space<hbm>>) dst(%arg8 : memref<40x128xi32, #tpu.memory_space<vmem>>)
    %dma_start3A_43 = arith.constant 0 : i32
    %dma_start3A_44 = arith.constant 0 : i32
    %dma_start3A_45 = tpu.memref_slice %arg7[%dma_start3A_43, %dma_start3A_44] : memref<40x128xi32, #tpu.memory_space<vmem>> -> memref<1x128xi32, #tpu.memory_space<vmem>>
    %dma_start3A_46 = tpu.memref_squeeze %dma_start3A_45 : memref<1x128xi32, #tpu.memory_space<vmem>> -> memref<128xi32, #tpu.memory_space<vmem>>
    %dma_start3A_47 = arith.constant 0 : i32
    %dma_start3A_48 = arith.constant 0 : i32
    %dma_start3A_49 = tpu.memref_slice %arg2[%dma_start3A_47, %dma_start3A_48] : memref<10000x128xf32, #tpu.memory_space<hbm>> -> memref<10000x128xf32, #tpu.memory_space<hbm>>
    tpu.enqueue_indirect_dma source(%dma_start3A_49 : memref<10000x128xf32, #tpu.memory_space<hbm>>) target(%arg9 : memref<128x128xf32, #tpu.memory_space<vmem>>) offsets(%dma_start3A_46 : memref<128xi32, #tpu.memory_space<vmem>>) semaphore(%arg12 : memref<!tpu.dma_semaphore, #tpu.memory_space<semaphore_mem>>)
    %scan3A = arith.constant 0 : i32
    %scan3A_50 = arith.constant 0 : i32
    %scan3A_51 = arith.constant 20 : i32
    %scan3A_52 = arith.addi %scan3A_50, %scan3A_51 : i32
    %scan3A_53 = arith.constant 1 : i32
    scf.for %scan3A_69 = %scan3A_50 to %scan3A_52 step %scan3A_53  : i32 {
      %mul3A_70 = arith.constant 2 : i32
      %mul3A_71 = arith.muli %mul3A_70, %scan3A_69 : i32
      %add3A_72 = arith.constant 1 : i32
      %add3A_73 = arith.addi %mul3A_71, %add3A_72 : i32
      %dma_start3A_74 = arith.constant 0 : i32
      %dma_start3A_75 = tpu.memref_slice %arg7[%add3A_73, %dma_start3A_74] : memref<40x128xi32, #tpu.memory_space<vmem>> -> memref<1x128xi32, #tpu.memory_space<vmem>>
      %dma_start3A_76 = tpu.memref_squeeze %dma_start3A_75 : memref<1x128xi32, #tpu.memory_space<vmem>> -> memref<128xi32, #tpu.memory_space<vmem>>
      %dma_start3A_77 = arith.constant 0 : i32
      %dma_start3A_78 = arith.constant 0 : i32
      %dma_start3A_79 = tpu.memref_slice %arg2[%dma_start3A_77, %dma_start3A_78] : memref<10000x128xf32, #tpu.memory_space<hbm>> -> memref<10000x128xf32, #tpu.memory_space<hbm>>
      tpu.enqueue_indirect_dma source(%dma_start3A_79 : memref<10000x128xf32, #tpu.memory_space<hbm>>) target(%arg10 : memref<128x128xf32, #tpu.memory_space<vmem>>) offsets(%dma_start3A_76 : memref<128xi32, #tpu.memory_space<vmem>>) semaphore(%arg13 : memref<!tpu.dma_semaphore, #tpu.memory_space<semaphore_mem>>)
      %dma_wait3A_80 = arith.constant 0 : i32
      %dma_wait3A_81 = tpu.memref_slice %arg7[%mul3A_71, %dma_wait3A_80] : memref<40x128xi32, #tpu.memory_space<vmem>> -> memref<1x128xi32, #tpu.memory_space<vmem>>
      %dma_wait3A_82 = tpu.memref_squeeze %dma_wait3A_81 : memref<1x128xi32, #tpu.memory_space<vmem>> -> memref<128xi32, #tpu.memory_space<vmem>>
      %dma_wait3A_83 = arith.constant 0 : i32
      %dma_wait3A_84 = arith.constant 0 : i32
      %dma_wait3A_85 = tpu.memref_slice %arg2[%dma_wait3A_83, %dma_wait3A_84] : memref<10000x128xf32, #tpu.memory_space<hbm>> -> memref<10000x128xf32, #tpu.memory_space<hbm>>
      tpu.wait_indirect_dma semaphore(%arg12 : memref<!tpu.dma_semaphore, #tpu.memory_space<semaphore_mem>>) src(%dma_wait3A_85 : memref<10000x128xf32, #tpu.memory_space<hbm>>) dst(%arg9 : memref<128x128xf32, #tpu.memory_space<vmem>>)
      "tpu.region"() ({
        %run_scoped3A = tpu.sem_alloc : memref<!tpu.dma_semaphore, #tpu.memory_space<semaphore_mem>>
        %dma_start3A_100 = arith.constant 0 : i32
        %dma_start3A_101 = tpu.memref_slice %arg8[%mul3A_71, %dma_start3A_100] : memref<40x128xi32, #tpu.memory_space<vmem>> -> memref<1x128xi32, #tpu.memory_space<vmem>>
        %dma_start3A_102 = tpu.memref_squeeze %dma_start3A_101 : memref<1x128xi32, #tpu.memory_space<vmem>> -> memref<128xi32, #tpu.memory_space<vmem>>
        %dma_start3A_103 = arith.constant 0 : i32
        %dma_start3A_104 = arith.constant 0 : i32
        %dma_start3A_105 = tpu.memref_slice %arg11[%dma_start3A_103, %dma_start3A_104] : memref<10112x128xf32, #tpu.memory_space<vmem_shared>> -> memref<10112x128xf32, #tpu.memory_space<vmem_shared>>
        tpu.enqueue_indirect_dma source(%arg9 : memref<128x128xf32, #tpu.memory_space<vmem>>) target(%dma_start3A_105 : memref<10112x128xf32, #tpu.memory_space<vmem_shared>>) offsets(%dma_start3A_102 : memref<128xi32, #tpu.memory_space<vmem>>) semaphore(%run_scoped3A : memref<!tpu.dma_semaphore, #tpu.memory_space<semaphore_mem>>) {add = true}
        %dma_wait3A_106 = arith.constant 0 : i32
        %dma_wait3A_107 = tpu.memref_slice %arg8[%mul3A_71, %dma_wait3A_106] : memref<40x128xi32, #tpu.memory_space<vmem>> -> memref<1x128xi32, #tpu.memory_space<vmem>>
        %dma_wait3A_108 = tpu.memref_squeeze %dma_wait3A_107 : memref<1x128xi32, #tpu.memory_space<vmem>> -> memref<128xi32, #tpu.memory_space<vmem>>
        %dma_wait3A_109 = arith.constant 0 : i32
        %dma_wait3A_110 = arith.constant 0 : i32
        %dma_wait3A_111 = tpu.memref_slice %arg11[%dma_wait3A_109, %dma_wait3A_110] : memref<10112x128xf32, #tpu.memory_space<vmem_shared>> -> memref<10112x128xf32, #tpu.memory_space<vmem_shared>>
        tpu.wait_indirect_dma semaphore(%run_scoped3A : memref<!tpu.dma_semaphore, #tpu.memory_space<semaphore_mem>>) src(%arg9 : memref<128x128xf32, #tpu.memory_space<vmem>>) dst(%dma_wait3A_111 : memref<10112x128xf32, #tpu.memory_space<vmem_shared>>)
        tpu.yield
      }) : () -> ()
      %add3A_86 = arith.constant 2 : i32
      %add3A_87 = arith.addi %mul3A_71, %add3A_86 : i32
      %lt3A = arith.constant 40 : i32
      %lt3A_88 = arith.cmpi slt, %add3A_87, %lt3A : i32
      %convert_element_type3A = arith.extui %lt3A_88 : i1 to i32
      %cond3A = arith.constant 0 : i32
      %cond3A_89 = arith.cmpi ne, %convert_element_type3A, %cond3A : i32
      scf.if %cond3A_89 {
        %add3A_100 = arith.constant 2 : i32
        %add3A_101 = arith.addi %mul3A_71, %add3A_100 : i32
        %dma_start3A_102 = arith.constant 0 : i32
        %dma_start3A_103 = tpu.memref_slice %arg7[%add3A_101, %dma_start3A_102] : memref<40x128xi32, #tpu.memory_space<vmem>> -> memref<1x128xi32, #tpu.memory_space<vmem>>
        %dma_start3A_104 = tpu.memref_squeeze %dma_start3A_103 : memref<1x128xi32, #tpu.memory_space<vmem>> -> memref<128xi32, #tpu.memory_space<vmem>>
        %dma_start3A_105 = arith.constant 0 : i32
        %dma_start3A_106 = arith.constant 0 : i32
        %dma_start3A_107 = tpu.memref_slice %arg2[%dma_start3A_105, %dma_start3A_106] : memref<10000x128xf32, #tpu.memory_space<hbm>> -> memref<10000x128xf32, #tpu.memory_space<hbm>>
        tpu.enqueue_indirect_dma source(%dma_start3A_107 : memref<10000x128xf32, #tpu.memory_space<hbm>>) target(%arg9 : memref<128x128xf32, #tpu.memory_space<vmem>>) offsets(%dma_start3A_104 : memref<128xi32, #tpu.memory_space<vmem>>) semaphore(%arg12 : memref<!tpu.dma_semaphore, #tpu.memory_space<semaphore_mem>>)
      } else {
      }
      %add3A_90 = arith.constant 1 : i32
      %add3A_91 = arith.addi %mul3A_71, %add3A_90 : i32
      %dma_wait3A_92 = arith.constant 0 : i32
      %dma_wait3A_93 = tpu.memref_slice %arg7[%add3A_91, %dma_wait3A_92] : memref<40x128xi32, #tpu.memory_space<vmem>> -> memref<1x128xi32, #tpu.memory_space<vmem>>
      %dma_wait3A_94 = tpu.memref_squeeze %dma_wait3A_93 : memref<1x128xi32, #tpu.memory_space<vmem>> -> memref<128xi32, #tpu.memory_space<vmem>>
      %dma_wait3A_95 = arith.constant 0 : i32
      %dma_wait3A_96 = arith.constant 0 : i32
      %dma_wait3A_97 = tpu.memref_slice %arg2[%dma_wait3A_95, %dma_wait3A_96] : memref<10000x128xf32, #tpu.memory_space<hbm>> -> memref<10000x128xf32, #tpu.memory_space<hbm>>
      tpu.wait_indirect_dma semaphore(%arg13 : memref<!tpu.dma_semaphore, #tpu.memory_space<semaphore_mem>>) src(%dma_wait3A_97 : memref<10000x128xf32, #tpu.memory_space<hbm>>) dst(%arg10 : memref<128x128xf32, #tpu.memory_space<vmem>>)
      %add3A_98 = arith.constant 1 : i32
      %add3A_99 = arith.addi %mul3A_71, %add3A_98 : i32
      "tpu.region"() ({
        %run_scoped3A = tpu.sem_alloc : memref<!tpu.dma_semaphore, #tpu.memory_space<semaphore_mem>>
        %dma_start3A_100 = arith.constant 0 : i32
        %dma_start3A_101 = tpu.memref_slice %arg8[%add3A_99, %dma_start3A_100] : memref<40x128xi32, #tpu.memory_space<vmem>> -> memref<1x128xi32, #tpu.memory_space<vmem>>
        %dma_start3A_102 = tpu.memref_squeeze %dma_start3A_101 : memref<1x128xi32, #tpu.memory_space<vmem>> -> memref<128xi32, #tpu.memory_space<vmem>>
        %dma_start3A_103 = arith.constant 0 : i32
        %dma_start3A_104 = arith.constant 0 : i32
        %dma_start3A_105 = tpu.memref_slice %arg11[%dma_start3A_103, %dma_start3A_104] : memref<10112x128xf32, #tpu.memory_space<vmem_shared>> -> memref<10112x128xf32, #tpu.memory_space<vmem_shared>>
        tpu.enqueue_indirect_dma source(%arg10 : memref<128x128xf32, #tpu.memory_space<vmem>>) target(%dma_start3A_105 : memref<10112x128xf32, #tpu.memory_space<vmem_shared>>) offsets(%dma_start3A_102 : memref<128xi32, #tpu.memory_space<vmem>>) semaphore(%run_scoped3A : memref<!tpu.dma_semaphore, #tpu.memory_space<semaphore_mem>>) {add = true}
        %dma_wait3A_106 = arith.constant 0 : i32
        %dma_wait3A_107 = tpu.memref_slice %arg8[%add3A_99, %dma_wait3A_106] : memref<40x128xi32, #tpu.memory_space<vmem>> -> memref<1x128xi32, #tpu.memory_space<vmem>>
        %dma_wait3A_108 = tpu.memref_squeeze %dma_wait3A_107 : memref<1x128xi32, #tpu.memory_space<vmem>> -> memref<128xi32, #tpu.memory_space<vmem>>
        %dma_wait3A_109 = arith.constant 0 : i32
        %dma_wait3A_110 = arith.constant 0 : i32
        %dma_wait3A_111 = tpu.memref_slice %arg11[%dma_wait3A_109, %dma_wait3A_110] : memref<10112x128xf32, #tpu.memory_space<vmem_shared>> -> memref<10112x128xf32, #tpu.memory_space<vmem_shared>>
        tpu.wait_indirect_dma semaphore(%run_scoped3A : memref<!tpu.dma_semaphore, #tpu.memory_space<semaphore_mem>>) src(%arg10 : memref<128x128xf32, #tpu.memory_space<vmem>>) dst(%dma_wait3A_111 : memref<10112x128xf32, #tpu.memory_space<vmem_shared>>)
        tpu.yield
      }) : () -> ()
    }
    %scan3A_54 = arith.constant 20 : i32
    "tpu.region"() ({
      %run_scoped3A = tpu.sem_alloc : memref<!tpu.dma_semaphore, #tpu.memory_space<semaphore_mem>>
      %dma_start3A_69 = arith.constant 40 : i32
      %dma_start3A_70 = arith.constant 0 : i32
      %dma_start3A_71 = tpu.memref_slice %arg3[%add3A, %dma_start3A_69, %dma_start3A_70] : memref<32x80x128xi32, #tpu.memory_space<hbm>> -> memref<1x40x128xi32, #tpu.memory_space<hbm>>
      %dma_start3A_72 = tpu.memref_squeeze %dma_start3A_71 : memref<1x40x128xi32, #tpu.memory_space<hbm>> -> memref<40x128xi32, #tpu.memory_space<hbm>>
      %dma_start3A_73 = arith.constant 40 : i32
      %dma_start3A_74 = arith.constant 0 : i32
      %dma_start3A_75 = tpu.memref_slice %arg3[%add3A, %dma_start3A_73, %dma_start3A_74] : memref<32x80x128xi32, #tpu.memory_space<hbm>> -> memref<1x40x128xi32, #tpu.memory_space<hbm>>
      %dma_start3A_76 = tpu.memref_squeeze %dma_start3A_75 : memref<1x40x128xi32, #tpu.memory_space<hbm>> -> memref<40x128xi32, #tpu.memory_space<hbm>>
      tpu.enqueue_dma source(%dma_start3A_76 : memref<40x128xi32, #tpu.memory_space<hbm>>) target(%arg7 : memref<40x128xi32, #tpu.memory_space<vmem>>) target_semaphore(%run_scoped3A : memref<!tpu.dma_semaphore, #tpu.memory_space<semaphore_mem>>)
      %dma_wait3A_77 = arith.constant 40 : i32
      %dma_wait3A_78 = arith.constant 0 : i32
      %dma_wait3A_79 = tpu.memref_slice %arg3[%add3A, %dma_wait3A_77, %dma_wait3A_78] : memref<32x80x128xi32, #tpu.memory_space<hbm>> -> memref<1x40x128xi32, #tpu.memory_space<hbm>>
      %dma_wait3A_80 = tpu.memref_squeeze %dma_wait3A_79 : memref<1x40x128xi32, #tpu.memory_space<hbm>> -> memref<40x128xi32, #tpu.memory_space<hbm>>
      %dma_wait3A_81 = arith.constant 40 : i32
      %dma_wait3A_82 = arith.constant 0 : i32
      %dma_wait3A_83 = tpu.memref_slice %arg3[%add3A, %dma_wait3A_81, %dma_wait3A_82] : memref<32x80x128xi32, #tpu.memory_space<hbm>> -> memref<1x40x128xi32, #tpu.memory_space<hbm>>
      %dma_wait3A_84 = tpu.memref_squeeze %dma_wait3A_83 : memref<1x40x128xi32, #tpu.memory_space<hbm>> -> memref<40x128xi32, #tpu.memory_space<hbm>>
      tpu.wait_dma2 semaphore(%run_scoped3A : memref<!tpu.dma_semaphore, #tpu.memory_space<semaphore_mem>>) src(%dma_wait3A_84 : memref<40x128xi32, #tpu.memory_space<hbm>>) dst(%arg7 : memref<40x128xi32, #tpu.memory_space<vmem>>)
      tpu.yield
    }) : () -> ()
    "tpu.region"() ({
      %run_scoped3A = tpu.sem_alloc : memref<!tpu.dma_semaphore, #tpu.memory_space<semaphore_mem>>
      %dma_start3A_69 = arith.constant 40 : i32
      %dma_start3A_70 = arith.constant 0 : i32
      %dma_start3A_71 = tpu.memref_slice %arg4[%add3A, %dma_start3A_69, %dma_start3A_70] : memref<32x80x128xi32, #tpu.memory_space<hbm>> -> memref<1x40x128xi32, #tpu.memory_space<hbm>>
      %dma_start3A_72 = tpu.memref_squeeze %dma_start3A_71 : memref<1x40x128xi32, #tpu.memory_space<hbm>> -> memref<40x128xi32, #tpu.memory_space<hbm>>
      %dma_start3A_73 = arith.constant 40 : i32
      %dma_start3A_74 = arith.constant 0 : i32
      %dma_start3A_75 = tpu.memref_slice %arg4[%add3A, %dma_start3A_73, %dma_start3A_74] : memref<32x80x128xi32, #tpu.memory_space<hbm>> -> memref<1x40x128xi32, #tpu.memory_space<hbm>>
      %dma_start3A_76 = tpu.memref_squeeze %dma_start3A_75 : memref<1x40x128xi32, #tpu.memory_space<hbm>> -> memref<40x128xi32, #tpu.memory_space<hbm>>
      tpu.enqueue_dma source(%dma_start3A_76 : memref<40x128xi32, #tpu.memory_space<hbm>>) target(%arg8 : memref<40x128xi32, #tpu.memory_space<vmem>>) target_semaphore(%run_scoped3A : memref<!tpu.dma_semaphore, #tpu.memory_space<semaphore_mem>>)
      %dma_wait3A_77 = arith.constant 40 : i32
      %dma_wait3A_78 = arith.constant 0 : i32
      %dma_wait3A_79 = tpu.memref_slice %arg4[%add3A, %dma_wait3A_77, %dma_wait3A_78] : memref<32x80x128xi32, #tpu.memory_space<hbm>> -> memref<1x40x128xi32, #tpu.memory_space<hbm>>
      %dma_wait3A_80 = tpu.memref_squeeze %dma_wait3A_79 : memref<1x40x128xi32, #tpu.memory_space<hbm>> -> memref<40x128xi32, #tpu.memory_space<hbm>>
      %dma_wait3A_81 = arith.constant 40 : i32
      %dma_wait3A_82 = arith.constant 0 : i32
      %dma_wait3A_83 = tpu.memref_slice %arg4[%add3A, %dma_wait3A_81, %dma_wait3A_82] : memref<32x80x128xi32, #tpu.memory_space<hbm>> -> memref<1x40x128xi32, #tpu.memory_space<hbm>>
      %dma_wait3A_84 = tpu.memref_squeeze %dma_wait3A_83 : memref<1x40x128xi32, #tpu.memory_space<hbm>> -> memref<40x128xi32, #tpu.memory_space<hbm>>
      tpu.wait_dma2 semaphore(%run_scoped3A : memref<!tpu.dma_semaphore, #tpu.memory_space<semaphore_mem>>) src(%dma_wait3A_84 : memref<40x128xi32, #tpu.memory_space<hbm>>) dst(%arg8 : memref<40x128xi32, #tpu.memory_space<vmem>>)
      tpu.yield
    }) : () -> ()
    %dma_start3A_55 = arith.constant 0 : i32
    %dma_start3A_56 = arith.constant 0 : i32
    %dma_start3A_57 = tpu.memref_slice %arg7[%dma_start3A_55, %dma_start3A_56] : memref<40x128xi32, #tpu.memory_space<vmem>> -> memref<1x128xi32, #tpu.memory_space<vmem>>
    %dma_start3A_58 = tpu.memref_squeeze %dma_start3A_57 : memref<1x128xi32, #tpu.memory_space<vmem>> -> memref<128xi32, #tpu.memory_space<vmem>>
    %dma_start3A_59 = arith.constant 0 : i32
    %dma_start3A_60 = arith.constant 0 : i32
    %dma_start3A_61 = tpu.memref_slice %arg2[%dma_start3A_59, %dma_start3A_60] : memref<10000x128xf32, #tpu.memory_space<hbm>> -> memref<10000x128xf32, #tpu.memory_space<hbm>>
    tpu.enqueue_indirect_dma source(%dma_start3A_61 : memref<10000x128xf32, #tpu.memory_space<hbm>>) target(%arg9 : memref<128x128xf32, #tpu.memory_space<vmem>>) offsets(%dma_start3A_58 : memref<128xi32, #tpu.memory_space<vmem>>) semaphore(%arg12 : memref<!tpu.dma_semaphore, #tpu.memory_space<semaphore_mem>>)
    %scan3A_62 = arith.constant 0 : i32
    %scan3A_63 = arith.constant 0 : i32
    %scan3A_64 = arith.constant 20 : i32
    %scan3A_65 = arith.addi %scan3A_63, %scan3A_64 : i32
    %scan3A_66 = arith.constant 1 : i32
    scf.for %scan3A_69 = %scan3A_63 to %scan3A_65 step %scan3A_66  : i32 {
      %mul3A_70 = arith.constant 2 : i32
      %mul3A_71 = arith.muli %mul3A_70, %scan3A_69 : i32
      %add3A_72 = arith.constant 1 : i32
      %add3A_73 = arith.addi %mul3A_71, %add3A_72 : i32
      %dma_start3A_74 = arith.constant 0 : i32
      %dma_start3A_75 = tpu.memref_slice %arg7[%add3A_73, %dma_start3A_74] : memref<40x128xi32, #tpu.memory_space<vmem>> -> memref<1x128xi32, #tpu.memory_space<vmem>>
      %dma_start3A_76 = tpu.memref_squeeze %dma_start3A_75 : memref<1x128xi32, #tpu.memory_space<vmem>> -> memref<128xi32, #tpu.memory_space<vmem>>
      %dma_start3A_77 = arith.constant 0 : i32
      %dma_start3A_78 = arith.constant 0 : i32
      %dma_start3A_79 = tpu.memref_slice %arg2[%dma_start3A_77, %dma_start3A_78] : memref<10000x128xf32, #tpu.memory_space<hbm>> -> memref<10000x128xf32, #tpu.memory_space<hbm>>
      tpu.enqueue_indirect_dma source(%dma_start3A_79 : memref<10000x128xf32, #tpu.memory_space<hbm>>) target(%arg10 : memref<128x128xf32, #tpu.memory_space<vmem>>) offsets(%dma_start3A_76 : memref<128xi32, #tpu.memory_space<vmem>>) semaphore(%arg13 : memref<!tpu.dma_semaphore, #tpu.memory_space<semaphore_mem>>)
      %dma_wait3A_80 = arith.constant 0 : i32
      %dma_wait3A_81 = tpu.memref_slice %arg7[%mul3A_71, %dma_wait3A_80] : memref<40x128xi32, #tpu.memory_space<vmem>> -> memref<1x128xi32, #tpu.memory_space<vmem>>
      %dma_wait3A_82 = tpu.memref_squeeze %dma_wait3A_81 : memref<1x128xi32, #tpu.memory_space<vmem>> -> memref<128xi32, #tpu.memory_space<vmem>>
      %dma_wait3A_83 = arith.constant 0 : i32
      %dma_wait3A_84 = arith.constant 0 : i32
      %dma_wait3A_85 = tpu.memref_slice %arg2[%dma_wait3A_83, %dma_wait3A_84] : memref<10000x128xf32, #tpu.memory_space<hbm>> -> memref<10000x128xf32, #tpu.memory_space<hbm>>
      tpu.wait_indirect_dma semaphore(%arg12 : memref<!tpu.dma_semaphore, #tpu.memory_space<semaphore_mem>>) src(%dma_wait3A_85 : memref<10000x128xf32, #tpu.memory_space<hbm>>) dst(%arg9 : memref<128x128xf32, #tpu.memory_space<vmem>>)
      "tpu.region"() ({
        %run_scoped3A = tpu.sem_alloc : memref<!tpu.dma_semaphore, #tpu.memory_space<semaphore_mem>>
        %dma_start3A_100 = arith.constant 0 : i32
        %dma_start3A_101 = tpu.memref_slice %arg8[%mul3A_71, %dma_start3A_100] : memref<40x128xi32, #tpu.memory_space<vmem>> -> memref<1x128xi32, #tpu.memory_space<vmem>>
        %dma_start3A_102 = tpu.memref_squeeze %dma_start3A_101 : memref<1x128xi32, #tpu.memory_space<vmem>> -> memref<128xi32, #tpu.memory_space<vmem>>
        %dma_start3A_103 = arith.constant 0 : i32
        %dma_start3A_104 = arith.constant 0 : i32
        %dma_start3A_105 = tpu.memref_slice %arg11[%dma_start3A_103, %dma_start3A_104] : memref<10112x128xf32, #tpu.memory_space<vmem_shared>> -> memref<10112x128xf32, #tpu.memory_space<vmem_shared>>
        tpu.enqueue_indirect_dma source(%arg9 : memref<128x128xf32, #tpu.memory_space<vmem>>) target(%dma_start3A_105 : memref<10112x128xf32, #tpu.memory_space<vmem_shared>>) offsets(%dma_start3A_102 : memref<128xi32, #tpu.memory_space<vmem>>) semaphore(%run_scoped3A : memref<!tpu.dma_semaphore, #tpu.memory_space<semaphore_mem>>) {add = true}
        %dma_wait3A_106 = arith.constant 0 : i32
        %dma_wait3A_107 = tpu.memref_slice %arg8[%mul3A_71, %dma_wait3A_106] : memref<40x128xi32, #tpu.memory_space<vmem>> -> memref<1x128xi32, #tpu.memory_space<vmem>>
        %dma_wait3A_108 = tpu.memref_squeeze %dma_wait3A_107 : memref<1x128xi32, #tpu.memory_space<vmem>> -> memref<128xi32, #tpu.memory_space<vmem>>
        %dma_wait3A_109 = arith.constant 0 : i32
        %dma_wait3A_110 = arith.constant 0 : i32
        %dma_wait3A_111 = tpu.memref_slice %arg11[%dma_wait3A_109, %dma_wait3A_110] : memref<10112x128xf32, #tpu.memory_space<vmem_shared>> -> memref<10112x128xf32, #tpu.memory_space<vmem_shared>>
        tpu.wait_indirect_dma semaphore(%run_scoped3A : memref<!tpu.dma_semaphore, #tpu.memory_space<semaphore_mem>>) src(%arg9 : memref<128x128xf32, #tpu.memory_space<vmem>>) dst(%dma_wait3A_111 : memref<10112x128xf32, #tpu.memory_space<vmem_shared>>)
        tpu.yield
      }) : () -> ()
      %add3A_86 = arith.constant 2 : i32
      %add3A_87 = arith.addi %mul3A_71, %add3A_86 : i32
      %lt3A = arith.constant 40 : i32
      %lt3A_88 = arith.cmpi slt, %add3A_87, %lt3A : i32
      %convert_element_type3A = arith.extui %lt3A_88 : i1 to i32
      %cond3A = arith.constant 0 : i32
      %cond3A_89 = arith.cmpi ne, %convert_element_type3A, %cond3A : i32
      scf.if %cond3A_89 {
        %add3A_100 = arith.constant 2 : i32
        %add3A_101 = arith.addi %mul3A_71, %add3A_100 : i32
        %dma_start3A_102 = arith.constant 0 : i32
        %dma_start3A_103 = tpu.memref_slice %arg7[%add3A_101, %dma_start3A_102] : memref<40x128xi32, #tpu.memory_space<vmem>> -> memref<1x128xi32, #tpu.memory_space<vmem>>
        %dma_start3A_104 = tpu.memref_squeeze %dma_start3A_103 : memref<1x128xi32, #tpu.memory_space<vmem>> -> memref<128xi32, #tpu.memory_space<vmem>>
        %dma_start3A_105 = arith.constant 0 : i32
        %dma_start3A_106 = arith.constant 0 : i32
        %dma_start3A_107 = tpu.memref_slice %arg2[%dma_start3A_105, %dma_start3A_106] : memref<10000x128xf32, #tpu.memory_space<hbm>> -> memref<10000x128xf32, #tpu.memory_space<hbm>>
        tpu.enqueue_indirect_dma source(%dma_start3A_107 : memref<10000x128xf32, #tpu.memory_space<hbm>>) target(%arg9 : memref<128x128xf32, #tpu.memory_space<vmem>>) offsets(%dma_start3A_104 : memref<128xi32, #tpu.memory_space<vmem>>) semaphore(%arg12 : memref<!tpu.dma_semaphore, #tpu.memory_space<semaphore_mem>>)
      } else {
      }
      %add3A_90 = arith.constant 1 : i32
      %add3A_91 = arith.addi %mul3A_71, %add3A_90 : i32
      %dma_wait3A_92 = arith.constant 0 : i32
      %dma_wait3A_93 = tpu.memref_slice %arg7[%add3A_91, %dma_wait3A_92] : memref<40x128xi32, #tpu.memory_space<vmem>> -> memref<1x128xi32, #tpu.memory_space<vmem>>
      %dma_wait3A_94 = tpu.memref_squeeze %dma_wait3A_93 : memref<1x128xi32, #tpu.memory_space<vmem>> -> memref<128xi32, #tpu.memory_space<vmem>>
      %dma_wait3A_95 = arith.constant 0 : i32
      %dma_wait3A_96 = arith.constant 0 : i32
      %dma_wait3A_97 = tpu.memref_slice %arg2[%dma_wait3A_95, %dma_wait3A_96] : memref<10000x128xf32, #tpu.memory_space<hbm>> -> memref<10000x128xf32, #tpu.memory_space<hbm>>
      tpu.wait_indirect_dma semaphore(%arg13 : memref<!tpu.dma_semaphore, #tpu.memory_space<semaphore_mem>>) src(%dma_wait3A_97 : memref<10000x128xf32, #tpu.memory_space<hbm>>) dst(%arg10 : memref<128x128xf32, #tpu.memory_space<vmem>>)
      %add3A_98 = arith.constant 1 : i32
      %add3A_99 = arith.addi %mul3A_71, %add3A_98 : i32
      "tpu.region"() ({
        %run_scoped3A = tpu.sem_alloc : memref<!tpu.dma_semaphore, #tpu.memory_space<semaphore_mem>>
        %dma_start3A_100 = arith.constant 0 : i32
        %dma_start3A_101 = tpu.memref_slice %arg8[%add3A_99, %dma_start3A_100] : memref<40x128xi32, #tpu.memory_space<vmem>> -> memref<1x128xi32, #tpu.memory_space<vmem>>
        %dma_start3A_102 = tpu.memref_squeeze %dma_start3A_101 : memref<1x128xi32, #tpu.memory_space<vmem>> -> memref<128xi32, #tpu.memory_space<vmem>>
        %dma_start3A_103 = arith.constant 0 : i32
        %dma_start3A_104 = arith.constant 0 : i32
        %dma_start3A_105 = tpu.memref_slice %arg11[%dma_start3A_103, %dma_start3A_104] : memref<10112x128xf32, #tpu.memory_space<vmem_shared>> -> memref<10112x128xf32, #tpu.memory_space<vmem_shared>>
        tpu.enqueue_indirect_dma source(%arg10 : memref<128x128xf32, #tpu.memory_space<vmem>>) target(%dma_start3A_105 : memref<10112x128xf32, #tpu.memory_space<vmem_shared>>) offsets(%dma_start3A_102 : memref<128xi32, #tpu.memory_space<vmem>>) semaphore(%run_scoped3A : memref<!tpu.dma_semaphore, #tpu.memory_space<semaphore_mem>>) {add = true}
        %dma_wait3A_106 = arith.constant 0 : i32
        %dma_wait3A_107 = tpu.memref_slice %arg8[%add3A_99, %dma_wait3A_106] : memref<40x128xi32, #tpu.memory_space<vmem>> -> memref<1x128xi32, #tpu.memory_space<vmem>>
        %dma_wait3A_108 = tpu.memref_squeeze %dma_wait3A_107 : memref<1x128xi32, #tpu.memory_space<vmem>> -> memref<128xi32, #tpu.memory_space<vmem>>
        %dma_wait3A_109 = arith.constant 0 : i32
        %dma_wait3A_110 = arith.constant 0 : i32
        %dma_wait3A_111 = tpu.memref_slice %arg11[%dma_wait3A_109, %dma_wait3A_110] : memref<10112x128xf32, #tpu.memory_space<vmem_shared>> -> memref<10112x128xf32, #tpu.memory_space<vmem_shared>>
        tpu.wait_indirect_dma semaphore(%run_scoped3A : memref<!tpu.dma_semaphore, #tpu.memory_space<semaphore_mem>>) src(%arg10 : memref<128x128xf32, #tpu.memory_space<vmem>>) dst(%dma_wait3A_111 : memref<10112x128xf32, #tpu.memory_space<vmem_shared>>)
        tpu.yield
      }) : () -> ()
    }
    %scan3A_67 = arith.constant 20 : i32
    %barrier3A_68 = arith.constant 0 : index
    tpu.barrier barrier_id(%barrier3A_68)
    "tpu.region"() ({
      %run_scoped3A = tpu.sem_alloc : memref<!tpu.dma_semaphore, #tpu.memory_space<semaphore_mem>>
      %dma_start3A_69 = arith.constant 0 : i32
      %dma_start3A_70 = tpu.memref_slice %arg6[%arg0, %mul3A_2, %dma_start3A_69] : memref<2x10112x128xf32, #tpu.memory_space<hbm>> -> memref<1x632x128xf32, #tpu.memory_space<hbm>>
      %dma_start3A_71 = tpu.memref_squeeze %dma_start3A_70 : memref<1x632x128xf32, #tpu.memory_space<hbm>> -> memref<632x128xf32, #tpu.memory_space<hbm>>
      %dma_start3A_72 = arith.constant 0 : i32
      %dma_start3A_73 = tpu.memref_slice %arg11[%mul3A_2, %dma_start3A_72] : memref<10112x128xf32, #tpu.memory_space<vmem_shared>> -> memref<632x128xf32, #tpu.memory_space<vmem_shared>>
      tpu.enqueue_dma source(%dma_start3A_73 : memref<632x128xf32, #tpu.memory_space<vmem_shared>>) target(%dma_start3A_71 : memref<632x128xf32, #tpu.memory_space<hbm>>) target_semaphore(%run_scoped3A : memref<!tpu.dma_semaphore, #tpu.memory_space<semaphore_mem>>)
      %dma_wait3A_74 = arith.constant 0 : i32
      %dma_wait3A_75 = tpu.memref_slice %arg6[%arg0, %mul3A_2, %dma_wait3A_74] : memref<2x10112x128xf32, #tpu.memory_space<hbm>> -> memref<1x632x128xf32, #tpu.memory_space<hbm>>
      %dma_wait3A_76 = tpu.memref_squeeze %dma_wait3A_75 : memref<1x632x128xf32, #tpu.memory_space<hbm>> -> memref<632x128xf32, #tpu.memory_space<hbm>>
      %dma_wait3A_77 = arith.constant 0 : i32
      %dma_wait3A_78 = tpu.memref_slice %arg11[%mul3A_2, %dma_wait3A_77] : memref<10112x128xf32, #tpu.memory_space<vmem_shared>> -> memref<632x128xf32, #tpu.memory_space<vmem_shared>>
      tpu.wait_dma2 semaphore(%run_scoped3A : memref<!tpu.dma_semaphore, #tpu.memory_space<semaphore_mem>>) src(%dma_wait3A_78 : memref<632x128xf32, #tpu.memory_space<vmem_shared>>) dst(%dma_wait3A_76 : memref<632x128xf32, #tpu.memory_space<hbm>>)
      tpu.yield
    }) : () -> ()
    return
  }
}

module attributes {stable_mosaic.version = 14 : i64} {
  func.func @_tc_update1_body(%arg0: i32, %arg1: memref<2000x128xf32, #tpu.memory_space<vmem>>, %arg2: memref<1x2000x128xf32, #tpu.memory_space<vmem>>, %arg3: memref<1x2000x128xf32, #tpu.memory_space<vmem>>, %arg4: memref<2000x1xf32, #tpu.memory_space<vmem>>, %arg5: memref<2000x1xf32, #tpu.memory_space<vmem>>, %arg6: memref<128x40xf32, #tpu.memory_space<vmem>>, %arg7: memref<1x40xf32, #tpu.memory_space<vmem>>, %arg8: memref<128x40xf32, #tpu.memory_space<vmem>>, %arg9: memref<1x40xf32, #tpu.memory_space<vmem>>, %arg10: memref<128x128xf32, #tpu.memory_space<vmem>>, %arg11: memref<1x128xf32, #tpu.memory_space<vmem>>, %arg12: memref<2000x40xf32, #tpu.memory_space<vmem>>, %arg13: memref<2000x40xf32, #tpu.memory_space<vmem>>, %arg14: memref<2000x128xf32, #tpu.memory_space<vmem>>) attributes {dimension_semantics = [#tpu.dimension_semantics<arbitrary>], iteration_bounds = array<i64: 5>, scalar_prefetch = 0 : i64, scratch_operands = 0 : i64, tpu.core_type = #tpu.core_type<tc>, window_params = [{transform_indices = @transform_0, window_bounds = array<i64: 2000, 128>}, {transform_indices = @transform_1, window_bounds = array<i64: 1, 2000, 128>}, {transform_indices = @transform_2, window_bounds = array<i64: 1, 2000, 128>}, {transform_indices = @transform_3, window_bounds = array<i64: 2000, 1>}, {transform_indices = @transform_4, window_bounds = array<i64: 2000, 1>}, {pipeline_mode = #tpu.pipeline_mode<synchronous>, transform_indices = @transform_5, window_bounds = array<i64: 128, 40>}, {pipeline_mode = #tpu.pipeline_mode<synchronous>, transform_indices = @transform_6, window_bounds = array<i64: 1, 40>}, {pipeline_mode = #tpu.pipeline_mode<synchronous>, transform_indices = @transform_7, window_bounds = array<i64: 128, 40>}, {pipeline_mode = #tpu.pipeline_mode<synchronous>, transform_indices = @transform_8, window_bounds = array<i64: 1, 40>}, {pipeline_mode = #tpu.pipeline_mode<synchronous>, transform_indices = @transform_9, window_bounds = array<i64: 128, 128>}, {pipeline_mode = #tpu.pipeline_mode<synchronous>, transform_indices = @transform_10, window_bounds = array<i64: 1, 128>}, {transform_indices = @transform_11, window_bounds = array<i64: 2000, 40>}, {transform_indices = @transform_12, window_bounds = array<i64: 2000, 40>}, {transform_indices = @transform_13, window_bounds = array<i64: 2000, 128>}]} {
    %get3A = arith.constant 0 : index
    %get3A_0 = arith.constant 0 : index
    %get3A_1 = vector.load %arg1[%get3A, %get3A_0] : memref<2000x128xf32, #tpu.memory_space<vmem>>, vector<2000x128xf32>
    %get3A_2 = arith.constant 0 : index
    %get3A_3 = arith.constant 0 : index
    %get3A_4 = vector.load %arg6[%get3A_2, %get3A_3] : memref<128x40xf32, #tpu.memory_space<vmem>>, vector<128x40xf32>
    %dot_general3A = arith.constant dense<0.000000e+00> : vector<2000x40xf32>
    %dot_general3A_5 = tpu.matmul %get3A_1, %get3A_4, %dot_general3A {dimension_numbers = #tpu.dot_dimension_numbers<[1], [0], [0], [1], [0, 0, 1, 1], [], []>, transpose_lhs_hint = false} : vector<2000x128xf32>, vector<128x40xf32>, vector<2000x40xf32> -> vector<2000x40xf32>
    %get3A_6 = arith.constant 0 : index
    %get3A_7 = arith.constant 0 : index
    %get3A_8 = vector.load %arg7[%get3A_6, %get3A_7] : memref<1x40xf32, #tpu.memory_space<vmem>>, vector<1x40xf32>
    %add3A = vector.broadcast %get3A_8 : vector<1x40xf32> to vector<2000x40xf32>
    %add3A_9 = arith.addf %dot_general3A_5, %add3A : vector<2000x40xf32>
    %reduce_max3A = arith.constant dense<0xFF800000> : vector<2000xf32>
    %reduce_max3A_10 = vector.multi_reduction <maximumf>, %add3A_9, %reduce_max3A [1] : vector<2000x40xf32> to vector<2000xf32>
    %broadcast_in_dim3A = vector.shape_cast %reduce_max3A_10 : vector<2000xf32> to vector<2000x1xf32>
    %sub3A = vector.broadcast %broadcast_in_dim3A : vector<2000x1xf32> to vector<2000x40xf32>
    %sub3A_11 = arith.subf %add3A_9, %sub3A : vector<2000x40xf32>
    %exp3A = math.exp %sub3A_11 : vector<2000x40xf32>
    %reduce_sum3A = arith.constant dense<0.000000e+00> : vector<2000xf32>
    %reduce_sum3A_12 = vector.multi_reduction <add>, %exp3A, %reduce_sum3A [1] : vector<2000x40xf32> to vector<2000xf32>
    %broadcast_in_dim3A_13 = vector.shape_cast %reduce_sum3A_12 : vector<2000xf32> to vector<2000x1xf32>
    %log3A = math.log %broadcast_in_dim3A_13 : vector<2000x1xf32>
    %sub3A_14 = vector.broadcast %log3A : vector<2000x1xf32> to vector<2000x40xf32>
    %sub3A_15 = arith.subf %sub3A_11, %sub3A_14 : vector<2000x40xf32>
    %swap3A = arith.constant 0 : index
    %swap3A_16 = arith.constant 0 : index
    %swap3A_17 = vector.load %arg12[%swap3A, %swap3A_16] : memref<2000x40xf32, #tpu.memory_space<vmem>>, vector<2000x40xf32>
    tpu.vector_store %arg12[%swap3A, %swap3A_16], %sub3A_15 {strides = array<i32>} : memref<2000x40xf32, #tpu.memory_space<vmem>>, vector<2000x40xf32>,
    %get3A_18 = arith.constant 0 : index
    %get3A_19 = arith.constant 0 : index
    %get3A_20 = vector.load %arg4[%get3A_18, %get3A_19] : memref<2000x1xf32, #tpu.memory_space<vmem>>, vector<2000x1xf32>
    %get3A_21 = arith.constant 0 : index
    %get3A_22 = arith.constant 0 : index
    %get3A_23 = vector.load %arg5[%get3A_21, %get3A_22] : memref<2000x1xf32, #tpu.memory_space<vmem>>, vector<2000x1xf32>
    %add3A_24 = arith.addf %get3A_20, %get3A_23 : vector<2000x1xf32>
    %max3A = arith.constant 1.000000e+00 : f32
    %max3A_25 = vector.broadcast %max3A : f32 to vector<2000x1xf32>
    %max3A_26 = arith.maximumf %add3A_24, %max3A_25 : vector<2000x1xf32>
    %get3A_27 = arith.constant 0 : index
    %get3A_28 = arith.constant 0 : index
    %get3A_29 = arith.constant 0 : index
    %get3A_30 = vector.load %arg2[%get3A_27, %get3A_28, %get3A_29] : memref<1x2000x128xf32, #tpu.memory_space<vmem>>, vector<1x2000x128xf32>
    %get3A_31 = vector.shape_cast %get3A_30 : vector<1x2000x128xf32> to vector<2000x128xf32>
    %get3A_32 = arith.constant 0 : index
    %get3A_33 = arith.constant 0 : index
    %get3A_34 = arith.constant 0 : index
    %get3A_35 = vector.load %arg3[%get3A_32, %get3A_33, %get3A_34] : memref<1x2000x128xf32, #tpu.memory_space<vmem>>, vector<1x2000x128xf32>
    %get3A_36 = vector.shape_cast %get3A_35 : vector<1x2000x128xf32> to vector<2000x128xf32>
    %add3A_37 = arith.addf %get3A_31, %get3A_36 : vector<2000x128xf32>
    %div3A = vector.broadcast %max3A_26 : vector<2000x1xf32> to vector<2000x128xf32>
    %div3A_38 = arith.divf %add3A_37, %div3A : vector<2000x128xf32>
    %get3A_39 = arith.constant 0 : index
    %get3A_40 = arith.constant 0 : index
    %get3A_41 = vector.load %arg8[%get3A_39, %get3A_40] : memref<128x40xf32, #tpu.memory_space<vmem>>, vector<128x40xf32>
    %dot_general3A_42 = arith.constant dense<0.000000e+00> : vector<2000x40xf32>
    %dot_general3A_43 = tpu.matmul %div3A_38, %get3A_41, %dot_general3A_42 {dimension_numbers = #tpu.dot_dimension_numbers<[1], [0], [0], [1], [0, 0, 1, 1], [], []>, transpose_lhs_hint = false} : vector<2000x128xf32>, vector<128x40xf32>, vector<2000x40xf32> -> vector<2000x40xf32>
    %get3A_44 = arith.constant 0 : index
    %get3A_45 = arith.constant 0 : index
    %get3A_46 = vector.load %arg9[%get3A_44, %get3A_45] : memref<1x40xf32, #tpu.memory_space<vmem>>, vector<1x40xf32>
    %add3A_47 = vector.broadcast %get3A_46 : vector<1x40xf32> to vector<2000x40xf32>
    %add3A_48 = arith.addf %dot_general3A_43, %add3A_47 : vector<2000x40xf32>
    %reduce_max3A_49 = arith.constant dense<0xFF800000> : vector<2000xf32>
    %reduce_max3A_50 = vector.multi_reduction <maximumf>, %add3A_48, %reduce_max3A_49 [1] : vector<2000x40xf32> to vector<2000xf32>
    %broadcast_in_dim3A_51 = vector.shape_cast %reduce_max3A_50 : vector<2000xf32> to vector<2000x1xf32>
    %sub3A_52 = vector.broadcast %broadcast_in_dim3A_51 : vector<2000x1xf32> to vector<2000x40xf32>
    %sub3A_53 = arith.subf %add3A_48, %sub3A_52 : vector<2000x40xf32>
    %exp3A_54 = math.exp %sub3A_53 : vector<2000x40xf32>
    %reduce_sum3A_55 = arith.constant dense<0.000000e+00> : vector<2000xf32>
    %reduce_sum3A_56 = vector.multi_reduction <add>, %exp3A_54, %reduce_sum3A_55 [1] : vector<2000x40xf32> to vector<2000xf32>
    %broadcast_in_dim3A_57 = vector.shape_cast %reduce_sum3A_56 : vector<2000xf32> to vector<2000x1xf32>
    %log3A_58 = math.log %broadcast_in_dim3A_57 : vector<2000x1xf32>
    %sub3A_59 = vector.broadcast %log3A_58 : vector<2000x1xf32> to vector<2000x40xf32>
    %sub3A_60 = arith.subf %sub3A_53, %sub3A_59 : vector<2000x40xf32>
    %swap3A_61 = arith.constant 0 : index
    %swap3A_62 = arith.constant 0 : index
    %swap3A_63 = vector.load %arg13[%swap3A_61, %swap3A_62] : memref<2000x40xf32, #tpu.memory_space<vmem>>, vector<2000x40xf32>
    tpu.vector_store %arg13[%swap3A_61, %swap3A_62], %sub3A_60 {strides = array<i32>} : memref<2000x40xf32, #tpu.memory_space<vmem>>, vector<2000x40xf32>,
    %get3A_64 = arith.constant 0 : index
    %get3A_65 = arith.constant 0 : index
    %get3A_66 = vector.load %arg10[%get3A_64, %get3A_65] : memref<128x128xf32, #tpu.memory_space<vmem>>, vector<128x128xf32>
    %dot_general3A_67 = arith.constant dense<0.000000e+00> : vector<2000x128xf32>
    %dot_general3A_68 = tpu.matmul %div3A_38, %get3A_66, %dot_general3A_67 {dimension_numbers = #tpu.dot_dimension_numbers<[1], [0], [0], [1], [0, 0, 1, 1], [], []>, transpose_lhs_hint = false} : vector<2000x128xf32>, vector<128x128xf32>, vector<2000x128xf32> -> vector<2000x128xf32>
    %get3A_69 = arith.constant 0 : index
    %get3A_70 = arith.constant 0 : index
    %get3A_71 = vector.load %arg11[%get3A_69, %get3A_70] : memref<1x128xf32, #tpu.memory_space<vmem>>, vector<1x128xf32>
    %add3A_72 = vector.broadcast %get3A_71 : vector<1x128xf32> to vector<2000x128xf32>
    %add3A_73 = arith.addf %dot_general3A_68, %add3A_72 : vector<2000x128xf32>
    %max3A_74 = arith.constant 0.000000e+00 : f32
    %max3A_75 = vector.broadcast %max3A_74 : f32 to vector<2000x128xf32>
    %max3A_76 = arith.maximumf %add3A_73, %max3A_75 : vector<2000x128xf32>
    %swap3A_77 = arith.constant 0 : index
    %swap3A_78 = arith.constant 0 : index
    %swap3A_79 = vector.load %arg14[%swap3A_77, %swap3A_78] : memref<2000x128xf32, #tpu.memory_space<vmem>>, vector<2000x128xf32>
    tpu.vector_store %arg14[%swap3A_77, %swap3A_78], %max3A_76 {strides = array<i32>} : memref<2000x128xf32, #tpu.memory_space<vmem>>, vector<2000x128xf32>,
    return
  }
  func.func @transform_0(%arg0: i32) -> (i32, i32) {
    %c0_i32 = arith.constant 0 : i32
    %c0_i32_0 = arith.constant 0 : i32
    return %arg0, %c0_i32 : i32, i32
  }
  func.func @transform_1(%arg0: i32) -> (i32, i32, i32) {
    %c0_i32 = arith.constant 0 : i32
    %c0_i32_0 = arith.constant 0 : i32
    %c0_i32_1 = arith.constant 0 : i32
    return %c0_i32, %arg0, %c0_i32_0 : i32, i32, i32
  }
  func.func @transform_2(%arg0: i32) -> (i32, i32, i32) {
    %c1_i32 = arith.constant 1 : i32
    %c0_i32 = arith.constant 0 : i32
    %c0_i32_0 = arith.constant 0 : i32
    return %c1_i32, %arg0, %c0_i32 : i32, i32, i32
  }
  func.func @transform_3(%arg0: i32) -> (i32, i32) {
    %c0_i32 = arith.constant 0 : i32
    %c0_i32_0 = arith.constant 0 : i32
    return %arg0, %c0_i32 : i32, i32
  }
  func.func @transform_4(%arg0: i32) -> (i32, i32) {
    %c0_i32 = arith.constant 0 : i32
    %c0_i32_0 = arith.constant 0 : i32
    return %arg0, %c0_i32 : i32, i32
  }
  func.func @transform_5(%arg0: i32) -> (i32, i32) {
    %c0_i32 = arith.constant 0 : i32
    %c0_i32_0 = arith.constant 0 : i32
    %c0_i32_1 = arith.constant 0 : i32
    return %c0_i32, %c0_i32_0 : i32, i32
  }
  func.func @transform_6(%arg0: i32) -> (i32, i32) {
    %c0_i32 = arith.constant 0 : i32
    %c0_i32_0 = arith.constant 0 : i32
    %c0_i32_1 = arith.constant 0 : i32
    return %c0_i32, %c0_i32_0 : i32, i32
  }
  func.func @transform_7(%arg0: i32) -> (i32, i32) {
    %c0_i32 = arith.constant 0 : i32
    %c0_i32_0 = arith.constant 0 : i32
    %c0_i32_1 = arith.constant 0 : i32
    return %c0_i32, %c0_i32_0 : i32, i32
  }
  func.func @transform_8(%arg0: i32) -> (i32, i32) {
    %c0_i32 = arith.constant 0 : i32
    %c0_i32_0 = arith.constant 0 : i32
    %c0_i32_1 = arith.constant 0 : i32
    return %c0_i32, %c0_i32_0 : i32, i32
  }
  func.func @transform_9(%arg0: i32) -> (i32, i32) {
    %c0_i32 = arith.constant 0 : i32
    %c0_i32_0 = arith.constant 0 : i32
    %c0_i32_1 = arith.constant 0 : i32
    return %c0_i32, %c0_i32_0 : i32, i32
  }
  func.func @transform_10(%arg0: i32) -> (i32, i32) {
    %c0_i32 = arith.constant 0 : i32
    %c0_i32_0 = arith.constant 0 : i32
    %c0_i32_1 = arith.constant 0 : i32
    return %c0_i32, %c0_i32_0 : i32, i32
  }
  func.func @transform_11(%arg0: i32) -> (i32, i32) {
    %c0_i32 = arith.constant 0 : i32
    %c0_i32_0 = arith.constant 0 : i32
    return %arg0, %c0_i32 : i32, i32
  }
  func.func @transform_12(%arg0: i32) -> (i32, i32) {
    %c0_i32 = arith.constant 0 : i32
    %c0_i32_0 = arith.constant 0 : i32
    return %arg0, %c0_i32 : i32, i32
  }
  func.func @transform_13(%arg0: i32) -> (i32, i32) {
    %c0_i32 = arith.constant 0 : i32
    %c0_i32_0 = arith.constant 0 : i32
    return %arg0, %c0_i32 : i32, i32
  }
}

module attributes {stable_mosaic.version = 14 : i64} {
  func.func @_tc_update2_body(%arg0: i32, %arg1: memref<1x2000x128xf32, #tpu.memory_space<vmem>>, %arg2: memref<1x2000x128xf32, #tpu.memory_space<vmem>>, %arg3: memref<2000x1xf32, #tpu.memory_space<vmem>>, %arg4: memref<2000x1xf32, #tpu.memory_space<vmem>>, %arg5: memref<128x40xf32, #tpu.memory_space<vmem>>, %arg6: memref<1x40xf32, #tpu.memory_space<vmem>>, %arg7: memref<128x128xf32, #tpu.memory_space<vmem>>, %arg8: memref<1x128xf32, #tpu.memory_space<vmem>>, %arg9: memref<128x48xf32, #tpu.memory_space<vmem>>, %arg10: memref<2000x40xf32, #tpu.memory_space<vmem>>, %arg11: memref<2000x128xf32, #tpu.memory_space<vmem>>, %arg12: memref<2000x48xf32, #tpu.memory_space<vmem>>) attributes {dimension_semantics = [#tpu.dimension_semantics<arbitrary>], iteration_bounds = array<i64: 5>, scalar_prefetch = 0 : i64, scratch_operands = 0 : i64, tpu.core_type = #tpu.core_type<tc>, window_params = [{transform_indices = @transform_0, window_bounds = array<i64: 1, 2000, 128>}, {transform_indices = @transform_1, window_bounds = array<i64: 1, 2000, 128>}, {transform_indices = @transform_2, window_bounds = array<i64: 2000, 1>}, {transform_indices = @transform_3, window_bounds = array<i64: 2000, 1>}, {pipeline_mode = #tpu.pipeline_mode<synchronous>, transform_indices = @transform_4, window_bounds = array<i64: 128, 40>}, {pipeline_mode = #tpu.pipeline_mode<synchronous>, transform_indices = @transform_5, window_bounds = array<i64: 1, 40>}, {pipeline_mode = #tpu.pipeline_mode<synchronous>, transform_indices = @transform_6, window_bounds = array<i64: 128, 128>}, {pipeline_mode = #tpu.pipeline_mode<synchronous>, transform_indices = @transform_7, window_bounds = array<i64: 1, 128>}, {pipeline_mode = #tpu.pipeline_mode<synchronous>, transform_indices = @transform_8, window_bounds = array<i64: 128, 48>}, {transform_indices = @transform_9, window_bounds = array<i64: 2000, 40>}, {transform_indices = @transform_10, window_bounds = array<i64: 2000, 128>}, {transform_indices = @transform_11, window_bounds = array<i64: 2000, 48>}]} {
    %get3A = arith.constant 0 : index
    %get3A_0 = arith.constant 0 : index
    %get3A_1 = vector.load %arg3[%get3A, %get3A_0] : memref<2000x1xf32, #tpu.memory_space<vmem>>, vector<2000x1xf32>
    %get3A_2 = arith.constant 0 : index
    %get3A_3 = arith.constant 0 : index
    %get3A_4 = vector.load %arg4[%get3A_2, %get3A_3] : memref<2000x1xf32, #tpu.memory_space<vmem>>, vector<2000x1xf32>
    %add3A = arith.addf %get3A_1, %get3A_4 : vector<2000x1xf32>
    %max3A = arith.constant 1.000000e+00 : f32
    %max3A_5 = vector.broadcast %max3A : f32 to vector<2000x1xf32>
    %max3A_6 = arith.maximumf %add3A, %max3A_5 : vector<2000x1xf32>
    %get3A_7 = arith.constant 0 : index
    %get3A_8 = arith.constant 0 : index
    %get3A_9 = arith.constant 0 : index
    %get3A_10 = vector.load %arg1[%get3A_7, %get3A_8, %get3A_9] : memref<1x2000x128xf32, #tpu.memory_space<vmem>>, vector<1x2000x128xf32>
    %get3A_11 = vector.shape_cast %get3A_10 : vector<1x2000x128xf32> to vector<2000x128xf32>
    %get3A_12 = arith.constant 0 : index
    %get3A_13 = arith.constant 0 : index
    %get3A_14 = arith.constant 0 : index
    %get3A_15 = vector.load %arg2[%get3A_12, %get3A_13, %get3A_14] : memref<1x2000x128xf32, #tpu.memory_space<vmem>>, vector<1x2000x128xf32>
    %get3A_16 = vector.shape_cast %get3A_15 : vector<1x2000x128xf32> to vector<2000x128xf32>
    %add3A_17 = arith.addf %get3A_11, %get3A_16 : vector<2000x128xf32>
    %div3A = vector.broadcast %max3A_6 : vector<2000x1xf32> to vector<2000x128xf32>
    %div3A_18 = arith.divf %add3A_17, %div3A : vector<2000x128xf32>
    %get3A_19 = arith.constant 0 : index
    %get3A_20 = arith.constant 0 : index
    %get3A_21 = vector.load %arg5[%get3A_19, %get3A_20] : memref<128x40xf32, #tpu.memory_space<vmem>>, vector<128x40xf32>
    %dot_general3A = arith.constant dense<0.000000e+00> : vector<2000x40xf32>
    %dot_general3A_22 = tpu.matmul %div3A_18, %get3A_21, %dot_general3A {dimension_numbers = #tpu.dot_dimension_numbers<[1], [0], [0], [1], [0, 0, 1, 1], [], []>, transpose_lhs_hint = false} : vector<2000x128xf32>, vector<128x40xf32>, vector<2000x40xf32> -> vector<2000x40xf32>
    %get3A_23 = arith.constant 0 : index
    %get3A_24 = arith.constant 0 : index
    %get3A_25 = vector.load %arg6[%get3A_23, %get3A_24] : memref<1x40xf32, #tpu.memory_space<vmem>>, vector<1x40xf32>
    %add3A_26 = vector.broadcast %get3A_25 : vector<1x40xf32> to vector<2000x40xf32>
    %add3A_27 = arith.addf %dot_general3A_22, %add3A_26 : vector<2000x40xf32>
    %reduce_max3A = arith.constant dense<0xFF800000> : vector<2000xf32>
    %reduce_max3A_28 = vector.multi_reduction <maximumf>, %add3A_27, %reduce_max3A [1] : vector<2000x40xf32> to vector<2000xf32>
    %broadcast_in_dim3A = vector.shape_cast %reduce_max3A_28 : vector<2000xf32> to vector<2000x1xf32>
    %sub3A = vector.broadcast %broadcast_in_dim3A : vector<2000x1xf32> to vector<2000x40xf32>
    %sub3A_29 = arith.subf %add3A_27, %sub3A : vector<2000x40xf32>
    %exp3A = math.exp %sub3A_29 : vector<2000x40xf32>
    %reduce_sum3A = arith.constant dense<0.000000e+00> : vector<2000xf32>
    %reduce_sum3A_30 = vector.multi_reduction <add>, %exp3A, %reduce_sum3A [1] : vector<2000x40xf32> to vector<2000xf32>
    %broadcast_in_dim3A_31 = vector.shape_cast %reduce_sum3A_30 : vector<2000xf32> to vector<2000x1xf32>
    %log3A = math.log %broadcast_in_dim3A_31 : vector<2000x1xf32>
    %sub3A_32 = vector.broadcast %log3A : vector<2000x1xf32> to vector<2000x40xf32>
    %sub3A_33 = arith.subf %sub3A_29, %sub3A_32 : vector<2000x40xf32>
    %swap3A = arith.constant 0 : index
    %swap3A_34 = arith.constant 0 : index
    %swap3A_35 = vector.load %arg10[%swap3A, %swap3A_34] : memref<2000x40xf32, #tpu.memory_space<vmem>>, vector<2000x40xf32>
    tpu.vector_store %arg10[%swap3A, %swap3A_34], %sub3A_33 {strides = array<i32>} : memref<2000x40xf32, #tpu.memory_space<vmem>>, vector<2000x40xf32>,
    %get3A_36 = arith.constant 0 : index
    %get3A_37 = arith.constant 0 : index
    %get3A_38 = vector.load %arg7[%get3A_36, %get3A_37] : memref<128x128xf32, #tpu.memory_space<vmem>>, vector<128x128xf32>
    %dot_general3A_39 = arith.constant dense<0.000000e+00> : vector<2000x128xf32>
    %dot_general3A_40 = tpu.matmul %div3A_18, %get3A_38, %dot_general3A_39 {dimension_numbers = #tpu.dot_dimension_numbers<[1], [0], [0], [1], [0, 0, 1, 1], [], []>, transpose_lhs_hint = false} : vector<2000x128xf32>, vector<128x128xf32>, vector<2000x128xf32> -> vector<2000x128xf32>
    %get3A_41 = arith.constant 0 : index
    %get3A_42 = arith.constant 0 : index
    %get3A_43 = vector.load %arg8[%get3A_41, %get3A_42] : memref<1x128xf32, #tpu.memory_space<vmem>>, vector<1x128xf32>
    %add3A_44 = vector.broadcast %get3A_43 : vector<1x128xf32> to vector<2000x128xf32>
    %add3A_45 = arith.addf %dot_general3A_40, %add3A_44 : vector<2000x128xf32>
    %max3A_46 = arith.constant 0.000000e+00 : f32
    %max3A_47 = vector.broadcast %max3A_46 : f32 to vector<2000x128xf32>
    %max3A_48 = arith.maximumf %add3A_45, %max3A_47 : vector<2000x128xf32>
    %swap3A_49 = arith.constant 0 : index
    %swap3A_50 = arith.constant 0 : index
    %swap3A_51 = vector.load %arg11[%swap3A_49, %swap3A_50] : memref<2000x128xf32, #tpu.memory_space<vmem>>, vector<2000x128xf32>
    tpu.vector_store %arg11[%swap3A_49, %swap3A_50], %max3A_48 {strides = array<i32>} : memref<2000x128xf32, #tpu.memory_space<vmem>>, vector<2000x128xf32>,
    %get3A_52 = arith.constant 0 : index
    %get3A_53 = arith.constant 0 : index
    %get3A_54 = vector.load %arg9[%get3A_52, %get3A_53] : memref<128x48xf32, #tpu.memory_space<vmem>>, vector<128x48xf32>
    %dot_general3A_55 = arith.constant dense<0.000000e+00> : vector<2000x48xf32>
    %dot_general3A_56 = tpu.matmul %max3A_48, %get3A_54, %dot_general3A_55 {dimension_numbers = #tpu.dot_dimension_numbers<[1], [0], [0], [1], [0, 0, 1, 1], [], []>, transpose_lhs_hint = false} : vector<2000x128xf32>, vector<128x48xf32>, vector<2000x48xf32> -> vector<2000x48xf32>
    %swap3A_57 = arith.constant 0 : index
    %swap3A_58 = arith.constant 0 : index
    %swap3A_59 = vector.load %arg12[%swap3A_57, %swap3A_58] : memref<2000x48xf32, #tpu.memory_space<vmem>>, vector<2000x48xf32>
    tpu.vector_store %arg12[%swap3A_57, %swap3A_58], %dot_general3A_56 {strides = array<i32>} : memref<2000x48xf32, #tpu.memory_space<vmem>>, vector<2000x48xf32>,
    return
  }
  func.func @transform_0(%arg0: i32) -> (i32, i32, i32) {
    %c0_i32 = arith.constant 0 : i32
    %c0_i32_0 = arith.constant 0 : i32
    %c0_i32_1 = arith.constant 0 : i32
    return %c0_i32, %arg0, %c0_i32_0 : i32, i32, i32
  }
  func.func @transform_1(%arg0: i32) -> (i32, i32, i32) {
    %c1_i32 = arith.constant 1 : i32
    %c0_i32 = arith.constant 0 : i32
    %c0_i32_0 = arith.constant 0 : i32
    return %c1_i32, %arg0, %c0_i32 : i32, i32, i32
  }
  func.func @transform_2(%arg0: i32) -> (i32, i32) {
    %c0_i32 = arith.constant 0 : i32
    %c0_i32_0 = arith.constant 0 : i32
    return %arg0, %c0_i32 : i32, i32
  }
  func.func @transform_3(%arg0: i32) -> (i32, i32) {
    %c0_i32 = arith.constant 0 : i32
    %c0_i32_0 = arith.constant 0 : i32
    return %arg0, %c0_i32 : i32, i32
  }
  func.func @transform_4(%arg0: i32) -> (i32, i32) {
    %c0_i32 = arith.constant 0 : i32
    %c0_i32_0 = arith.constant 0 : i32
    %c0_i32_1 = arith.constant 0 : i32
    return %c0_i32, %c0_i32_0 : i32, i32
  }
  func.func @transform_5(%arg0: i32) -> (i32, i32) {
    %c0_i32 = arith.constant 0 : i32
    %c0_i32_0 = arith.constant 0 : i32
    %c0_i32_1 = arith.constant 0 : i32
    return %c0_i32, %c0_i32_0 : i32, i32
  }
  func.func @transform_6(%arg0: i32) -> (i32, i32) {
    %c0_i32 = arith.constant 0 : i32
    %c0_i32_0 = arith.constant 0 : i32
    %c0_i32_1 = arith.constant 0 : i32
    return %c0_i32, %c0_i32_0 : i32, i32
  }
  func.func @transform_7(%arg0: i32) -> (i32, i32) {
    %c0_i32 = arith.constant 0 : i32
    %c0_i32_0 = arith.constant 0 : i32
    %c0_i32_1 = arith.constant 0 : i32
    return %c0_i32, %c0_i32_0 : i32, i32
  }
  func.func @transform_8(%arg0: i32) -> (i32, i32) {
    %c0_i32 = arith.constant 0 : i32
    %c0_i32_0 = arith.constant 0 : i32
    %c0_i32_1 = arith.constant 0 : i32
    return %c0_i32, %c0_i32_0 : i32, i32
  }
  func.func @transform_9(%arg0: i32) -> (i32, i32) {
    %c0_i32 = arith.constant 0 : i32
    %c0_i32_0 = arith.constant 0 : i32
    return %arg0, %c0_i32 : i32, i32
  }
  func.func @transform_10(%arg0: i32) -> (i32, i32) {
    %c0_i32 = arith.constant 0 : i32
    %c0_i32_0 = arith.constant 0 : i32
    return %arg0, %c0_i32 : i32, i32
  }
  func.func @transform_11(%arg0: i32) -> (i32, i32) {
    %c0_i32 = arith.constant 0 : i32
    %c0_i32_0 = arith.constant 0 : i32
    return %arg0, %c0_i32 : i32, i32
  }
}

module attributes {stable_mosaic.version = 14 : i64} {
  func.func @_tc_exit3_body(%arg0: i32, %arg1: memref<1x2000x48xf32, #tpu.memory_space<vmem>>, %arg2: memref<1x2000x48xf32, #tpu.memory_space<vmem>>, %arg3: memref<2000x1xf32, #tpu.memory_space<vmem>>, %arg4: memref<2000x1xf32, #tpu.memory_space<vmem>>, %arg5: memref<1x40xf32, #tpu.memory_space<vmem>>, %arg6: memref<2000x40xf32, #tpu.memory_space<vmem>>) attributes {dimension_semantics = [#tpu.dimension_semantics<arbitrary>], iteration_bounds = array<i64: 5>, scalar_prefetch = 0 : i64, scratch_operands = 0 : i64, tpu.core_type = #tpu.core_type<tc>, window_params = [{transform_indices = @transform_0, window_bounds = array<i64: 1, 2000, 48>}, {transform_indices = @transform_1, window_bounds = array<i64: 1, 2000, 48>}, {transform_indices = @transform_2, window_bounds = array<i64: 2000, 1>}, {transform_indices = @transform_3, window_bounds = array<i64: 2000, 1>}, {pipeline_mode = #tpu.pipeline_mode<synchronous>, transform_indices = @transform_4, window_bounds = array<i64: 1, 40>}, {transform_indices = @transform_5, window_bounds = array<i64: 2000, 40>}]} {
    %get3A = arith.constant 0 : index
    %get3A_0 = arith.constant 0 : index
    %get3A_1 = vector.load %arg3[%get3A, %get3A_0] : memref<2000x1xf32, #tpu.memory_space<vmem>>, vector<2000x1xf32>
    %get3A_2 = arith.constant 0 : index
    %get3A_3 = arith.constant 0 : index
    %get3A_4 = vector.load %arg4[%get3A_2, %get3A_3] : memref<2000x1xf32, #tpu.memory_space<vmem>>, vector<2000x1xf32>
    %add3A = arith.addf %get3A_1, %get3A_4 : vector<2000x1xf32>
    %max3A = arith.constant 1.000000e+00 : f32
    %max3A_5 = vector.broadcast %max3A : f32 to vector<2000x1xf32>
    %max3A_6 = arith.maximumf %add3A, %max3A_5 : vector<2000x1xf32>
    %get3A_7 = arith.constant 0 : index
    %get3A_8 = arith.constant 0 : index
    %get3A_9 = arith.constant 0 : index
    %get3A_10 = vector.load %arg1[%get3A_7, %get3A_8, %get3A_9] : memref<1x2000x48xf32, #tpu.memory_space<vmem>>, vector<1x2000x40xf32>
    %get3A_11 = vector.shape_cast %get3A_10 : vector<1x2000x40xf32> to vector<2000x40xf32>
    %get3A_12 = arith.constant 0 : index
    %get3A_13 = arith.constant 0 : index
    %get3A_14 = arith.constant 0 : index
    %get3A_15 = vector.load %arg2[%get3A_12, %get3A_13, %get3A_14] : memref<1x2000x48xf32, #tpu.memory_space<vmem>>, vector<1x2000x40xf32>
    %get3A_16 = vector.shape_cast %get3A_15 : vector<1x2000x40xf32> to vector<2000x40xf32>
    %add3A_17 = arith.addf %get3A_11, %get3A_16 : vector<2000x40xf32>
    %div3A = vector.broadcast %max3A_6 : vector<2000x1xf32> to vector<2000x40xf32>
    %div3A_18 = arith.divf %add3A_17, %div3A : vector<2000x40xf32>
    %get3A_19 = arith.constant 0 : index
    %get3A_20 = arith.constant 0 : index
    %get3A_21 = vector.load %arg5[%get3A_19, %get3A_20] : memref<1x40xf32, #tpu.memory_space<vmem>>, vector<1x40xf32>
    %add3A_22 = vector.broadcast %get3A_21 : vector<1x40xf32> to vector<2000x40xf32>
    %add3A_23 = arith.addf %div3A_18, %add3A_22 : vector<2000x40xf32>
    %reduce_max3A = arith.constant dense<0xFF800000> : vector<2000xf32>
    %reduce_max3A_24 = vector.multi_reduction <maximumf>, %add3A_23, %reduce_max3A [1] : vector<2000x40xf32> to vector<2000xf32>
    %broadcast_in_dim3A = vector.shape_cast %reduce_max3A_24 : vector<2000xf32> to vector<2000x1xf32>
    %sub3A = vector.broadcast %broadcast_in_dim3A : vector<2000x1xf32> to vector<2000x40xf32>
    %sub3A_25 = arith.subf %add3A_23, %sub3A : vector<2000x40xf32>
    %exp3A = math.exp %sub3A_25 : vector<2000x40xf32>
    %reduce_sum3A = arith.constant dense<0.000000e+00> : vector<2000xf32>
    %reduce_sum3A_26 = vector.multi_reduction <add>, %exp3A, %reduce_sum3A [1] : vector<2000x40xf32> to vector<2000xf32>
    %broadcast_in_dim3A_27 = vector.shape_cast %reduce_sum3A_26 : vector<2000xf32> to vector<2000x1xf32>
    %log3A = math.log %broadcast_in_dim3A_27 : vector<2000x1xf32>
    %sub3A_28 = vector.broadcast %log3A : vector<2000x1xf32> to vector<2000x40xf32>
    %sub3A_29 = arith.subf %sub3A_25, %sub3A_28 : vector<2000x40xf32>
    %swap3A = arith.constant 0 : index
    %swap3A_30 = arith.constant 0 : index
    %swap3A_31 = vector.load %arg6[%swap3A, %swap3A_30] : memref<2000x40xf32, #tpu.memory_space<vmem>>, vector<2000x40xf32>
    tpu.vector_store %arg6[%swap3A, %swap3A_30], %sub3A_29 {strides = array<i32>} : memref<2000x40xf32, #tpu.memory_space<vmem>>, vector<2000x40xf32>,
    return
  }
  func.func @transform_0(%arg0: i32) -> (i32, i32, i32) {
    %c0_i32 = arith.constant 0 : i32
    %c0_i32_0 = arith.constant 0 : i32
    %c0_i32_1 = arith.constant 0 : i32
    return %c0_i32, %arg0, %c0_i32_0 : i32, i32, i32
  }
  func.func @transform_1(%arg0: i32) -> (i32, i32, i32) {
    %c1_i32 = arith.constant 1 : i32
    %c0_i32 = arith.constant 0 : i32
    %c0_i32_0 = arith.constant 0 : i32
    return %c1_i32, %arg0, %c0_i32 : i32, i32, i32
  }
  func.func @transform_2(%arg0: i32) -> (i32, i32) {
    %c0_i32 = arith.constant 0 : i32
    %c0_i32_0 = arith.constant 0 : i32
    return %arg0, %c0_i32 : i32, i32
  }
  func.func @transform_3(%arg0: i32) -> (i32, i32) {
    %c0_i32 = arith.constant 0 : i32
    %c0_i32_0 = arith.constant 0 : i32
    return %arg0, %c0_i32 : i32, i32
  }
  func.func @transform_4(%arg0: i32) -> (i32, i32) {
    %c0_i32 = arith.constant 0 : i32
    %c0_i32_0 = arith.constant 0 : i32
    %c0_i32_1 = arith.constant 0 : i32
    return %c0_i32, %c0_i32_0 : i32, i32
  }
  func.func @transform_5(%arg0: i32) -> (i32, i32) {
    %c0_i32 = arith.constant 0 : i32
    %c0_i32_0 = arith.constant 0 : i32
    return %arg0, %c0_i32 : i32, i32
  }
}

</mosaic_0001>

<sc_bundles>
// kernel: kernel.11.cloned.1.call-start
scs
__scs_entry_jumppad:
0x0: {  	(pc) =	sbr.rel $0x88, $3  }
0x1: {  	(tag) =	ssettag $0x0;
	lr =	simm.s32 $0x1  }
0x2: {  	[smem:$0x3F93] =	sst lr;
	_ =	strace $0xD0000000  }
0x3: {  	_ = 	snop  }
0x4: {  	_ = 	snop  }
0x5: {  	_ = 	snop  }
0x6: {  	_ = 	snop  }
0x7: {  	_ = 	snop  }
__scs_overlays_trampoline_lowered:
0x8: {  	[smem:$0x3FA2] =	sst s0  }
0x9: {  	[smem:$0x3FA3] =	sst s1  }
0xa: {  	[smem:$0x3FA4] =	sst s2  }
0xb: {  	[smem:$0x3FA5] =	sst s3  }
0xc: {  	[smem:$0x3FA6] =	sst s4  }
0xd: {  	[smem:$0x3FA7] =	sst s5  }
0xe: {  	[smem:$0x3FA8] =	sst s6  }
0xf: {  	[smem:$0x3FA9] =	sst s7  }
0x10: {  	[smem:$0x3FAA] =	sst s8  }
0x11: {  	[smem:$0x3FAB] =	sst s9;
	s0 =	simm.s32 @!p0 $0x0  }
0x12: {  	s1 =	sld [smem:$0x3F91];
	s0 =	simm.s32 @p0 $0x1  }
0x13: {  	[smem:$0x3FAC] =	sst s0;
	s0 =	simm.s32 @!p1 $0x0  }
0x14: {  	s2 =	sld [smem:$0x3F90];
	s0 =	simm.s32 @p1 $0x1  }
0x15: {  	[smem:$0x3FAD] =	sst s0;
	s0 =	simm.s32 @!p2 $0x0  }
0x16: {  	s3 =	sld [smem:$0x3FDB];
	s0 =	simm.s32 @p2 $0x1  }
0x17: {  	s4 =	simm.s32 $0x1BF5;
	[smem:$0x3FAF] =	sst s0  }
0x18: {  	s0 =	sld [smem:$0x3F92];
	_ =	swait.ge [sflag:s4], $0x0  }
0x19: {  	s7 =	sld [smem:$0x3F93]  }
0x1a: {  	s8 =	sadd.s32 $0xFFFFE003, lr  }
0x1b: {  	s9 =	sadd.s32 $0xFFFFFEF7, lr;
	s5 =	simm.s32 $0xFFFFFFFF;
	p2 =	slt.u32 s8, $0xFFFFF086  }
0x1c: {  	p1 =	slt.u32 s9, $0xF7A;
	s5 =	simm.s32 @!p2 $0x0  }
0x1d: {  	s5 =	simm.s32 @p1 $0x1;
	p0 =	seq.s32 s7, s2  }
0x1e: {  	s7 =	smul.u32 @!p0 $0xF7A, s2;
	p2 =	seq.s32 @!p0 s5, $0x0  }
0x1f: {  	s9 =	smul.u32 $0xF7A, s1;
	s8 =	simm.s32 @!p0 $0x1BF5;
	p2 =	por !p2, p0  }
0x20: {  	[sflag:s8] =	ssyncset.s32 @!p0 $0xFFFFF086;
	s6 =	sadd.s32 @!p0 s3, s7;
	s7 =	simm.s32 @!p0 $0x108  }
0x21: {  	s3 =	sadd.s32 s3, s9;
	s6 =	sadd.s32 @!p0 $0x88, s6;
	s7 =	simm.s32 @p2 $0x1082  }
0x22: {  	[simem:s7], [sflag:s8] =	dma.local @!p0 [hbm:s6], $0xF7A  }
0x23: {  	s9 =	sor.u32 $0xD0000000, s2;
	s6 =	simm.s32 $0x108;
	_ =	swait.ge @!p0 [sflag:s8], $0x0  }
0x24: {  	s3 =	sadd.s32 $0x88, s3;
	s6 =	simm.s32 @!p1 $0x1082;
	[sflag:s4] =	ssyncset.s32 $0xFFFFF086  }
0x25: {  	[simem:s6], [sflag:s4] =	dma.local [hbm:s3], $0xF7A  }
0x26: {  	[smem:$0x3F93] =	sst s1;
	(tag) =	ssettag s2;
	_ =	strace s9  }
0x27: {  	s1 =	sld [smem:$0x3FA3]  }
0x28: {  	s2 =	sld [smem:$0x3FA4]  }
0x29: {  	s4 =	sld [smem:$0x3FA6]  }
0x2a: {  	p0 =	seq.s32 s5, $0x0;
	s5 =	sld [smem:$0x3FA7]  }
0x2b: {  	s6 =	sld [smem:$0x3FA8]  }
0x2c: {  	s7 =	sld [smem:$0x3FA9]  }
0x2d: {  	s3 =	simm.s32 $0x108;
	s8 =	sld [smem:$0x3FAA]  }
0x2e: {  	s3 =	simm.s32 @!p0 $0x1082;
	s9 =	sld [smem:$0x3FAB]  }
0x2f: {  	lr =	sadd.s32 s0, s3;
	s0 =	sld [smem:$0x3FA2]  }
0x30: {  	s3 =	sld [smem:$0x3FA5]  }
0x31: {  	[smem:$0x3FAE] =	sst s10  }
0x32: {  	s10 =	sld [smem:$0x3FAC];
	_ =	sdelay $0x3  }
0x33: {  	p0 =	seq.s32 s10, $0x1;
	s10 =	sld [smem:$0x3FAE];
	_ =	sdelay $0x3  }
0x34: {  	[smem:$0x3FAE] =	sst s10  }
0x35: {  	s10 =	sld [smem:$0x3FAD];
	_ =	sdelay $0x3  }
0x36: {  	p1 =	seq.s32 s10, $0x1;
	s10 =	sld [smem:$0x3FAE];
	_ =	sdelay $0x3  }
0x37: {  	[smem:$0x3FAE] =	sst s10  }
0x38: {  	s10 =	sld [smem:$0x3FAF]  }
0x39: {  	_ = 	snop;
	(pc) =	sbr.ind lr, $3  }
0x3a: {  	_ = 	snop  }
0x3b: {  	_ = 	snop  }
0x3c: {  	p2 =	seq.s32 s10, $0x1;
	s10 =	sld [smem:$0x3FAE]  }
0x3d: {  	_ =	shalt  }
0x3e: {  	_ =	shalt  }
0x3f: {  	_ =	shalt  }
0x40: {  	_ =	shalt  }
0x41: {  	_ =	shalt  }
0x42: {  	_ =	shalt  }
0x43: {  	_ =	shalt  }
0x44: {  	_ =	shalt  }
0x45: {  	_ =	shalt  }
0x46: {  	_ =	shalt  }
0x47: {  	_ =	shalt  }
0x48: {  	_ =	shalt  }
0x49: {  	_ =	shalt  }
0x4a: {  	_ =	shalt  }
0x4b: {  	_ =	shalt  }
0x4c: {  	_ =	shalt  }
0x4d: {  	_ =	shalt  }
0x4e: {  	_ =	shalt  }
0x4f: {  	_ =	shalt  }
0x50: {  	_ =	shalt  }
0x51: {  	_ =	shalt  }
0x52: {  	_ =	shalt  }
0x53: {  	_ =	shalt  }
0x54: {  	_ =	shalt  }
0x55: {  	_ =	shalt  }
0x56: {  	_ =	shalt  }
0x57: {  	_ =	shalt  }
0x58: {  	_ =	shalt  }
0x59: {  	_ =	shalt  }
0x5a: {  	_ =	shalt  }
0x5b: {  	_ =	shalt  }
0x5c: {  	_ =	shalt  }
0x5d: {  	_ =	shalt  }
0x5e: {  	_ =	shalt  }
0x5f: {  	_ =	shalt  }
0x60: {  	_ =	shalt  }
0x61: {  	_ =	shalt  }
0x62: {  	_ =	shalt  }
0x63: {  	_ =	shalt  }
0x64: {  	_ =	shalt  }
0x65: {  	_ =	shalt  }
0x66: {  	_ =	shalt  }
0x67: {  	_ =	shalt  }
0x68: {  	_ =	shalt  }
0x69: {  	_ =	shalt  }
0x6a: {  	_ =	shalt  }
0x6b: {  	_ =	shalt  }
0x6c: {  	_ =	shalt  }
0x6d: {  	_ =	shalt  }
0x6e: {  	_ =	shalt  }
0x6f: {  	_ =	shalt  }
0x70: {  	_ =	shalt  }
0x71: {  	_ =	shalt  }
0x72: {  	_ =	shalt  }
0x73: {  	_ =	shalt  }
0x74: {  	_ =	shalt  }
0x75: {  	_ =	shalt  }
0x76: {  	_ =	shalt  }
0x77: {  	_ =	shalt  }
0x78: {  	_ =	shalt  }
0x79: {  	_ =	shalt  }
0x7a: {  	_ =	shalt  }
0x7b: {  	_ =	shalt  }
0x7c: {  	_ =	shalt  }
0x7d: {  	_ =	shalt  }
0x7e: {  	_ =	shalt  }
0x7f: {  	_ =	shalt  }
0x80: {  	_ =	shalt  }
0x81: {  	_ =	shalt  }
0x82: {  	_ =	shalt  }
0x83: {  	_ =	shalt  }
0x84: {  	_ =	shalt  }
0x85: {  	_ =	shalt  }
0x86: {  	_ =	shalt  }
0x87: {  	_ =	shalt  }
.Lfunc_end0:
.L_simem_size_0:
called_computation.1_lowered:
.L_overlay_start_0:
0x88: {  	s2 =	sld [smem:$0x3FD9]  }
0x89: {  	s3 =	sld [smem:$0x3FFE];
	_ =	sdelay $0x1  }
0x8a: {  	s1 =	srdreg.scid  }
0x8b: {  	s0 =	sand.u32 $0x1, s1  }
0x8c: {  	s16 =	sshll.u32 s0, $0xA;
	s2 =	sadd.s32 s3, s2  }
0x8d: {  	s2 =	sadd.s32 s2, s16  }
0x8e: {  	[smem:$0x3FBA] =	sst s2  }
0x8f: {  	_ = 	snop  }
0x90: {  	(tm) =	ssettm $0x1  }
0x91: {  	s17 =	sld [smem:$0x3FFB];
	_ =	sdelay $0x3  }
0x92: {  	_ =	strace s17  }
0x93: {  	s2 =	sld [smem:$0x3FFC];
	_ =	sdelay $0x3  }
0x94: {  	_ =	strace s2  }
0x95: {  	s2 =	sld [smem:$0x3FFD];
	_ =	sdelay $0x3  }
0x96: {  	_ =	strace s2  }
0x97: {  	_ =	strace $0x8FFFFFFF  }
0x98: {  	s18 =	sld [smem:$0x3FDB];
	_ =	sdelay $0x1  }
0x99: {  	s19 =	simm.s32 $_scs_section_size  }
0x9a: {  	s4 =	simm.s32 $_size__tile_overlayer_lowered;
	s5 =	simm.s32 $_tile_overlayer_lowered  }
0x9b: {  	s22 =	simm.s32 $0x1BFF;
	s21 =	sshll.u32 s5, $0x1;
	s2 =	sadd.s32 s19, s18  }
0x9c: {  	s6 =	simm.s32 $0x0;
	s20 =	sshll.u32 s4, $0x1;
	s4 =	sadd.s32 s21, s2  }
0x9d: {  	[timem:s6], [sflag:s22] =	dma.local [hbm:s4], s20  }
0x9e: {  	_ =	swait.ge [sflag:s22], s20  }
0x9f: {  	s3 =	ssub.s32 $0x0, s20;
	[sflag:s22] =	ssyncset.done $0x0  }
0xa0: {  	[sflag:s22] =	ssyncadd.s32 s3;
	_ =	sdelay $0x1  }
0xa1: {  	s23 =	simm.s32 $0x1B8B  }
0xa2: {  	_ =	swait.ge [sflag:s23], $0x1  }
0xa3: {  	[sflag:s23] =	ssyncset.done $0x0  }
0xa4: {  	s25 =	simm.s32 $0x1B8E;
	s24 =	sld [smem:$0x3FFE];
	[sflag:s23] =	ssyncadd.s32 $0xFFFFFFFF  }
0xa5: {  	s26 =	simm.s32 $execute0_lowered;
	[smem:$0x3FD2] =	sst s25  }
0xa6: {  	s4 =	sshll.u32 s26, $0x1;
	_ =	strace $0x80000049;
	[dreg:$0x1] =	wrdreg $0xFFFFFFFF  }
0xa7: {  	s28 =	simm.s32 $_size_execute0_lowered;
	s2 =	sadd.s32 s2, s4;
	[dreg:$0x0] =	wrdreg $0x0  }
0xa8: {  	s4 =	sshll.u32 s28, $0x1;
	[dreg:$0x2] =	wrdreg s2  }
0xa9: {  	[dreg:$0x3] =	wrdreg s4  }
0xaa: {  	[dreg:$0x4] =	wrdreg $0xC0  }
0xab: {  	_ =	task [dreg:s6], $0x5FFFF  }
0xac: {  	[dreg:$0x1] =	wrdreg $0xFFFFFFFF  }
0xad: {  	[dreg:$0x0] =	wrdreg $0x60  }
0xae: {  	[dreg:$0x2] =	wrdreg s24  }
0xaf: {  	[dreg:$0x3] =	wrdreg $0xA8000  }
0xb0: {  	[dreg:$0x4] =	wrdreg $0x9  }
0xb1: {  	_ =	task.clear_ibuf [dreg:s6], $0x5FFFF;
	_ =	strace $0x90000049  }
0xb2: {  	s29 =	simm.s32 $0x9;
	_ =	strace $0x8000004B  }
0xb3: {  	_ =	swait.ge [sflag:s29], $0x1  }
0xb4: {  	[sflag:s29] =	ssyncadd.s32 $0xFFFFFFFF  }
0xb5: {  	_ =	strace $0x9000004B  }
0xb6: {  	_ =	sfence  }
0xb7: {  	s30 =	sld [smem:$0x0];
	_ =	sdelay $0x2  }
0xb8: {  	s31 =	sshll.u32 s1, $0xD;
	s1 =	sshrl.u32 s1, $0x2  }
0xb9: {  	s3 =	sand.u32 $0x4000, s31;
	s1 =	sadd.s32 s1, s30  }
0xba: {  	s0 =	sor.u32 s3, s0;
	s1 =	sshll.u32 s1, $0x11  }
0xbb: {  	s0 =	sor.u32 s1, s0  }
0xbc: {  	s0 =	sadd.s32 $0x8F2B, s0  }
0xbd: {  	[sflag:s0] =	ssyncadd.remote.s32 $0x1  }
0xbe: {  	_ =	sfence.sel $0xFFFF  }
0xbf: {  	[dreg:$0x0] =	wrdreg $0xFFFFFFFF;
	(pc) =	sbr.abs _section_cstart, $3  }
0xc0: {  	[dreg:$0x1] =	wrdreg $0xFFFFFFFF  }
0xc1: {  	_ =	task.clear_ibuf [dreg:s6], $0x2FFFF;
	_ =	strace $0x9FFFFFFF  }
0xc2: {  	(tm) =	ssettm $0x7FFFFFFF  }
0xc3: {  	_ =	shalt  }
tec
execute0_lowered:
.L_overlay_start_1:
0x0: {  	(tag) =	ssettag $0x1  }
0x1: {  	s6 =	rddreg [dreg:$0x0]  }
0x2: {  	s1 =	rddreg [dreg:$0x1];
	s2 =	srdreg.scid;
	s3 =	simm.s32 $0x0  }
0x3: {  	s0 =	stileid.u32;
	s18 =	simm.s32 $0x2800;
	s19 =	simm.s32 $0x3  }
0x4: {  	s20 =	simm.s32 $0x2;
	s21 =	simm.s32 $0x80;
	s22 =	simm.s32 $0x6800  }
0x5: {  	s23 =	simm.s32 $0x1;
	s24 =	simm.s32 $0x1380;
	s25 =	simm.s32 $0x2700  }
0x6: {  	s28 =	simm.s32 $0x0;
	s7 =	sand.u32 $0x1, s2;
	s8 =	smul.u32 $0x13C00, s0  }
0x7: {  	[smem:$0x7FF] =	sst s3;
	s4 =	sadd.s32 $0x19800, s6;
	s10 =	smul.u32 $0x4F000, s0  }
0x8: {  	s13 =	sadd.s32 $0x5000, s6;
	s14 =	sadd.s32 $0xF000, s6;
	s5 =	smul.u32 $0x13C000, s7  }
0x9: {  	s9 =	sshll.u32 s7, $0x4;
	_ =	strace $0x8000004A;
	s30 =	ssub.s32 $0x2, s7  }
0xa: {  	s9 =	sor.u32 s0, s9;
	s7 =	sshrl.u32 s30, $0x1;
	s31 =	sshrl.u32 s10, $0x2  }
0xb: {  	s5 =	sadd.s32 s8, s5;
	s26 =	smul.u32 $0x2800, s9;
	s17 =	ssub.s32 s30, s7  }
0xc: {  	s7 =	sadd.s32 s31, s1;
	s29 =	sshrl.u32 s5, $0x3;
	s5 =	sadd.s32 $0x19000, s6  }
0xd: {  	s9 =	sadd.s32 $0x4000, s7;
	s10 =	sadd.s32 $0x8000, s7;
	s11 =	sadd.s32 $0xC000, s7  }
0xe: {  	s12 =	sadd.s32 $0x10000, s7;
	s15 =	sadd.s32 s29, s6;
	s16 =	sshrl.u32 s26, $0x3  }
0xf: {  	s6 =	sadd.s32 s13, s16;
	s8 =	sadd.s32 s14, s16;
	s16 =	sadd.s32 $0x280, s16  }
0x10: {  	s26 =	simm.s32 $0x2780;
	s15 =	sadd.s32 $0x90800, s15;
	s13 =	sadd.s32 s13, s16  }
0x11: {  	s14 =	sadd.s32 s14, s16;
	s16 =	smax.u32 s17, $0x1;
	s17 =	simm.s32 $0x1400  }
.LBB2_1:
0x12: {  	[tilespmem:s3], [sflag:$0x2] =	stream.linear.gather [hbm4b:s6+s3], $0x1400, $0x38;
	[tilespmem:$0x1E400] =	vst v63  }
0x13: {  	_ = 	snop  }
0x14: {  	[tilespmem:s17], [sflag:$0x2] =	stream.linear.gather [hbm4b:s8+s3], $0x1400, $0x38;
	[tilespmem:$0x1E400] =	vst v63  }
0x15: {  	_ = 	snop  }
0x16: {  	[tilespmem:s18], [sflag:$0x3] =	stream.linear.gather [hbm4b:s5+s3], $0x4000, $0x38;
	[tilespmem:$0x1E400] =	vst v63  }
0x17: {  	_ =	swait.ge [sflag:s19], $0x4000  }
0x18: {  	[sflag:s19] =	ssyncset.done $0x0  }
0x19: {  	[sflag:s19] =	ssyncadd.s32 $0xFFFFC000  }
0x1a: {  	[spmem:s7] =	stream.linear.scatter [tilespmem:s18], [sflag:$0x3], $0x4000, $0x38;
	[tilespmem:$0x1E400] =	vst v63  }
0x1b: {  	_ =	swait.ge [sflag:s19], $0x4000  }
0x1c: {  	[sflag:s19] =	ssyncset.done $0x0  }
0x1d: {  	[sflag:s19] =	ssyncadd.s32 $0xFFFFC000  }
0x1e: {  	[spmem:s9] =	stream.linear.scatter [tilespmem:s18], [sflag:$0x3], $0x4000, $0x38;
	[tilespmem:$0x1E400] =	vst v63  }
0x1f: {  	_ =	swait.ge [sflag:s19], $0x4000  }
0x20: {  	[sflag:s19] =	ssyncset.done $0x0  }
0x21: {  	[sflag:s19] =	ssyncadd.s32 $0xFFFFC000  }
0x22: {  	[spmem:s10] =	stream.linear.scatter [tilespmem:s18], [sflag:$0x3], $0x4000, $0x38;
	[tilespmem:$0x1E400] =	vst v63  }
0x23: {  	_ =	swait.ge [sflag:s19], $0x4000  }
0x24: {  	[sflag:s19] =	ssyncset.done $0x0  }
0x25: {  	[sflag:s19] =	ssyncadd.s32 $0xFFFFC000  }
0x26: {  	[spmem:s11] =	stream.linear.scatter [tilespmem:s18], [sflag:$0x3], $0x4000, $0x38;
	[tilespmem:$0x1E400] =	vst v63  }
0x27: {  	_ =	swait.ge [sflag:s19], $0x4000  }
0x28: {  	[sflag:s19] =	ssyncset.done $0x0  }
0x29: {  	[sflag:s19] =	ssyncadd.s32 $0xFFFFC000  }
0x2a: {  	[spmem:s12] =	stream.linear.scatter [tilespmem:s18], [sflag:$0x3], $0x3C00, $0x38;
	[tilespmem:$0x1E400] =	vst v63  }
0x2b: {  	_ =	swait.ge [sflag:s19], $0x3C00  }
0x2c: {  	[sflag:s19] =	ssyncset.done $0x0  }
0x2d: {  	[sflag:s19] =	ssyncadd.s32 $0xFFFFC400  }
0x2e: {  	[bflag:$0x0] =	sbarrier.arrive $0xFFFF  }
0x2f: {  	_ =	swait.ge [sflag:s20], $0x1400  }
0x30: {  	[sflag:s20] =	ssyncset.done $0x0  }
0x31: {  	[sflag:s20] =	ssyncadd.s32 $0xFFFFEC00  }
0x32: {  	_ =	swait.ge [sflag:s20], $0x1400  }
0x33: {  	[sflag:s20] =	ssyncset.done $0x0  }
0x34: {  	[sflag:s20] =	ssyncadd.s32 $0xFFFFEC00  }
0x35: {  	[tilespmem:s18], [sflag:$0x1] =	stream.indirect.gather [hbm4b:s4+s21], $0x80, s3, s21, $0xb8;
	[tilespmem:$0x1E400] =	vst v63  }
0x36: {  	s29 =	simm.s32 $0x80  }
0x37: {  	[tilespmem:s22], [sflag:$0x2] =	stream.indirect.gather [hbm4b:s4+s21], $0x80, s29, s21, $0xb8;
	[tilespmem:$0x1E400] =	vst v63  }
0x38: {  	_ =	swait.ge [sflag:s23], $0x4000  }
0x39: {  	[sflag:s23] =	ssyncset.done $0x0  }
0x3a: {  	s29 =	simm.s32 $0x1400;
	[sflag:s23] =	ssyncadd.s32 $0xFFFFC000  }
0x3b: {  	[spmem:s1] =	stream.indirect.scatter.add.f32 [tilespmem:s18], [sflag:$0x3], $0x80, s29, s21, $0xb8;
	[tilespmem:$0x1E400] =	vst v63  }
0x3c: {  	_ =	swait.ge [sflag:s19], $0x4000  }
0x3d: {  	[sflag:s19] =	ssyncset.done $0x0  }
0x3e: {  	s29 =	simm.s32 $0x100;
	[sflag:s19] =	ssyncadd.s32 $0xFFFFC000  }
0x3f: {  	[tilespmem:s18], [sflag:$0x1] =	stream.indirect.gather [hbm4b:s4+s21], $0x80, s29, s21, $0xb8;
	[tilespmem:$0x1E400] =	vst v63  }
0x40: {  	_ =	swait.ge [sflag:s20], $0x4000  }
0x41: {  	[sflag:s20] =	ssyncset.done $0x0  }
0x42: {  	s29 =	simm.s32 $0x1480;
	[sflag:s20] =	ssyncadd.s32 $0xFFFFC000  }
0x43: {  	[spmem:s1] =	stream.indirect.scatter.add.f32 [tilespmem:s22], [sflag:$0x3], $0x80, s29, s21, $0xb8;
	[tilespmem:$0x1E400] =	vst v63  }
0x44: {  	_ =	swait.ge [sflag:s19], $0x4000  }
0x45: {  	s30 =	simm.s32 $0x800;
	s29 =	simm.s32 $0x100;
	[sflag:s19] =	ssyncset.done $0x0  }
.LBB2_2:
0x46: {  	s31 =	sadd.s32 $0x80, s29  }
0x47: {  	[sflag:s19] =	ssyncadd.s32 $0xFFFFC000;
	s0 =	smov.u32 s30;
	s2 =	sadd.s32 $0x400, s30  }
0x48: {  	[tilespmem:s22], [sflag:$0x2] =	stream.indirect.gather [hbm4b:s4+s21], $0x80, s31, s21, $0xb8;
	[tilespmem:$0x1E400] =	vst v63  }
0x49: {  	p0 =	sne.s32 s30, $0x4800;
	_ =	swait.ge [sflag:s23], $0x4000  }
0x4a: {  	[sflag:s23] =	ssyncset.done $0x0  }
0x4b: {  	s30 =	sadd.s32 $0x1400, s29;
	[sflag:s23] =	ssyncadd.s32 $0xFFFFC000  }
0x4c: {  	[spmem:s1] =	stream.indirect.scatter.add.f32 [tilespmem:s18], [sflag:$0x3], $0x80, s30, s21, $0xb8;
	[tilespmem:$0x1E400] =	vst v63  }
0x4d: {  	_ =	swait.ge [sflag:s19], $0x4000  }
0x4e: {  	[sflag:s19] =	ssyncset.done $0x0  }
0x4f: {  	s30 =	sadd.s32 $0x100, s29;
	[sflag:s19] =	ssyncadd.s32 $0xFFFFC000  }
0x50: {  	[tilespmem:s18], [sflag:$0x1] =	stream.indirect.gather [hbm4b:s4+s21], $0x80, s30, s21, $0xb8;
	[tilespmem:$0x1E400] =	vst v63  }
0x51: {  	_ =	swait.ge [sflag:s20], $0x4000  }
.Ltmp0:
0x52: {  	[sflag:s20] =	ssyncset.done $0x0;
	(pc) =	sbr.rel @p0 .LBB2_2-.Ltmp0, $4  }
0x53: {  	s29 =	sadd.s32 $0x1480, s29;
	[sflag:s20] =	ssyncadd.s32 $0xFFFFC000  }
0x54: {  	[spmem:s1] =	stream.indirect.scatter.add.f32 [tilespmem:s22], [sflag:$0x3], $0x80, s29, s21, $0xb8;
	[tilespmem:$0x1E400] =	vst v63  }
0x55: {  	_ =	swait.ge [sflag:s19], $0x4000  }
0x56: {  	s30 =	smov.u32 s2;
	s29 =	sshra.s32 s0, $0x2;
	[sflag:s19] =	ssyncset.done $0x0  }
0x57: {  	s0 =	sadd.s32 $0x80, s29;
	[sflag:s19] =	ssyncadd.s32 $0xFFFFC000  }
0x58: {  	[tilespmem:s22], [sflag:$0x2] =	stream.indirect.gather [hbm4b:s4+s21], $0x80, s0, s21, $0xb8;
	[tilespmem:$0x1E400] =	vst v63  }
0x59: {  	_ =	swait.ge [sflag:s23], $0x4000  }
0x5a: {  	[sflag:s23] =	ssyncset.done $0x0  }
0x5b: {  	s2 =	sadd.s32 $0x1400, s29;
	[sflag:s23] =	ssyncadd.s32 $0xFFFFC000  }
0x5c: {  	[spmem:s1] =	stream.indirect.scatter.add.f32 [tilespmem:s18], [sflag:$0x3], $0x80, s2, s21, $0xb8;
	[tilespmem:$0x1E400] =	vst v63  }
0x5d: {  	_ =	swait.ge [sflag:s19], $0x4000  }
0x5e: {  	[sflag:s19] =	ssyncset.done $0x0  }
0x5f: {  	s31 =	sadd.s32 $0x100, s29;
	[sflag:s19] =	ssyncadd.s32 $0xFFFFC000  }
0x60: {  	[tilespmem:s18], [sflag:$0x1] =	stream.indirect.gather [hbm4b:s4+s21], $0x80, s31, s21, $0xb8;
	[tilespmem:$0x1E400] =	vst v63  }
0x61: {  	_ =	swait.ge [sflag:s20], $0x4000  }
0x62: {  	[sflag:s20] =	ssyncset.done $0x0  }
0x63: {  	s2 =	sadd.s32 $0x1480, s29;
	[sflag:s20] =	ssyncadd.s32 $0xFFFFC000  }
0x64: {  	[spmem:s1] =	stream.indirect.scatter.add.f32 [tilespmem:s22], [sflag:$0x3], $0x80, s2, s21, $0xb8;
	[tilespmem:$0x1E400] =	vst v63  }
0x65: {  	_ =	swait.ge [sflag:s19], $0x4000  }
0x66: {  	[sflag:s19] =	ssyncset.done $0x0  }
0x67: {  	[sflag:s19] =	ssyncadd.s32 $0xFFFFC000  }
0x68: {  	[tilespmem:s22], [sflag:$0x2] =	stream.indirect.gather [hbm4b:s4+s21], $0x80, s24, s21, $0xb8;
	[tilespmem:$0x1E400] =	vst v63  }
0x69: {  	_ =	swait.ge [sflag:s23], $0x4000  }
0x6a: {  	[sflag:s23] =	ssyncset.done $0x0  }
0x6b: {  	[sflag:s23] =	ssyncadd.s32 $0xFFFFC000  }
0x6c: {  	[spmem:s1] =	stream.indirect.scatter.add.f32 [tilespmem:s18], [sflag:$0x3], $0x80, s25, s21, $0xb8;
	[tilespmem:$0x1E400] =	vst v63  }
0x6d: {  	_ =	swait.ge [sflag:s19], $0x4000  }
0x6e: {  	[sflag:s19] =	ssyncset.done $0x0  }
0x6f: {  	[sflag:s19] =	ssyncadd.s32 $0xFFFFC000  }
0x70: {  	_ =	swait.ge [sflag:s20], $0x4000  }
0x71: {  	[sflag:s20] =	ssyncset.done $0x0  }
0x72: {  	[sflag:s20] =	ssyncadd.s32 $0xFFFFC000  }
0x73: {  	[spmem:s1] =	stream.indirect.scatter.add.f32 [tilespmem:s22], [sflag:$0x3], $0x80, s26, s21, $0xb8;
	[tilespmem:$0x1E400] =	vst v63  }
0x74: {  	_ =	swait.ge [sflag:s19], $0x4000  }
0x75: {  	[sflag:s19] =	ssyncset.done $0x0  }
0x76: {  	s31 =	simm.s32 $0x0;
	[sflag:s19] =	ssyncadd.s32 $0xFFFFC000  }
0x77: {  	[tilespmem:s31], [sflag:$0x3] =	stream.linear.gather [hbm4b:s13+s31], $0x1400, $0x38;
	[tilespmem:$0x1E400] =	vst v63  }
0x78: {  	_ =	swait.ge [sflag:s19], $0x1400  }
0x79: {  	[sflag:s19] =	ssyncset.done $0x0  }
0x7a: {  	[sflag:s19] =	ssyncadd.s32 $0xFFFFEC00  }
0x7b: {  	[tilespmem:s17], [sflag:$0x3] =	stream.linear.gather [hbm4b:s14+s31], $0x1400, $0x38;
	[tilespmem:$0x1E400] =	vst v63  }
0x7c: {  	_ =	swait.ge [sflag:s19], $0x1400  }
0x7d: {  	[sflag:s19] =	ssyncset.done $0x0  }
0x7e: {  	[sflag:s19] =	ssyncadd.s32 $0xFFFFEC00  }
0x7f: {  	[tilespmem:s18], [sflag:$0x1] =	stream.indirect.gather [hbm4b:s4+s21], $0x80, s31, s21, $0xb8;
	[tilespmem:$0x1E400] =	vst v63  }
0x80: {  	s2 =	simm.s32 $0x80  }
0x81: {  	[tilespmem:s22], [sflag:$0x2] =	stream.indirect.gather [hbm4b:s4+s21], $0x80, s2, s21, $0xb8;
	[tilespmem:$0x1E400] =	vst v63  }
0x82: {  	_ =	swait.ge [sflag:s23], $0x4000  }
0x83: {  	[sflag:s23] =	ssyncset.done $0x0  }
0x84: {  	s31 =	simm.s32 $0x1400;
	[sflag:s23] =	ssyncadd.s32 $0xFFFFC000  }
0x85: {  	[spmem:s1] =	stream.indirect.scatter.add.f32 [tilespmem:s18], [sflag:$0x3], $0x80, s31, s21, $0xb8;
	[tilespmem:$0x1E400] =	vst v63  }
0x86: {  	_ =	swait.ge [sflag:s19], $0x4000  }
0x87: {  	[sflag:s19] =	ssyncset.done $0x0  }
0x88: {  	s2 =	simm.s32 $0x100;
	[sflag:s19] =	ssyncadd.s32 $0xFFFFC000  }
0x89: {  	[tilespmem:s18], [sflag:$0x1] =	stream.indirect.gather [hbm4b:s4+s21], $0x80, s2, s21, $0xb8;
	[tilespmem:$0x1E400] =	vst v63  }
0x8a: {  	_ =	swait.ge [sflag:s20], $0x4000  }
0x8b: {  	[sflag:s20] =	ssyncset.done $0x0  }
0x8c: {  	s31 =	simm.s32 $0x1480;
	[sflag:s20] =	ssyncadd.s32 $0xFFFFC000  }
0x8d: {  	[spmem:s1] =	stream.indirect.scatter.add.f32 [tilespmem:s22], [sflag:$0x3], $0x80, s31, s21, $0xb8;
	[tilespmem:$0x1E400] =	vst v63  }
0x8e: {  	_ =	swait.ge [sflag:s19], $0x4000  }
0x8f: {  	s30 =	simm.s32 $0x800;
	s29 =	simm.s32 $0x100;
	[sflag:s19] =	ssyncset.done $0x0  }
.LBB2_4:
0x90: {  	s0 =	sadd.s32 $0x80, s29  }
0x91: {  	[sflag:s19] =	ssyncadd.s32 $0xFFFFC000;
	s2 =	smov.u32 s30;
	s31 =	sadd.s32 $0x400, s30  }
0x92: {  	[tilespmem:s22], [sflag:$0x2] =	stream.indirect.gather [hbm4b:s4+s21], $0x80, s0, s21, $0xb8;
	[tilespmem:$0x1E400] =	vst v63  }
0x93: {  	p0 =	sne.s32 s30, $0x4800;
	_ =	swait.ge [sflag:s23], $0x4000  }
0x94: {  	[sflag:s23] =	ssyncset.done $0x0  }
0x95: {  	s0 =	sadd.s32 $0x1400, s29;
	[sflag:s23] =	ssyncadd.s32 $0xFFFFC000  }
0x96: {  	[spmem:s1] =	stream.indirect.scatter.add.f32 [tilespmem:s18], [sflag:$0x3], $0x80, s0, s21, $0xb8;
	[tilespmem:$0x1E400] =	vst v63  }
0x97: {  	_ =	swait.ge [sflag:s19], $0x4000  }
0x98: {  	[sflag:s19] =	ssyncset.done $0x0  }
0x99: {  	s0 =	sadd.s32 $0x100, s29;
	[sflag:s19] =	ssyncadd.s32 $0xFFFFC000  }
0x9a: {  	[tilespmem:s18], [sflag:$0x1] =	stream.indirect.gather [hbm4b:s4+s21], $0x80, s0, s21, $0xb8;
	[tilespmem:$0x1E400] =	vst v63  }
0x9b: {  	_ =	swait.ge [sflag:s20], $0x4000  }
.Ltmp1:
0x9c: {  	[sflag:s20] =	ssyncset.done $0x0;
	(pc) =	sbr.rel @p0 .LBB2_4-.Ltmp1, $4  }
0x9d: {  	s0 =	sadd.s32 $0x1480, s29;
	[sflag:s20] =	ssyncadd.s32 $0xFFFFC000  }
0x9e: {  	[spmem:s1] =	stream.indirect.scatter.add.f32 [tilespmem:s22], [sflag:$0x3], $0x80, s0, s21, $0xb8;
	[tilespmem:$0x1E400] =	vst v63  }
0x9f: {  	_ =	swait.ge [sflag:s19], $0x4000  }
0xa0: {  	s30 =	smov.u32 s31;
	s29 =	sshra.s32 s2, $0x2;
	[sflag:s19] =	ssyncset.done $0x0  }
0xa1: {  	s0 =	sadd.s32 $0x80, s29;
	[sflag:s19] =	ssyncadd.s32 $0xFFFFC000  }
0xa2: {  	[tilespmem:s22], [sflag:$0x2] =	stream.indirect.gather [hbm4b:s4+s21], $0x80, s0, s21, $0xb8;
	[tilespmem:$0x1E400] =	vst v63  }
0xa3: {  	_ =	swait.ge [sflag:s23], $0x4000  }
0xa4: {  	[sflag:s23] =	ssyncset.done $0x0  }
0xa5: {  	s31 =	sadd.s32 $0x1400, s29;
	[sflag:s23] =	ssyncadd.s32 $0xFFFFC000  }
0xa6: {  	[spmem:s1] =	stream.indirect.scatter.add.f32 [tilespmem:s18], [sflag:$0x3], $0x80, s31, s21, $0xb8;
	[tilespmem:$0x1E400] =	vst v63  }
0xa7: {  	_ =	swait.ge [sflag:s19], $0x4000  }
0xa8: {  	[sflag:s19] =	ssyncset.done $0x0  }
0xa9: {  	s2 =	sadd.s32 $0x100, s29;
	[sflag:s19] =	ssyncadd.s32 $0xFFFFC000  }
0xaa: {  	[tilespmem:s18], [sflag:$0x1] =	stream.indirect.gather [hbm4b:s4+s21], $0x80, s2, s21, $0xb8;
	[tilespmem:$0x1E400] =	vst v63  }
0xab: {  	_ =	swait.ge [sflag:s20], $0x4000  }
0xac: {  	[sflag:s20] =	ssyncset.done $0x0  }
0xad: {  	s30 =	sadd.s32 $0x1480, s29;
	[sflag:s20] =	ssyncadd.s32 $0xFFFFC000  }
0xae: {  	[spmem:s1] =	stream.indirect.scatter.add.f32 [tilespmem:s22], [sflag:$0x3], $0x80, s30, s21, $0xb8;
	[tilespmem:$0x1E400] =	vst v63  }
0xaf: {  	_ =	swait.ge [sflag:s19], $0x4000  }
0xb0: {  	[sflag:s19] =	ssyncset.done $0x0  }
0xb1: {  	[sflag:s19] =	ssyncadd.s32 $0xFFFFC000  }
0xb2: {  	[tilespmem:s22], [sflag:$0x2] =	stream.indirect.gather [hbm4b:s4+s21], $0x80, s24, s21, $0xb8;
	[tilespmem:$0x1E400] =	vst v63  }
0xb3: {  	_ =	swait.ge [sflag:s23], $0x4000  }
0xb4: {  	[sflag:s23] =	ssyncset.done $0x0  }
0xb5: {  	[sflag:s23] =	ssyncadd.s32 $0xFFFFC000  }
0xb6: {  	[spmem:s1] =	stream.indirect.scatter.add.f32 [tilespmem:s18], [sflag:$0x3], $0x80, s25, s21, $0xb8;
	[tilespmem:$0x1E400] =	vst v63  }
0xb7: {  	_ =	swait.ge [sflag:s19], $0x4000  }
0xb8: {  	[sflag:s19] =	ssyncset.done $0x0  }
0xb9: {  	[sflag:s19] =	ssyncadd.s32 $0xFFFFC000  }
0xba: {  	_ =	swait.ge [sflag:s20], $0x4000  }
0xbb: {  	[sflag:s20] =	ssyncset.done $0x0  }
0xbc: {  	[sflag:s20] =	ssyncadd.s32 $0xFFFFC000  }
0xbd: {  	[spmem:s1] =	stream.indirect.scatter.add.f32 [tilespmem:s22], [sflag:$0x3], $0x80, s26, s21, $0xb8;
	[tilespmem:$0x1E400] =	vst v63  }
0xbe: {  	s31 =	stileid.u32;
	_ =	swait.ge [sflag:s19], $0x4000  }
0xbf: {  	s28 =	sadd.s32 $0x1, s28;
	s0 =	sshll.u32 s31, $0x6;
	[sflag:s19] =	ssyncset.done $0x0  }
0xc0: {  	p0 =	sne.s32 s28, s16;
	s0 =	sor.u32 $0x1C03, s0;
	[sflag:s19] =	ssyncadd.s32 $0xFFFFC000  }
.Ltmp2:
0xc1: {  	s2 =	sshrl.u32 s7, $0x3;
	[bflag:$0x0] =	sbarrier.arrive $0xFFFF;
	(pc) =	sbr.rel @p0 .LBB2_1-.Ltmp2, $4  }
0xc2: {  	[hbm:s15], [sflag:s0] =	dma.local [spmem:s2], $0x2780  }
0xc3: {  	_ =	swait.ge [sflag:s19], $0x2780  }
0xc4: {  	[sflag:s19] =	ssyncset.done $0x0  }
0xc5: {  	[sflag:s19] =	ssyncadd.s32 $0xFFFFD880  }
0xc6: {  	_ =	sfence.sel $0x180000  }
0xc7: {  	[bflag:$0x0] =	sbarrier.arrive $0xFFFF  }
0xc8: {  	_ =	strace $0x9000004A  }
0xc9: {  	s0 =	stileid.u32;
	[bflag:$0x2] =	sbarrier.arrive $0xFFFF  }
0xca: {  	p0 =	sne.s32 s0, $0x0;
	s0 =	rddreg [dreg:$0x2]  }
0xcb: {  	s0 =	sadd.s32 @!p0 $0x100000, s0  }
0xcc: {  	[sflag:s0] =	ssyncadd.tile.s32 @!p0 $0x1;
	_ =	shalt  }
.Lfunc_end2:
_tile_overlayer_lowered:
.L_overlay_start_2:
0xcd: {  	(tag) =	ssettag $0x2  }
0xce: {  	s0 =	rddreg [dreg:$0x0];
	s2 =	stileid.u32  }
0xcf: {  	s1 =	rddreg [dreg:$0x1];
	p0 =	sne.s32 s2, $0x0  }
0xd0: {  	s3 =	rddreg [dreg:$0x2];
	[bflag:$0x3] =	sbarrier.arrive $0xFFFF;
	s2 =	simm.s32 @!p0 $0x1C03  }
0xd1: {  	[timem:s3], [sflag:s2] =	dma.local @!p0 [hbm:s0], s1  }
0xd2: {  	s0 =	simm.s32 @!p0 $0x3  }
0xd3: {  	_ =	swait.ge @!p0 [sflag:s0], s1  }
0xd4: {  	s1 =	ssub.s32 @!p0 $0x0, s1;
	[sflag:s0] =	ssyncset.done @!p0 $0x0  }
0xd5: {  	[sflag:s0] =	ssyncadd.s32 @!p0 s1  }
0xd6: {  	[bflag:$0x3] =	sbarrier.arrive $0xFFFF  }
0xd7: {  	_ =	shalt  }

// kernel: kernel.14.cloned.1.call-start
scs
__scs_entry_jumppad:
0x0: {  	(pc) =	sbr.rel $0x88, $3  }
0x1: {  	(tag) =	ssettag $0x0;
	lr =	simm.s32 $0x1  }
0x2: {  	[smem:$0x3F93] =	sst lr;
	_ =	strace $0xD0000000  }
0x3: {  	_ = 	snop  }
0x4: {  	_ = 	snop  }
0x5: {  	_ = 	snop  }
0x6: {  	_ = 	snop  }
0x7: {  	_ = 	snop  }
__scs_overlays_trampoline_lowered:
0x8: {  	[smem:$0x3FA2] =	sst s0  }
0x9: {  	[smem:$0x3FA3] =	sst s1  }
0xa: {  	[smem:$0x3FA4] =	sst s2  }
0xb: {  	[smem:$0x3FA5] =	sst s3  }
0xc: {  	[smem:$0x3FA6] =	sst s4  }
0xd: {  	[smem:$0x3FA7] =	sst s5  }
0xe: {  	[smem:$0x3FA8] =	sst s6  }
0xf: {  	[smem:$0x3FA9] =	sst s7  }
0x10: {  	[smem:$0x3FAA] =	sst s8  }
0x11: {  	[smem:$0x3FAB] =	sst s9;
	s0 =	simm.s32 @!p0 $0x0  }
0x12: {  	s1 =	sld [smem:$0x3F91];
	s0 =	simm.s32 @p0 $0x1  }
0x13: {  	[smem:$0x3FAC] =	sst s0;
	s0 =	simm.s32 @!p1 $0x0  }
0x14: {  	s2 =	sld [smem:$0x3F90];
	s0 =	simm.s32 @p1 $0x1  }
0x15: {  	[smem:$0x3FAD] =	sst s0;
	s0 =	simm.s32 @!p2 $0x0  }
0x16: {  	s3 =	sld [smem:$0x3FDB];
	s0 =	simm.s32 @p2 $0x1  }
0x17: {  	s4 =	simm.s32 $0x1BF5;
	[smem:$0x3FAF] =	sst s0  }
0x18: {  	s0 =	sld [smem:$0x3F92];
	_ =	swait.ge [sflag:s4], $0x0  }
0x19: {  	s7 =	sld [smem:$0x3F93]  }
0x1a: {  	s8 =	sadd.s32 $0xFFFFE003, lr  }
0x1b: {  	s9 =	sadd.s32 $0xFFFFFEF7, lr;
	s5 =	simm.s32 $0xFFFFFFFF;
	p2 =	slt.u32 s8, $0xFFFFF086  }
0x1c: {  	p1 =	slt.u32 s9, $0xF7A;
	s5 =	simm.s32 @!p2 $0x0  }
0x1d: {  	s5 =	simm.s32 @p1 $0x1;
	p0 =	seq.s32 s7, s2  }
0x1e: {  	s7 =	smul.u32 @!p0 $0xF7A, s2;
	p2 =	seq.s32 @!p0 s5, $0x0  }
0x1f: {  	s9 =	smul.u32 $0xF7A, s1;
	s8 =	simm.s32 @!p0 $0x1BF5;
	p2 =	por !p2, p0  }
0x20: {  	[sflag:s8] =	ssyncset.s32 @!p0 $0xFFFFF086;
	s6 =	sadd.s32 @!p0 s3, s7;
	s7 =	simm.s32 @!p0 $0x108  }
0x21: {  	s3 =	sadd.s32 s3, s9;
	s6 =	sadd.s32 @!p0 $0x88, s6;
	s7 =	simm.s32 @p2 $0x1082  }
0x22: {  	[simem:s7], [sflag:s8] =	dma.local @!p0 [hbm:s6], $0xF7A  }
0x23: {  	s9 =	sor.u32 $0xD0000000, s2;
	s6 =	simm.s32 $0x108;
	_ =	swait.ge @!p0 [sflag:s8], $0x0  }
0x24: {  	s3 =	sadd.s32 $0x88, s3;
	s6 =	simm.s32 @!p1 $0x1082;
	[sflag:s4] =	ssyncset.s32 $0xFFFFF086  }
0x25: {  	[simem:s6], [sflag:s4] =	dma.local [hbm:s3], $0xF7A  }
0x26: {  	[smem:$0x3F93] =	sst s1;
	(tag) =	ssettag s2;
	_ =	strace s9  }
0x27: {  	s1 =	sld [smem:$0x3FA3]  }
0x28: {  	s2 =	sld [smem:$0x3FA4]  }
0x29: {  	s4 =	sld [smem:$0x3FA6]  }
0x2a: {  	p0 =	seq.s32 s5, $0x0;
	s5 =	sld [smem:$0x3FA7]  }
0x2b: {  	s6 =	sld [smem:$0x3FA8]  }
0x2c: {  	s7 =	sld [smem:$0x3FA9]  }
0x2d: {  	s3 =	simm.s32 $0x108;
	s8 =	sld [smem:$0x3FAA]  }
0x2e: {  	s3 =	simm.s32 @!p0 $0x1082;
	s9 =	sld [smem:$0x3FAB]  }
0x2f: {  	lr =	sadd.s32 s0, s3;
	s0 =	sld [smem:$0x3FA2]  }
0x30: {  	s3 =	sld [smem:$0x3FA5]  }
0x31: {  	[smem:$0x3FAE] =	sst s10  }
0x32: {  	s10 =	sld [smem:$0x3FAC];
	_ =	sdelay $0x3  }
0x33: {  	p0 =	seq.s32 s10, $0x1;
	s10 =	sld [smem:$0x3FAE];
	_ =	sdelay $0x3  }
0x34: {  	[smem:$0x3FAE] =	sst s10  }
0x35: {  	s10 =	sld [smem:$0x3FAD];
	_ =	sdelay $0x3  }
0x36: {  	p1 =	seq.s32 s10, $0x1;
	s10 =	sld [smem:$0x3FAE];
	_ =	sdelay $0x3  }
0x37: {  	[smem:$0x3FAE] =	sst s10  }
0x38: {  	s10 =	sld [smem:$0x3FAF]  }
0x39: {  	_ = 	snop;
	(pc) =	sbr.ind lr, $3  }
0x3a: {  	_ = 	snop  }
0x3b: {  	_ = 	snop  }
0x3c: {  	p2 =	seq.s32 s10, $0x1;
	s10 =	sld [smem:$0x3FAE]  }
0x3d: {  	_ =	shalt  }
0x3e: {  	_ =	shalt  }
0x3f: {  	_ =	shalt  }
0x40: {  	_ =	shalt  }
0x41: {  	_ =	shalt  }
0x42: {  	_ =	shalt  }
0x43: {  	_ =	shalt  }
0x44: {  	_ =	shalt  }
0x45: {  	_ =	shalt  }
0x46: {  	_ =	shalt  }
0x47: {  	_ =	shalt  }
0x48: {  	_ =	shalt  }
0x49: {  	_ =	shalt  }
0x4a: {  	_ =	shalt  }
0x4b: {  	_ =	shalt  }
0x4c: {  	_ =	shalt  }
0x4d: {  	_ =	shalt  }
0x4e: {  	_ =	shalt  }
0x4f: {  	_ =	shalt  }
0x50: {  	_ =	shalt  }
0x51: {  	_ =	shalt  }
0x52: {  	_ =	shalt  }
0x53: {  	_ =	shalt  }
0x54: {  	_ =	shalt  }
0x55: {  	_ =	shalt  }
0x56: {  	_ =	shalt  }
0x57: {  	_ =	shalt  }
0x58: {  	_ =	shalt  }
0x59: {  	_ =	shalt  }
0x5a: {  	_ =	shalt  }
0x5b: {  	_ =	shalt  }
0x5c: {  	_ =	shalt  }
0x5d: {  	_ =	shalt  }
0x5e: {  	_ =	shalt  }
0x5f: {  	_ =	shalt  }
0x60: {  	_ =	shalt  }
0x61: {  	_ =	shalt  }
0x62: {  	_ =	shalt  }
0x63: {  	_ =	shalt  }
0x64: {  	_ =	shalt  }
0x65: {  	_ =	shalt  }
0x66: {  	_ =	shalt  }
0x67: {  	_ =	shalt  }
0x68: {  	_ =	shalt  }
0x69: {  	_ =	shalt  }
0x6a: {  	_ =	shalt  }
0x6b: {  	_ =	shalt  }
0x6c: {  	_ =	shalt  }
0x6d: {  	_ =	shalt  }
0x6e: {  	_ =	shalt  }
0x6f: {  	_ =	shalt  }
0x70: {  	_ =	shalt  }
0x71: {  	_ =	shalt  }
0x72: {  	_ =	shalt  }
0x73: {  	_ =	shalt  }
0x74: {  	_ =	shalt  }
0x75: {  	_ =	shalt  }
0x76: {  	_ =	shalt  }
0x77: {  	_ =	shalt  }
0x78: {  	_ =	shalt  }
0x79: {  	_ =	shalt  }
0x7a: {  	_ =	shalt  }
0x7b: {  	_ =	shalt  }
0x7c: {  	_ =	shalt  }
0x7d: {  	_ =	shalt  }
0x7e: {  	_ =	shalt  }
0x7f: {  	_ =	shalt  }
0x80: {  	_ =	shalt  }
0x81: {  	_ =	shalt  }
0x82: {  	_ =	shalt  }
0x83: {  	_ =	shalt  }
0x84: {  	_ =	shalt  }
0x85: {  	_ =	shalt  }
0x86: {  	_ =	shalt  }
0x87: {  	_ =	shalt  }
.Lfunc_end0:
.L_simem_size_0:
called_computation.2_lowered:
.L_overlay_start_0:
0x88: {  	s2 =	sld [smem:$0x3FD9]  }
0x89: {  	s3 =	sld [smem:$0x3FFE];
	_ =	sdelay $0x1  }
0x8a: {  	s1 =	srdreg.scid  }
0x8b: {  	s0 =	sand.u32 $0x1, s1  }
0x8c: {  	s16 =	sshll.u32 s0, $0xA;
	s2 =	sadd.s32 s3, s2  }
0x8d: {  	s2 =	sadd.s32 s2, s16  }
0x8e: {  	[smem:$0x3FBA] =	sst s2  }
0x8f: {  	_ = 	snop  }
0x90: {  	(tm) =	ssettm $0x1  }
0x91: {  	s17 =	sld [smem:$0x3FFB];
	_ =	sdelay $0x3  }
0x92: {  	_ =	strace s17  }
0x93: {  	s2 =	sld [smem:$0x3FFC];
	_ =	sdelay $0x3  }
0x94: {  	_ =	strace s2  }
0x95: {  	s2 =	sld [smem:$0x3FFD];
	_ =	sdelay $0x3  }
0x96: {  	_ =	strace s2  }
0x97: {  	_ =	strace $0x8FFFFFFF  }
0x98: {  	s18 =	sld [smem:$0x3FDB];
	_ =	sdelay $0x1  }
0x99: {  	s19 =	simm.s32 $_scs_section_size  }
0x9a: {  	s4 =	simm.s32 $_size__tile_overlayer_lowered;
	s5 =	simm.s32 $_tile_overlayer_lowered  }
0x9b: {  	s22 =	simm.s32 $0x1BFF;
	s21 =	sshll.u32 s5, $0x1;
	s2 =	sadd.s32 s19, s18  }
0x9c: {  	s6 =	simm.s32 $0x0;
	s20 =	sshll.u32 s4, $0x1;
	s4 =	sadd.s32 s21, s2  }
0x9d: {  	[timem:s6], [sflag:s22] =	dma.local [hbm:s4], s20  }
0x9e: {  	_ =	swait.ge [sflag:s22], s20  }
0x9f: {  	s3 =	ssub.s32 $0x0, s20;
	[sflag:s22] =	ssyncset.done $0x0  }
0xa0: {  	[sflag:s22] =	ssyncadd.s32 s3;
	_ =	sdelay $0x1  }
0xa1: {  	s23 =	simm.s32 $0x1B8B  }
0xa2: {  	_ =	swait.ge [sflag:s23], $0x1  }
0xa3: {  	[sflag:s23] =	ssyncset.done $0x0  }
0xa4: {  	s25 =	simm.s32 $0x1B8E;
	s24 =	sld [smem:$0x3FFE];
	[sflag:s23] =	ssyncadd.s32 $0xFFFFFFFF  }
0xa5: {  	s26 =	simm.s32 $execute0_lowered;
	[smem:$0x3FD2] =	sst s25  }
0xa6: {  	s4 =	sshll.u32 s26, $0x1;
	_ =	strace $0x8000004C;
	[dreg:$0x1] =	wrdreg $0xFFFFFFFF  }
0xa7: {  	s28 =	simm.s32 $_size_execute0_lowered;
	s2 =	sadd.s32 s2, s4;
	[dreg:$0x0] =	wrdreg $0x0  }
0xa8: {  	s4 =	sshll.u32 s28, $0x1;
	[dreg:$0x2] =	wrdreg s2  }
0xa9: {  	[dreg:$0x3] =	wrdreg s4  }
0xaa: {  	[dreg:$0x4] =	wrdreg $0xC0  }
0xab: {  	_ =	task [dreg:s6], $0x5FFFF  }
0xac: {  	[dreg:$0x1] =	wrdreg $0xFFFFFFFF  }
0xad: {  	[dreg:$0x0] =	wrdreg $0x60  }
0xae: {  	[dreg:$0x2] =	wrdreg s24  }
0xaf: {  	[dreg:$0x3] =	wrdreg $0x58000  }
0xb0: {  	[dreg:$0x4] =	wrdreg $0x9  }
0xb1: {  	_ =	task.clear_ibuf [dreg:s6], $0x5FFFF;
	_ =	strace $0x9000004C  }
0xb2: {  	s29 =	simm.s32 $0x9;
	_ =	strace $0x8000004E  }
0xb3: {  	_ =	swait.ge [sflag:s29], $0x1  }
0xb4: {  	[sflag:s29] =	ssyncadd.s32 $0xFFFFFFFF  }
0xb5: {  	_ =	strace $0x9000004E  }
0xb6: {  	_ =	sfence  }
0xb7: {  	s30 =	sld [smem:$0x0];
	_ =	sdelay $0x2  }
0xb8: {  	s31 =	sshll.u32 s1, $0xD;
	s1 =	sshrl.u32 s1, $0x2  }
0xb9: {  	s3 =	sand.u32 $0x4000, s31;
	s1 =	sadd.s32 s1, s30  }
0xba: {  	s0 =	sor.u32 s3, s0;
	s1 =	sshll.u32 s1, $0x11  }
0xbb: {  	s0 =	sor.u32 s1, s0  }
0xbc: {  	s0 =	sadd.s32 $0x8F2B, s0  }
0xbd: {  	[sflag:s0] =	ssyncadd.remote.s32 $0x1  }
0xbe: {  	_ =	sfence.sel $0xFFFF  }
0xbf: {  	[dreg:$0x0] =	wrdreg $0xFFFFFFFF;
	(pc) =	sbr.abs _section_cstart, $3  }
0xc0: {  	[dreg:$0x1] =	wrdreg $0xFFFFFFFF  }
0xc1: {  	_ =	task.clear_ibuf [dreg:s6], $0x2FFFF;
	_ =	strace $0x9FFFFFFF  }
0xc2: {  	(tm) =	ssettm $0x7FFFFFFF  }
0xc3: {  	_ =	shalt  }
tec
execute0_lowered:
.L_overlay_start_1:
0x0: {  	(tag) =	ssettag $0x1  }
0x1: {  	s6 =	rddreg [dreg:$0x0]  }
0x2: {  	s2 =	rddreg [dreg:$0x1]  }
0x3: {  	s3 =	simm.s32 $0x0;
	s4 =	srdreg.scid;
	s0 =	stileid.u32  }
0x4: {  	s18 =	simm.s32 $0x2800;
	s19 =	simm.s32 $0x3;
	s20 =	simm.s32 $0x2  }
0x5: {  	s21 =	simm.s32 $0x80;
	s22 =	simm.s32 $0x4000;
	s23 =	simm.s32 $0x1  }
0x6: {  	s24 =	simm.s32 $0x1380;
	s25 =	simm.s32 $0x2700;
	s26 =	simm.s32 $0x2780  }
0x7: {  	s28 =	simm.s32 $0x0;
	[smem:$0x7FF] =	sst s3;
	s5 =	sand.u32 $0x1, s4  }
0x8: {  	s8 =	smul.u32 $0x7680, s0;
	s4 =	sadd.s32 $0x19000, s6;
	s13 =	sadd.s32 $0x5000, s6  }
0x9: {  	s14 =	sadd.s32 $0xF000, s6;
	s11 =	smul.u32 $0x1DA00, s0;
	_ =	strace $0x8000004D  }
0xa: {  	s7 =	smul.u32 $0x76800, s5;
	s9 =	sshll.u32 s5, $0x4;
	s10 =	ssub.s32 $0x2, s5  }
0xb: {  	s5 =	sadd.s32 $0x67C00, s6;
	s9 =	sor.u32 s0, s9;
	s30 =	sshrl.u32 s10, $0x1  }
0xc: {  	s31 =	sshrl.u32 s11, $0x2;
	s7 =	sadd.s32 s8, s7;
	s9 =	smul.u32 $0x2800, s9  }
0xd: {  	s16 =	ssub.s32 s10, s30;
	s12 =	sadd.s32 s31, s2;
	s8 =	sadd.s32 s8, s2  }
0xe: {  	s7 =	sshrl.u32 s7, $0x3;
	s10 =	sadd.s32 $0x3000, s12;
	s11 =	sadd.s32 $0x4800, s12  }
0xf: {  	s16 =	smax.u32 s16, $0x1;
	s15 =	sadd.s32 s7, s6;
	s17 =	sshrl.u32 s9, $0x3  }
0x10: {  	s9 =	sadd.s32 $0x1800, s12;
	s12 =	sadd.s32 $0x6000, s12;
	s6 =	sadd.s32 s13, s17  }
0x11: {  	s7 =	sadd.s32 s14, s17;
	s17 =	sadd.s32 $0x280, s17;
	s15 =	sadd.s32 $0x90800, s15  }
0x12: {  	s13 =	sadd.s32 s13, s17;
	s14 =	sadd.s32 s14, s17;
	s17 =	simm.s32 $0x1400  }
.LBB2_1:
0x13: {  	[tilespmem:s3], [sflag:$0x2] =	stream.linear.gather [hbm4b:s6+s3], $0x1400, $0x38;
	[tilespmem:$0xCE80] =	vst v63  }
0x14: {  	_ = 	snop  }
0x15: {  	[tilespmem:s17], [sflag:$0x2] =	stream.linear.gather [hbm4b:s7+s3], $0x1400, $0x38;
	[tilespmem:$0xCE80] =	vst v63  }
0x16: {  	_ = 	snop  }
0x17: {  	[tilespmem:s18], [sflag:$0x3] =	stream.linear.gather [hbm4b:s5+s3], $0x1800, $0x38;
	[tilespmem:$0xCE80] =	vst v63  }
0x18: {  	_ =	swait.ge [sflag:s19], $0x1800  }
0x19: {  	[sflag:s19] =	ssyncset.done $0x0  }
0x1a: {  	[sflag:s19] =	ssyncadd.s32 $0xFFFFE800  }
0x1b: {  	[spmem:s8] =	stream.linear.scatter [tilespmem:s18], [sflag:$0x3], $0x1800, $0x38;
	[tilespmem:$0xCE80] =	vst v63  }
0x1c: {  	_ =	swait.ge [sflag:s19], $0x1800  }
0x1d: {  	[sflag:s19] =	ssyncset.done $0x0  }
0x1e: {  	[sflag:s19] =	ssyncadd.s32 $0xFFFFE800  }
0x1f: {  	[spmem:s9] =	stream.linear.scatter [tilespmem:s18], [sflag:$0x3], $0x1800, $0x38;
	[tilespmem:$0xCE80] =	vst v63  }
0x20: {  	_ =	swait.ge [sflag:s19], $0x1800  }
0x21: {  	[sflag:s19] =	ssyncset.done $0x0  }
0x22: {  	[sflag:s19] =	ssyncadd.s32 $0xFFFFE800  }
0x23: {  	[spmem:s10] =	stream.linear.scatter [tilespmem:s18], [sflag:$0x3], $0x1800, $0x38;
	[tilespmem:$0xCE80] =	vst v63  }
0x24: {  	_ =	swait.ge [sflag:s19], $0x1800  }
0x25: {  	[sflag:s19] =	ssyncset.done $0x0  }
0x26: {  	[sflag:s19] =	ssyncadd.s32 $0xFFFFE800  }
0x27: {  	[spmem:s11] =	stream.linear.scatter [tilespmem:s18], [sflag:$0x3], $0x1800, $0x38;
	[tilespmem:$0xCE80] =	vst v63  }
0x28: {  	_ =	swait.ge [sflag:s19], $0x1800  }
0x29: {  	[sflag:s19] =	ssyncset.done $0x0  }
0x2a: {  	[sflag:s19] =	ssyncadd.s32 $0xFFFFE800  }
0x2b: {  	[spmem:s12] =	stream.linear.scatter [tilespmem:s18], [sflag:$0x3], $0x1680, $0x38;
	[tilespmem:$0xCE80] =	vst v63  }
0x2c: {  	_ =	swait.ge [sflag:s19], $0x1680  }
0x2d: {  	[sflag:s19] =	ssyncset.done $0x0  }
0x2e: {  	[sflag:s19] =	ssyncadd.s32 $0xFFFFE980  }
0x2f: {  	[bflag:$0x0] =	sbarrier.arrive $0xFFFF  }
0x30: {  	_ =	swait.ge [sflag:s20], $0x1400  }
0x31: {  	[sflag:s20] =	ssyncset.done $0x0  }
0x32: {  	[sflag:s20] =	ssyncadd.s32 $0xFFFFEC00  }
0x33: {  	_ =	swait.ge [sflag:s20], $0x1400  }
0x34: {  	[sflag:s20] =	ssyncset.done $0x0  }
0x35: {  	[sflag:s20] =	ssyncadd.s32 $0xFFFFEC00  }
0x36: {  	[tilespmem:s18], [sflag:$0x1] =	stream.indirect.gather [hbm4b:s4+s21], $0x30, s3, s21, $0xb8;
	[tilespmem:$0xCE80] =	vst v63  }
0x37: {  	s29 =	simm.s32 $0x80  }
0x38: {  	[tilespmem:s22], [sflag:$0x2] =	stream.indirect.gather [hbm4b:s4+s21], $0x30, s29, s21, $0xb8;
	[tilespmem:$0xCE80] =	vst v63  }
0x39: {  	_ =	swait.ge [sflag:s23], $0x1800  }
0x3a: {  	[sflag:s23] =	ssyncset.done $0x0  }
0x3b: {  	s29 =	simm.s32 $0x1400;
	[sflag:s23] =	ssyncadd.s32 $0xFFFFE800  }
0x3c: {  	[spmem:s2] =	stream.indirect.scatter.add.f32 [tilespmem:s18], [sflag:$0x3], $0x30, s29, s21, $0xb8;
	[tilespmem:$0xCE80] =	vst v63  }
0x3d: {  	_ =	swait.ge [sflag:s19], $0x1800  }
0x3e: {  	[sflag:s19] =	ssyncset.done $0x0  }
0x3f: {  	s29 =	simm.s32 $0x100;
	[sflag:s19] =	ssyncadd.s32 $0xFFFFE800  }
0x40: {  	[tilespmem:s18], [sflag:$0x1] =	stream.indirect.gather [hbm4b:s4+s21], $0x30, s29, s21, $0xb8;
	[tilespmem:$0xCE80] =	vst v63  }
0x41: {  	_ =	swait.ge [sflag:s20], $0x1800  }
0x42: {  	[sflag:s20] =	ssyncset.done $0x0  }
0x43: {  	s29 =	simm.s32 $0x1480;
	[sflag:s20] =	ssyncadd.s32 $0xFFFFE800  }
0x44: {  	[spmem:s2] =	stream.indirect.scatter.add.f32 [tilespmem:s22], [sflag:$0x3], $0x30, s29, s21, $0xb8;
	[tilespmem:$0xCE80] =	vst v63  }
0x45: {  	_ =	swait.ge [sflag:s19], $0x1800  }
0x46: {  	s30 =	simm.s32 $0x800;
	s29 =	simm.s32 $0x100;
	[sflag:s19] =	ssyncset.done $0x0  }
.LBB2_2:
0x47: {  	s31 =	sadd.s32 $0x80, s29  }
0x48: {  	[sflag:s19] =	ssyncadd.s32 $0xFFFFE800;
	s0 =	smov.u32 s30;
	s1 =	sadd.s32 $0x400, s30  }
0x49: {  	[tilespmem:s22], [sflag:$0x2] =	stream.indirect.gather [hbm4b:s4+s21], $0x30, s31, s21, $0xb8;
	[tilespmem:$0xCE80] =	vst v63  }
0x4a: {  	p0 =	sne.s32 s30, $0x4800;
	_ =	swait.ge [sflag:s23], $0x1800  }
0x4b: {  	[sflag:s23] =	ssyncset.done $0x0  }
0x4c: {  	s30 =	sadd.s32 $0x1400, s29;
	[sflag:s23] =	ssyncadd.s32 $0xFFFFE800  }
0x4d: {  	[spmem:s2] =	stream.indirect.scatter.add.f32 [tilespmem:s18], [sflag:$0x3], $0x30, s30, s21, $0xb8;
	[tilespmem:$0xCE80] =	vst v63  }
0x4e: {  	_ =	swait.ge [sflag:s19], $0x1800  }
0x4f: {  	[sflag:s19] =	ssyncset.done $0x0  }
0x50: {  	s30 =	sadd.s32 $0x100, s29;
	[sflag:s19] =	ssyncadd.s32 $0xFFFFE800  }
0x51: {  	[tilespmem:s18], [sflag:$0x1] =	stream.indirect.gather [hbm4b:s4+s21], $0x30, s30, s21, $0xb8;
	[tilespmem:$0xCE80] =	vst v63  }
0x52: {  	_ =	swait.ge [sflag:s20], $0x1800  }
.Ltmp0:
0x53: {  	[sflag:s20] =	ssyncset.done $0x0;
	(pc) =	sbr.rel @p0 .LBB2_2-.Ltmp0, $4  }
0x54: {  	s29 =	sadd.s32 $0x1480, s29;
	[sflag:s20] =	ssyncadd.s32 $0xFFFFE800  }
0x55: {  	[spmem:s2] =	stream.indirect.scatter.add.f32 [tilespmem:s22], [sflag:$0x3], $0x30, s29, s21, $0xb8;
	[tilespmem:$0xCE80] =	vst v63  }
0x56: {  	_ =	swait.ge [sflag:s19], $0x1800  }
0x57: {  	s30 =	smov.u32 s1;
	s29 =	sshra.s32 s0, $0x2;
	[sflag:s19] =	ssyncset.done $0x0  }
0x58: {  	s0 =	sadd.s32 $0x80, s29;
	[sflag:s19] =	ssyncadd.s32 $0xFFFFE800  }
0x59: {  	[tilespmem:s22], [sflag:$0x2] =	stream.indirect.gather [hbm4b:s4+s21], $0x30, s0, s21, $0xb8;
	[tilespmem:$0xCE80] =	vst v63  }
0x5a: {  	_ =	swait.ge [sflag:s23], $0x1800  }
0x5b: {  	[sflag:s23] =	ssyncset.done $0x0  }
0x5c: {  	s1 =	sadd.s32 $0x1400, s29;
	[sflag:s23] =	ssyncadd.s32 $0xFFFFE800  }
0x5d: {  	[spmem:s2] =	stream.indirect.scatter.add.f32 [tilespmem:s18], [sflag:$0x3], $0x30, s1, s21, $0xb8;
	[tilespmem:$0xCE80] =	vst v63  }
0x5e: {  	_ =	swait.ge [sflag:s19], $0x1800  }
0x5f: {  	[sflag:s19] =	ssyncset.done $0x0  }
0x60: {  	s31 =	sadd.s32 $0x100, s29;
	[sflag:s19] =	ssyncadd.s32 $0xFFFFE800  }
0x61: {  	[tilespmem:s18], [sflag:$0x1] =	stream.indirect.gather [hbm4b:s4+s21], $0x30, s31, s21, $0xb8;
	[tilespmem:$0xCE80] =	vst v63  }
0x62: {  	_ =	swait.ge [sflag:s20], $0x1800  }
0x63: {  	[sflag:s20] =	ssyncset.done $0x0  }
0x64: {  	s1 =	sadd.s32 $0x1480, s29;
	[sflag:s20] =	ssyncadd.s32 $0xFFFFE800  }
0x65: {  	[spmem:s2] =	stream.indirect.scatter.add.f32 [tilespmem:s22], [sflag:$0x3], $0x30, s1, s21, $0xb8;
	[tilespmem:$0xCE80] =	vst v63  }
0x66: {  	_ =	swait.ge [sflag:s19], $0x1800  }
0x67: {  	[sflag:s19] =	ssyncset.done $0x0  }
0x68: {  	[sflag:s19] =	ssyncadd.s32 $0xFFFFE800  }
0x69: {  	[tilespmem:s22], [sflag:$0x2] =	stream.indirect.gather [hbm4b:s4+s21], $0x30, s24, s21, $0xb8;
	[tilespmem:$0xCE80] =	vst v63  }
0x6a: {  	_ =	swait.ge [sflag:s23], $0x1800  }
0x6b: {  	[sflag:s23] =	ssyncset.done $0x0  }
0x6c: {  	[sflag:s23] =	ssyncadd.s32 $0xFFFFE800  }
0x6d: {  	[spmem:s2] =	stream.indirect.scatter.add.f32 [tilespmem:s18], [sflag:$0x3], $0x30, s25, s21, $0xb8;
	[tilespmem:$0xCE80] =	vst v63  }
0x6e: {  	_ =	swait.ge [sflag:s19], $0x1800  }
0x6f: {  	[sflag:s19] =	ssyncset.done $0x0  }
0x70: {  	[sflag:s19] =	ssyncadd.s32 $0xFFFFE800  }
0x71: {  	_ =	swait.ge [sflag:s20], $0x1800  }
0x72: {  	[sflag:s20] =	ssyncset.done $0x0  }
0x73: {  	[sflag:s20] =	ssyncadd.s32 $0xFFFFE800  }
0x74: {  	[spmem:s2] =	stream.indirect.scatter.add.f32 [tilespmem:s22], [sflag:$0x3], $0x30, s26, s21, $0xb8;
	[tilespmem:$0xCE80] =	vst v63  }
0x75: {  	_ =	swait.ge [sflag:s19], $0x1800  }
0x76: {  	[sflag:s19] =	ssyncset.done $0x0  }
0x77: {  	s31 =	simm.s32 $0x0;
	[sflag:s19] =	ssyncadd.s32 $0xFFFFE800  }
0x78: {  	[tilespmem:s31], [sflag:$0x3] =	stream.linear.gather [hbm4b:s13+s31], $0x1400, $0x38;
	[tilespmem:$0xCE80] =	vst v63  }
0x79: {  	_ =	swait.ge [sflag:s19], $0x1400  }
0x7a: {  	[sflag:s19] =	ssyncset.done $0x0  }
0x7b: {  	[sflag:s19] =	ssyncadd.s32 $0xFFFFEC00  }
0x7c: {  	[tilespmem:s17], [sflag:$0x3] =	stream.linear.gather [hbm4b:s14+s31], $0x1400, $0x38;
	[tilespmem:$0xCE80] =	vst v63  }
0x7d: {  	_ =	swait.ge [sflag:s19], $0x1400  }
0x7e: {  	[sflag:s19] =	ssyncset.done $0x0  }
0x7f: {  	[sflag:s19] =	ssyncadd.s32 $0xFFFFEC00  }
0x80: {  	[tilespmem:s18], [sflag:$0x1] =	stream.indirect.gather [hbm4b:s4+s21], $0x30, s31, s21, $0xb8;
	[tilespmem:$0xCE80] =	vst v63  }
0x81: {  	s1 =	simm.s32 $0x80  }
0x82: {  	[tilespmem:s22], [sflag:$0x2] =	stream.indirect.gather [hbm4b:s4+s21], $0x30, s1, s21, $0xb8;
	[tilespmem:$0xCE80] =	vst v63  }
0x83: {  	_ =	swait.ge [sflag:s23], $0x1800  }
0x84: {  	[sflag:s23] =	ssyncset.done $0x0  }
0x85: {  	s31 =	simm.s32 $0x1400;
	[sflag:s23] =	ssyncadd.s32 $0xFFFFE800  }
0x86: {  	[spmem:s2] =	stream.indirect.scatter.add.f32 [tilespmem:s18], [sflag:$0x3], $0x30, s31, s21, $0xb8;
	[tilespmem:$0xCE80] =	vst v63  }
0x87: {  	_ =	swait.ge [sflag:s19], $0x1800  }
0x88: {  	[sflag:s19] =	ssyncset.done $0x0  }
0x89: {  	s1 =	simm.s32 $0x100;
	[sflag:s19] =	ssyncadd.s32 $0xFFFFE800  }
0x8a: {  	[tilespmem:s18], [sflag:$0x1] =	stream.indirect.gather [hbm4b:s4+s21], $0x30, s1, s21, $0xb8;
	[tilespmem:$0xCE80] =	vst v63  }
0x8b: {  	_ =	swait.ge [sflag:s20], $0x1800  }
0x8c: {  	[sflag:s20] =	ssyncset.done $0x0  }
0x8d: {  	s31 =	simm.s32 $0x1480;
	[sflag:s20] =	ssyncadd.s32 $0xFFFFE800  }
0x8e: {  	[spmem:s2] =	stream.indirect.scatter.add.f32 [tilespmem:s22], [sflag:$0x3], $0x30, s31, s21, $0xb8;
	[tilespmem:$0xCE80] =	vst v63  }
0x8f: {  	_ =	swait.ge [sflag:s19], $0x1800  }
0x90: {  	s30 =	simm.s32 $0x800;
	s29 =	simm.s32 $0x100;
	[sflag:s19] =	ssyncset.done $0x0  }
.LBB2_4:
0x91: {  	s0 =	sadd.s32 $0x80, s29  }
0x92: {  	[sflag:s19] =	ssyncadd.s32 $0xFFFFE800;
	s1 =	smov.u32 s30;
	s31 =	sadd.s32 $0x400, s30  }
0x93: {  	[tilespmem:s22], [sflag:$0x2] =	stream.indirect.gather [hbm4b:s4+s21], $0x30, s0, s21, $0xb8;
	[tilespmem:$0xCE80] =	vst v63  }
0x94: {  	p0 =	sne.s32 s30, $0x4800;
	_ =	swait.ge [sflag:s23], $0x1800  }
0x95: {  	[sflag:s23] =	ssyncset.done $0x0  }
0x96: {  	s0 =	sadd.s32 $0x1400, s29;
	[sflag:s23] =	ssyncadd.s32 $0xFFFFE800  }
0x97: {  	[spmem:s2] =	stream.indirect.scatter.add.f32 [tilespmem:s18], [sflag:$0x3], $0x30, s0, s21, $0xb8;
	[tilespmem:$0xCE80] =	vst v63  }
0x98: {  	_ =	swait.ge [sflag:s19], $0x1800  }
0x99: {  	[sflag:s19] =	ssyncset.done $0x0  }
0x9a: {  	s0 =	sadd.s32 $0x100, s29;
	[sflag:s19] =	ssyncadd.s32 $0xFFFFE800  }
0x9b: {  	[tilespmem:s18], [sflag:$0x1] =	stream.indirect.gather [hbm4b:s4+s21], $0x30, s0, s21, $0xb8;
	[tilespmem:$0xCE80] =	vst v63  }
0x9c: {  	_ =	swait.ge [sflag:s20], $0x1800  }
.Ltmp1:
0x9d: {  	[sflag:s20] =	ssyncset.done $0x0;
	(pc) =	sbr.rel @p0 .LBB2_4-.Ltmp1, $4  }
0x9e: {  	s0 =	sadd.s32 $0x1480, s29;
	[sflag:s20] =	ssyncadd.s32 $0xFFFFE800  }
0x9f: {  	[spmem:s2] =	stream.indirect.scatter.add.f32 [tilespmem:s22], [sflag:$0x3], $0x30, s0, s21, $0xb8;
	[tilespmem:$0xCE80] =	vst v63  }
0xa0: {  	_ =	swait.ge [sflag:s19], $0x1800  }
0xa1: {  	s30 =	smov.u32 s31;
	s29 =	sshra.s32 s1, $0x2;
	[sflag:s19] =	ssyncset.done $0x0  }
0xa2: {  	s0 =	sadd.s32 $0x80, s29;
	[sflag:s19] =	ssyncadd.s32 $0xFFFFE800  }
0xa3: {  	[tilespmem:s22], [sflag:$0x2] =	stream.indirect.gather [hbm4b:s4+s21], $0x30, s0, s21, $0xb8;
	[tilespmem:$0xCE80] =	vst v63  }
0xa4: {  	_ =	swait.ge [sflag:s23], $0x1800  }
0xa5: {  	[sflag:s23] =	ssyncset.done $0x0  }
0xa6: {  	s31 =	sadd.s32 $0x1400, s29;
	[sflag:s23] =	ssyncadd.s32 $0xFFFFE800  }
0xa7: {  	[spmem:s2] =	stream.indirect.scatter.add.f32 [tilespmem:s18], [sflag:$0x3], $0x30, s31, s21, $0xb8;
	[tilespmem:$0xCE80] =	vst v63  }
0xa8: {  	_ =	swait.ge [sflag:s19], $0x1800  }
0xa9: {  	[sflag:s19] =	ssyncset.done $0x0  }
0xaa: {  	s1 =	sadd.s32 $0x100, s29;
	[sflag:s19] =	ssyncadd.s32 $0xFFFFE800  }
0xab: {  	[tilespmem:s18], [sflag:$0x1] =	stream.indirect.gather [hbm4b:s4+s21], $0x30, s1, s21, $0xb8;
	[tilespmem:$0xCE80] =	vst v63  }
0xac: {  	_ =	swait.ge [sflag:s20], $0x1800  }
0xad: {  	[sflag:s20] =	ssyncset.done $0x0  }
0xae: {  	s30 =	sadd.s32 $0x1480, s29;
	[sflag:s20] =	ssyncadd.s32 $0xFFFFE800  }
0xaf: {  	[spmem:s2] =	stream.indirect.scatter.add.f32 [tilespmem:s22], [sflag:$0x3], $0x30, s30, s21, $0xb8;
	[tilespmem:$0xCE80] =	vst v63  }
0xb0: {  	_ =	swait.ge [sflag:s19], $0x1800  }
0xb1: {  	[sflag:s19] =	ssyncset.done $0x0  }
0xb2: {  	[sflag:s19] =	ssyncadd.s32 $0xFFFFE800  }
0xb3: {  	[tilespmem:s22], [sflag:$0x2] =	stream.indirect.gather [hbm4b:s4+s21], $0x30, s24, s21, $0xb8;
	[tilespmem:$0xCE80] =	vst v63  }
0xb4: {  	_ =	swait.ge [sflag:s23], $0x1800  }
0xb5: {  	[sflag:s23] =	ssyncset.done $0x0  }
0xb6: {  	[sflag:s23] =	ssyncadd.s32 $0xFFFFE800  }
0xb7: {  	[spmem:s2] =	stream.indirect.scatter.add.f32 [tilespmem:s18], [sflag:$0x3], $0x30, s25, s21, $0xb8;
	[tilespmem:$0xCE80] =	vst v63  }
0xb8: {  	_ =	swait.ge [sflag:s19], $0x1800  }
0xb9: {  	[sflag:s19] =	ssyncset.done $0x0  }
0xba: {  	[sflag:s19] =	ssyncadd.s32 $0xFFFFE800  }
0xbb: {  	_ =	swait.ge [sflag:s20], $0x1800  }
0xbc: {  	[sflag:s20] =	ssyncset.done $0x0  }
0xbd: {  	[sflag:s20] =	ssyncadd.s32 $0xFFFFE800  }
0xbe: {  	[spmem:s2] =	stream.indirect.scatter.add.f32 [tilespmem:s22], [sflag:$0x3], $0x30, s26, s21, $0xb8;
	[tilespmem:$0xCE80] =	vst v63  }
0xbf: {  	s31 =	stileid.u32;
	_ =	swait.ge [sflag:s19], $0x1800  }
0xc0: {  	s28 =	sadd.s32 $0x1, s28;
	s0 =	sshll.u32 s31, $0x6;
	[sflag:s19] =	ssyncset.done $0x0  }
0xc1: {  	p0 =	sne.s32 s28, s16;
	s0 =	sor.u32 $0x1C03, s0;
	[sflag:s19] =	ssyncadd.s32 $0xFFFFE800  }
.Ltmp2:
0xc2: {  	s1 =	sshrl.u32 s8, $0x3;
	[bflag:$0x0] =	sbarrier.arrive $0xFFFF;
	(pc) =	sbr.rel @p0 .LBB2_1-.Ltmp2, $4  }
0xc3: {  	[hbm:s15], [sflag:s0] =	dma.local [spmem:s1], $0xED0  }
0xc4: {  	_ =	swait.ge [sflag:s19], $0xED0  }
0xc5: {  	[sflag:s19] =	ssyncset.done $0x0  }
0xc6: {  	[sflag:s19] =	ssyncadd.s32 $0xFFFFF130  }
0xc7: {  	_ =	sfence.sel $0x180000  }
0xc8: {  	[bflag:$0x0] =	sbarrier.arrive $0xFFFF  }
0xc9: {  	_ =	strace $0x9000004D  }
0xca: {  	s0 =	stileid.u32;
	[bflag:$0x2] =	sbarrier.arrive $0xFFFF  }
0xcb: {  	p0 =	sne.s32 s0, $0x0;
	s0 =	rddreg [dreg:$0x2]  }
0xcc: {  	s0 =	sadd.s32 @!p0 $0x100000, s0  }
0xcd: {  	[sflag:s0] =	ssyncadd.tile.s32 @!p0 $0x1;
	_ =	shalt  }
.Lfunc_end2:
_tile_overlayer_lowered:
.L_overlay_start_2:
0xce: {  	(tag) =	ssettag $0x2  }
0xcf: {  	s0 =	rddreg [dreg:$0x0];
	s2 =	stileid.u32  }
0xd0: {  	s1 =	rddreg [dreg:$0x1];
	p0 =	sne.s32 s2, $0x0  }
0xd1: {  	s3 =	rddreg [dreg:$0x2];
	[bflag:$0x3] =	sbarrier.arrive $0xFFFF;
	s2 =	simm.s32 @!p0 $0x1C03  }
0xd2: {  	[timem:s3], [sflag:s2] =	dma.local @!p0 [hbm:s0], s1  }
0xd3: {  	s0 =	simm.s32 @!p0 $0x3  }
0xd4: {  	_ =	swait.ge @!p0 [sflag:s0], s1  }
0xd5: {  	s1 =	ssub.s32 @!p0 $0x0, s1;
	[sflag:s0] =	ssyncset.done @!p0 $0x0  }
0xd6: {  	[sflag:s0] =	ssyncadd.s32 @!p0 s1  }
0xd7: {  	[bflag:$0x3] =	sbarrier.arrive $0xFFFF  }
0xd8: {  	_ =	shalt  }

// kernel: kernel.8.cloned.1.call-start
scs
__scs_entry_jumppad:
0x0: {  	(pc) =	sbr.rel $0x88, $3  }
0x1: {  	(tag) =	ssettag $0x0;
	lr =	simm.s32 $0x1  }
0x2: {  	[smem:$0x3F93] =	sst lr;
	_ =	strace $0xD0000000  }
0x3: {  	_ = 	snop  }
0x4: {  	_ = 	snop  }
0x5: {  	_ = 	snop  }
0x6: {  	_ = 	snop  }
0x7: {  	_ = 	snop  }
__scs_overlays_trampoline_lowered:
0x8: {  	[smem:$0x3FA2] =	sst s0  }
0x9: {  	[smem:$0x3FA3] =	sst s1  }
0xa: {  	[smem:$0x3FA4] =	sst s2  }
0xb: {  	[smem:$0x3FA5] =	sst s3  }
0xc: {  	[smem:$0x3FA6] =	sst s4  }
0xd: {  	[smem:$0x3FA7] =	sst s5  }
0xe: {  	[smem:$0x3FA8] =	sst s6  }
0xf: {  	[smem:$0x3FA9] =	sst s7  }
0x10: {  	[smem:$0x3FAA] =	sst s8  }
0x11: {  	[smem:$0x3FAB] =	sst s9;
	s0 =	simm.s32 @!p0 $0x0  }
0x12: {  	s1 =	sld [smem:$0x3F91];
	s0 =	simm.s32 @p0 $0x1  }
0x13: {  	[smem:$0x3FAC] =	sst s0;
	s0 =	simm.s32 @!p1 $0x0  }
0x14: {  	s2 =	sld [smem:$0x3F90];
	s0 =	simm.s32 @p1 $0x1  }
0x15: {  	[smem:$0x3FAD] =	sst s0;
	s0 =	simm.s32 @!p2 $0x0  }
0x16: {  	s3 =	sld [smem:$0x3FDB];
	s0 =	simm.s32 @p2 $0x1  }
0x17: {  	s4 =	simm.s32 $0x1BF5;
	[smem:$0x3FAF] =	sst s0  }
0x18: {  	s0 =	sld [smem:$0x3F92];
	_ =	swait.ge [sflag:s4], $0x0  }
0x19: {  	s7 =	sld [smem:$0x3F93]  }
0x1a: {  	s8 =	sadd.s32 $0xFFFFE003, lr  }
0x1b: {  	s9 =	sadd.s32 $0xFFFFFEF7, lr;
	s5 =	simm.s32 $0xFFFFFFFF;
	p2 =	slt.u32 s8, $0xFFFFF086  }
0x1c: {  	p1 =	slt.u32 s9, $0xF7A;
	s5 =	simm.s32 @!p2 $0x0  }
0x1d: {  	s5 =	simm.s32 @p1 $0x1;
	p0 =	seq.s32 s7, s2  }
0x1e: {  	s7 =	smul.u32 @!p0 $0xF7A, s2;
	p2 =	seq.s32 @!p0 s5, $0x0  }
0x1f: {  	s9 =	smul.u32 $0xF7A, s1;
	s8 =	simm.s32 @!p0 $0x1BF5;
	p2 =	por !p2, p0  }
0x20: {  	[sflag:s8] =	ssyncset.s32 @!p0 $0xFFFFF086;
	s6 =	sadd.s32 @!p0 s3, s7;
	s7 =	simm.s32 @!p0 $0x108  }
0x21: {  	s3 =	sadd.s32 s3, s9;
	s6 =	sadd.s32 @!p0 $0x88, s6;
	s7 =	simm.s32 @p2 $0x1082  }
0x22: {  	[simem:s7], [sflag:s8] =	dma.local @!p0 [hbm:s6], $0xF7A  }
0x23: {  	s9 =	sor.u32 $0xD0000000, s2;
	s6 =	simm.s32 $0x108;
	_ =	swait.ge @!p0 [sflag:s8], $0x0  }
0x24: {  	s3 =	sadd.s32 $0x88, s3;
	s6 =	simm.s32 @!p1 $0x1082;
	[sflag:s4] =	ssyncset.s32 $0xFFFFF086  }
0x25: {  	[simem:s6], [sflag:s4] =	dma.local [hbm:s3], $0xF7A  }
0x26: {  	[smem:$0x3F93] =	sst s1;
	(tag) =	ssettag s2;
	_ =	strace s9  }
0x27: {  	s1 =	sld [smem:$0x3FA3]  }
0x28: {  	s2 =	sld [smem:$0x3FA4]  }
0x29: {  	s4 =	sld [smem:$0x3FA6]  }
0x2a: {  	p0 =	seq.s32 s5, $0x0;
	s5 =	sld [smem:$0x3FA7]  }
0x2b: {  	s6 =	sld [smem:$0x3FA8]  }
0x2c: {  	s7 =	sld [smem:$0x3FA9]  }
0x2d: {  	s3 =	simm.s32 $0x108;
	s8 =	sld [smem:$0x3FAA]  }
0x2e: {  	s3 =	simm.s32 @!p0 $0x1082;
	s9 =	sld [smem:$0x3FAB]  }
0x2f: {  	lr =	sadd.s32 s0, s3;
	s0 =	sld [smem:$0x3FA2]  }
0x30: {  	s3 =	sld [smem:$0x3FA5]  }
0x31: {  	[smem:$0x3FAE] =	sst s10  }
0x32: {  	s10 =	sld [smem:$0x3FAC];
	_ =	sdelay $0x3  }
0x33: {  	p0 =	seq.s32 s10, $0x1;
	s10 =	sld [smem:$0x3FAE];
	_ =	sdelay $0x3  }
0x34: {  	[smem:$0x3FAE] =	sst s10  }
0x35: {  	s10 =	sld [smem:$0x3FAD];
	_ =	sdelay $0x3  }
0x36: {  	p1 =	seq.s32 s10, $0x1;
	s10 =	sld [smem:$0x3FAE];
	_ =	sdelay $0x3  }
0x37: {  	[smem:$0x3FAE] =	sst s10  }
0x38: {  	s10 =	sld [smem:$0x3FAF]  }
0x39: {  	_ = 	snop;
	(pc) =	sbr.ind lr, $3  }
0x3a: {  	_ = 	snop  }
0x3b: {  	_ = 	snop  }
0x3c: {  	p2 =	seq.s32 s10, $0x1;
	s10 =	sld [smem:$0x3FAE]  }
0x3d: {  	_ =	shalt  }
0x3e: {  	_ =	shalt  }
0x3f: {  	_ =	shalt  }
0x40: {  	_ =	shalt  }
0x41: {  	_ =	shalt  }
0x42: {  	_ =	shalt  }
0x43: {  	_ =	shalt  }
0x44: {  	_ =	shalt  }
0x45: {  	_ =	shalt  }
0x46: {  	_ =	shalt  }
0x47: {  	_ =	shalt  }
0x48: {  	_ =	shalt  }
0x49: {  	_ =	shalt  }
0x4a: {  	_ =	shalt  }
0x4b: {  	_ =	shalt  }
0x4c: {  	_ =	shalt  }
0x4d: {  	_ =	shalt  }
0x4e: {  	_ =	shalt  }
0x4f: {  	_ =	shalt  }
0x50: {  	_ =	shalt  }
0x51: {  	_ =	shalt  }
0x52: {  	_ =	shalt  }
0x53: {  	_ =	shalt  }
0x54: {  	_ =	shalt  }
0x55: {  	_ =	shalt  }
0x56: {  	_ =	shalt  }
0x57: {  	_ =	shalt  }
0x58: {  	_ =	shalt  }
0x59: {  	_ =	shalt  }
0x5a: {  	_ =	shalt  }
0x5b: {  	_ =	shalt  }
0x5c: {  	_ =	shalt  }
0x5d: {  	_ =	shalt  }
0x5e: {  	_ =	shalt  }
0x5f: {  	_ =	shalt  }
0x60: {  	_ =	shalt  }
0x61: {  	_ =	shalt  }
0x62: {  	_ =	shalt  }
0x63: {  	_ =	shalt  }
0x64: {  	_ =	shalt  }
0x65: {  	_ =	shalt  }
0x66: {  	_ =	shalt  }
0x67: {  	_ =	shalt  }
0x68: {  	_ =	shalt  }
0x69: {  	_ =	shalt  }
0x6a: {  	_ =	shalt  }
0x6b: {  	_ =	shalt  }
0x6c: {  	_ =	shalt  }
0x6d: {  	_ =	shalt  }
0x6e: {  	_ =	shalt  }
0x6f: {  	_ =	shalt  }
0x70: {  	_ =	shalt  }
0x71: {  	_ =	shalt  }
0x72: {  	_ =	shalt  }
0x73: {  	_ =	shalt  }
0x74: {  	_ =	shalt  }
0x75: {  	_ =	shalt  }
0x76: {  	_ =	shalt  }
0x77: {  	_ =	shalt  }
0x78: {  	_ =	shalt  }
0x79: {  	_ =	shalt  }
0x7a: {  	_ =	shalt  }
0x7b: {  	_ =	shalt  }
0x7c: {  	_ =	shalt  }
0x7d: {  	_ =	shalt  }
0x7e: {  	_ =	shalt  }
0x7f: {  	_ =	shalt  }
0x80: {  	_ =	shalt  }
0x81: {  	_ =	shalt  }
0x82: {  	_ =	shalt  }
0x83: {  	_ =	shalt  }
0x84: {  	_ =	shalt  }
0x85: {  	_ =	shalt  }
0x86: {  	_ =	shalt  }
0x87: {  	_ =	shalt  }
.Lfunc_end0:
.L_simem_size_0:
called_computation_lowered:
.L_overlay_start_0:
0x88: {  	s2 =	sld [smem:$0x3FD9]  }
0x89: {  	s3 =	sld [smem:$0x3FFE];
	_ =	sdelay $0x1  }
0x8a: {  	s1 =	srdreg.scid  }
0x8b: {  	s0 =	sand.u32 $0x1, s1  }
0x8c: {  	s17 =	sshll.u32 s0, $0xA;
	s2 =	sadd.s32 s3, s2  }
0x8d: {  	s2 =	sadd.s32 s2, s17  }
0x8e: {  	[smem:$0x3FBA] =	sst s2  }
0x8f: {  	_ = 	snop  }
0x90: {  	s2 =	sld [smem:$0x3FC9]  }
0x91: {  	s18 =	sld [smem:$0x3FD0];
	(tm) =	ssettm $0x1  }
0x92: {  	s4 =	sld [smem:$0x3FFB];
	_ =	sdelay $0x3  }
0x93: {  	_ =	strace s4  }
0x94: {  	s4 =	sld [smem:$0x3FFC];
	_ =	sdelay $0x3  }
0x95: {  	_ =	strace s4  }
0x96: {  	s4 =	sld [smem:$0x3FFD];
	_ =	sdelay $0x3  }
0x97: {  	_ =	strace s4  }
0x98: {  	_ =	strace $0x8FFFFFFF  }
0x99: {  	s19 =	sld [smem:$0x3FDB];
	_ =	sdelay $0x1  }
0x9a: {  	s5 =	simm.s32 $_scs_section_size  }
0x9b: {  	s6 =	simm.s32 $_size__tile_overlayer_lowered;
	s7 =	simm.s32 $_tile_overlayer_lowered  }
0x9c: {  	s22 =	simm.s32 $0x1BFF;
	s21 =	sshll.u32 s7, $0x1;
	s4 =	sadd.s32 s5, s19  }
0x9d: {  	s8 =	simm.s32 $0x0;
	s20 =	sshll.u32 s6, $0x1;
	s6 =	sadd.s32 s21, s4  }
0x9e: {  	[timem:s8], [sflag:s22] =	dma.local [hbm:s6], s20  }
0x9f: {  	_ =	swait.ge [sflag:s22], s20  }
0xa0: {  	s5 =	ssub.s32 $0x0, s20;
	[sflag:s22] =	ssyncset.done $0x0  }
0xa1: {  	[sflag:s22] =	ssyncadd.s32 s5;
	_ =	sdelay $0x1  }
0xa2: {  	s23 =	simm.s32 $0x1B8B  }
0xa3: {  	_ =	swait.ge [sflag:s23], $0x1  }
0xa4: {  	[sflag:s23] =	ssyncset.done $0x0  }
0xa5: {  	s25 =	simm.s32 $0x1B8E;
	s24 =	sld [smem:$0x3FFE];
	[sflag:s23] =	ssyncadd.s32 $0xFFFFFFFF  }
0xa6: {  	s26 =	simm.s32 $execute0_lowered;
	[smem:$0x3FD2] =	sst s25  }
0xa7: {  	s6 =	sshll.u32 s26, $0x1;
	_ =	strace $0x80000046;
	[dreg:$0x1] =	wrdreg $0xFFFFFFFF  }
0xa8: {  	s28 =	simm.s32 $_size_execute0_lowered;
	s4 =	sadd.s32 s4, s6;
	[dreg:$0x0] =	wrdreg $0x0  }
0xa9: {  	s6 =	sshll.u32 s28, $0x1;
	[dreg:$0x2] =	wrdreg s4  }
0xaa: {  	[dreg:$0x3] =	wrdreg s6  }
0xab: {  	[dreg:$0x4] =	wrdreg $0xC0  }
0xac: {  	_ =	task [dreg:s8], $0x5FFFF  }
0xad: {  	[dreg:$0x1] =	wrdreg $0xFFFFFFFF  }
0xae: {  	[dreg:$0x0] =	wrdreg $0x60  }
0xaf: {  	[dreg:$0x2] =	wrdreg s2  }
0xb0: {  	[dreg:$0x3] =	wrdreg s24  }
0xb1: {  	[dreg:$0x4] =	wrdreg s18  }
0xb2: {  	[dreg:$0x5] =	wrdreg $0xA8000  }
0xb3: {  	[dreg:$0x6] =	wrdreg $0x1E7000  }
0xb4: {  	[dreg:$0x7] =	wrdreg $0x9  }
0xb5: {  	_ =	task.clear_ibuf [dreg:s8], $0x8FFFF;
	_ =	strace $0x90000046  }
0xb6: {  	s29 =	simm.s32 $0x9;
	_ =	strace $0x80000048  }
0xb7: {  	_ =	swait.ge [sflag:s29], $0x1  }
0xb8: {  	[sflag:s29] =	ssyncadd.s32 $0xFFFFFFFF  }
0xb9: {  	_ =	strace $0x90000048  }
0xba: {  	_ =	sfence  }
0xbb: {  	s30 =	sld [smem:$0x0];
	_ =	sdelay $0x2  }
0xbc: {  	s31 =	sshll.u32 s1, $0xD;
	s1 =	sshrl.u32 s1, $0x2  }
0xbd: {  	s3 =	sand.u32 $0x4000, s31;
	s1 =	sadd.s32 s1, s30  }
0xbe: {  	s0 =	sor.u32 s3, s0;
	s1 =	sshll.u32 s1, $0x11  }
0xbf: {  	s0 =	sor.u32 s1, s0  }
0xc0: {  	s0 =	sadd.s32 $0x8F2B, s0  }
0xc1: {  	[sflag:s0] =	ssyncadd.remote.s32 $0x1  }
0xc2: {  	_ =	sfence.sel $0xFFFF  }
0xc3: {  	[dreg:$0x0] =	wrdreg $0xFFFFFFFF;
	(pc) =	sbr.abs _section_cstart, $3  }
0xc4: {  	[dreg:$0x1] =	wrdreg $0xFFFFFFFF  }
0xc5: {  	_ =	task.clear_ibuf [dreg:s8], $0x2FFFF;
	_ =	strace $0x9FFFFFFF  }
0xc6: {  	(tm) =	ssettm $0x7FFFFFFF  }
0xc7: {  	_ =	shalt  }
tec
execute0_lowered:
.L_overlay_start_1:
0x0: {  	(tag) =	ssettag $0x1  }
0x1: {  	s1 =	rddreg [dreg:$0x0]  }
0x2: {  	s0 =	rddreg [dreg:$0x1]  }
0x3: {  	s4 =	rddreg [dreg:$0x2]  }
0x4: {  	s2 =	rddreg [dreg:$0x3]  }
0x5: {  	s3 =	rddreg [dreg:$0x4]  }
0x6: {  	s5 =	srdreg.scid;
	s13 =	stileid.u32  }
0x7: {  	s28 =	simm.s32 $0x1;
	s29 =	simm.s32 $0x1E400;
	s8 =	smul.u32 $0x13C00, s13  }
0x8: {  	s30 =	simm.s32 $0x1380;
	s31 =	simm.s32 $0x2700;
	s20 =	smul.u32 $0x4F000, s13  }
0x9: {  	s6 =	sand.u32 $0x1, s5;
	s5 =	simm.s32 $0x0;
	s14 =	smul.u32 $0xA00, s13  }
0xa: {  	s15 =	sadd.s32 $0x5000, s0;
	s16 =	sadd.s32 $0xF000, s0;
	s18 =	smul.u32 $0x500, s13  }
0xb: {  	s10 =	sadd.s32 $0x19000, s0;
	s7 =	smul.u32 $0x13C000, s6;
	[smem:$0x7FF] =	sst s5  }
0xc: {  	s9 =	sshll.u32 s6, $0x4;
	s21 =	ssub.s32 $0x2, s6;
	s6 =	sshll.u32 s6, $0x7  }
0xd: {  	_ =	strace $0x80000047;
	s9 =	sor.u32 s13, s9;
	[dreg:$0x6] =	wrdreg s10  }
0xe: {  	s22 =	sshrl.u32 s21, $0x1;
	s23 =	sshrl.u32 s20, $0x2;
	s14 =	sshrl.u32 s14, $0x2  }
0xf: {  	s6 =	sor.u32 s6, s18;
	s20 =	simm.s32 $0x1400;
	s7 =	sadd.s32 s8, s7  }
0x10: {  	s19 =	smul.u32 $0x2800, s9;
	s8 =	sadd.s32 s23, s2;
	s14 =	sadd.s32 s14, s3  }
0x11: {  	s6 =	sshrl.u32 s6, $0x3;
	s23 =	simm.s32 $0x0;
	s7 =	sshrl.u32 s7, $0x3  }
0x12: {  	s26 =	sadd.s32 $0x4000, s8;
	s11 =	sadd.s32 $0x8000, s8;
	s12 =	sadd.s32 $0xC000, s8  }
0x13: {  	s13 =	sadd.s32 $0x10000, s8;
	s18 =	sadd.s32 s4, s6;
	s0 =	sadd.s32 s7, s0  }
0x14: {  	s17 =	sshrl.u32 s19, $0x3;
	s19 =	ssub.s32 s21, s22;
	[dreg:$0x9] =	wrdreg s26  }
0x15: {  	s21 =	simm.s32 $0x2800;
	s22 =	simm.s32 $0x3;
	s24 =	sadd.s32 s15, s17  }
0x16: {  	s26 =	simm.s32 $0x6800;
	s25 =	sadd.s32 s16, s17;
	[dreg:$0x7] =	wrdreg s24  }
0x17: {  	s17 =	sadd.s32 $0x280, s17;
	s19 =	smax.u32 s19, $0x1;
	[dreg:$0x8] =	wrdreg s25  }
0x18: {  	s15 =	sadd.s32 s15, s17;
	s16 =	sadd.s32 s16, s17;
	s17 =	sadd.s32 $0x19800, s0  }
0x19: {  	v0 =	vimm.f32 $1.000000000e+00;
	v1 =	vimm.f32 $0.0e+00;
	s24 =	simm.s32 $0x2;
	s25 =	simm.s32 $0x80;
	s0 =	simm.s32 $0x2780  }
.LBB2_1:
0x1a: {  	s4 =	rddreg [dreg:$0x7]  }
0x1b: {  	[tilespmem:s5], [sflag:$0x2] =	stream.linear.gather [hbm4b:s4+s5], $0x1400, $0x38;
	[tilespmem:$0x1E980] =	vst v63  }
0x1c: {  	s6 =	rddreg [dreg:$0x8]  }
0x1d: {  	[tilespmem:s20], [sflag:$0x2] =	stream.linear.gather [hbm4b:s6+s5], $0x1400, $0x38;
	[tilespmem:$0x1E980] =	vst v63  }
0x1e: {  	s7 =	rddreg [dreg:$0x6]  }
0x1f: {  	[tilespmem:s21], [sflag:$0x3] =	stream.linear.gather [hbm4b:s7+s5], $0x4000, $0x38;
	[tilespmem:$0x1E980] =	vst v63  }
0x20: {  	_ =	swait.ge [sflag:s22], $0x4000  }
0x21: {  	[sflag:s22] =	ssyncset.done $0x0  }
0x22: {  	[sflag:s22] =	ssyncadd.s32 $0xFFFFC000  }
0x23: {  	[spmem:s8] =	stream.linear.scatter [tilespmem:s21], [sflag:$0x3], $0x4000, $0x38;
	[tilespmem:$0x1E980] =	vst v63  }
0x24: {  	_ =	swait.ge [sflag:s22], $0x4000  }
0x25: {  	[sflag:s22] =	ssyncset.done $0x0  }
0x26: {  	s9 =	rddreg [dreg:$0x9];
	[sflag:s22] =	ssyncadd.s32 $0xFFFFC000  }
0x27: {  	[spmem:s9] =	stream.linear.scatter [tilespmem:s21], [sflag:$0x3], $0x4000, $0x38;
	[tilespmem:$0x1E980] =	vst v63  }
0x28: {  	_ =	swait.ge [sflag:s22], $0x4000  }
0x29: {  	[sflag:s22] =	ssyncset.done $0x0  }
0x2a: {  	[sflag:s22] =	ssyncadd.s32 $0xFFFFC000  }
0x2b: {  	[spmem:s11] =	stream.linear.scatter [tilespmem:s21], [sflag:$0x3], $0x4000, $0x38;
	[tilespmem:$0x1E980] =	vst v63  }
0x2c: {  	_ =	swait.ge [sflag:s22], $0x4000  }
0x2d: {  	[sflag:s22] =	ssyncset.done $0x0  }
0x2e: {  	[sflag:s22] =	ssyncadd.s32 $0xFFFFC000  }
0x2f: {  	[spmem:s12] =	stream.linear.scatter [tilespmem:s21], [sflag:$0x3], $0x4000, $0x38;
	[tilespmem:$0x1E980] =	vst v63  }
0x30: {  	_ =	swait.ge [sflag:s22], $0x4000  }
0x31: {  	[sflag:s22] =	ssyncset.done $0x0  }
0x32: {  	[sflag:s22] =	ssyncadd.s32 $0xFFFFC000  }
0x33: {  	[spmem:s13] =	stream.linear.scatter [tilespmem:s21], [sflag:$0x3], $0x3C00, $0x38;
	[tilespmem:$0x1E980] =	vst v63  }
0x34: {  	_ =	swait.ge [sflag:s22], $0x3C00  }
0x35: {  	[sflag:s22] =	ssyncset.done $0x0  }
0x36: {  	[sflag:s22] =	ssyncadd.s32 $0xFFFFC400  }
0x37: {  	[tilespmem:$0x1E400] =	vst v0  }
0x38: {  	[tilespmem:$0x1E410] =	vst v0  }
0x39: {  	[tilespmem:$0x1E420] =	vst v0  }
0x3a: {  	[tilespmem:$0x1E430] =	vst v0  }
0x3b: {  	[tilespmem:$0x1E440] =	vst v0  }
0x3c: {  	[tilespmem:$0x1E450] =	vst v0  }
0x3d: {  	[tilespmem:$0x1E460] =	vst v0  }
0x3e: {  	[tilespmem:$0x1E470] =	vst v0  }
0x3f: {  	[tilespmem:$0x1E480] =	vst v1  }
0x40: {  	[tilespmem:$0x1E490] =	vst v1  }
0x41: {  	[tilespmem:$0x1E4A0] =	vst v1  }
0x42: {  	[tilespmem:$0x1E4B0] =	vst v1  }
0x43: {  	[tilespmem:$0x1E4C0] =	vst v1  }
0x44: {  	[tilespmem:$0x1E4D0] =	vst v1  }
0x45: {  	[tilespmem:$0x1E4E0] =	vst v1  }
0x46: {  	[tilespmem:$0x1E4F0] =	vst v1  }
0x47: {  	[tilespmem:$0x1E500] =	vst v1  }
0x48: {  	[tilespmem:$0x1E510] =	vst v1  }
0x49: {  	[tilespmem:$0x1E520] =	vst v1  }
0x4a: {  	[tilespmem:$0x1E530] =	vst v1  }
0x4b: {  	[tilespmem:$0x1E540] =	vst v1  }
0x4c: {  	[tilespmem:$0x1E550] =	vst v1  }
0x4d: {  	[tilespmem:$0x1E560] =	vst v1  }
0x4e: {  	[tilespmem:$0x1E570] =	vst v1  }
0x4f: {  	[tilespmem:$0x1E580] =	vst v1  }
0x50: {  	[tilespmem:$0x1E590] =	vst v1  }
0x51: {  	[tilespmem:$0x1E5A0] =	vst v1  }
0x52: {  	[tilespmem:$0x1E5B0] =	vst v1  }
0x53: {  	[tilespmem:$0x1E5C0] =	vst v1  }
0x54: {  	[tilespmem:$0x1E5D0] =	vst v1  }
0x55: {  	[tilespmem:$0x1E5E0] =	vst v1  }
0x56: {  	[tilespmem:$0x1E5F0] =	vst v1  }
0x57: {  	[tilespmem:$0x1E600] =	vst v1  }
0x58: {  	[tilespmem:$0x1E610] =	vst v1  }
0x59: {  	[tilespmem:$0x1E620] =	vst v1  }
0x5a: {  	[tilespmem:$0x1E630] =	vst v1  }
0x5b: {  	[tilespmem:$0x1E640] =	vst v1  }
0x5c: {  	[tilespmem:$0x1E650] =	vst v1  }
0x5d: {  	[tilespmem:$0x1E660] =	vst v1  }
0x5e: {  	[tilespmem:$0x1E670] =	vst v1  }
0x5f: {  	[tilespmem:$0x1E680] =	vst v1  }
0x60: {  	[tilespmem:$0x1E690] =	vst v1  }
0x61: {  	[tilespmem:$0x1E6A0] =	vst v1  }
0x62: {  	[tilespmem:$0x1E6B0] =	vst v1  }
0x63: {  	[tilespmem:$0x1E6C0] =	vst v1  }
0x64: {  	[tilespmem:$0x1E6D0] =	vst v1  }
0x65: {  	[tilespmem:$0x1E6E0] =	vst v1  }
0x66: {  	s10 =	simm.s32 $0x1E480;
	[tilespmem:$0x1E6F0] =	vst v1  }
0x67: {  	[spmem:s14] =	stream.linear.scatter [tilespmem:s10], [sflag:$0x3], $0x280, $0x38;
	[tilespmem:$0x1E980] =	vst v63  }
0x68: {  	_ =	swait.ge [sflag:s22], $0x280  }
0x69: {  	[sflag:s22] =	ssyncset.done $0x0  }
0x6a: {  	[sflag:s22] =	ssyncadd.s32 $0xFFFFFD80  }
0x6b: {  	[bflag:$0x0] =	sbarrier.arrive $0xFFFF  }
0x6c: {  	_ =	swait.ge [sflag:s24], $0x1400  }
0x6d: {  	[sflag:s24] =	ssyncset.done $0x0  }
0x6e: {  	[sflag:s24] =	ssyncadd.s32 $0xFFFFEC00  }
0x6f: {  	_ =	swait.ge [sflag:s24], $0x1400  }
0x70: {  	[sflag:s24] =	ssyncset.done $0x0  }
0x71: {  	[sflag:s24] =	ssyncadd.s32 $0xFFFFEC00  }
0x72: {  	[tilespmem:s21], [sflag:$0x1] =	stream.indirect.gather [hbm4b:s1+s25], $0x80, s5, s25, $0xb8;
	[tilespmem:$0x1E980] =	vst v63  }
0x73: {  	s6 =	simm.s32 $0x80  }
0x74: {  	[tilespmem:s26], [sflag:$0x2] =	stream.indirect.gather [hbm4b:s1+s25], $0x80, s6, s25, $0xb8;
	[tilespmem:$0x1E980] =	vst v63  }
0x75: {  	_ =	swait.ge [sflag:s28], $0x4000  }
0x76: {  	[sflag:s28] =	ssyncset.done $0x0  }
0x77: {  	s7 =	simm.s32 $0x1400;
	[sflag:s28] =	ssyncadd.s32 $0xFFFFC000  }
0x78: {  	[spmem:s2] =	stream.indirect.scatter.add.f32 [tilespmem:s21], [sflag:$0x3], $0x80, s7, s25, $0xb8;
	[tilespmem:$0x1E980] =	vst v63  }
0x79: {  	_ =	swait.ge [sflag:s22], $0x4000  }
0x7a: {  	[sflag:s22] =	ssyncset.done $0x0  }
0x7b: {  	[sflag:s22] =	ssyncadd.s32 $0xFFFFC000  }
0x7c: {  	[spmem:s3] =	stream.indirect.scatter.add.f32 [tilespmem:s29], [sflag:$0x3], $0x1, s7, s25, $0xb8;
	[tilespmem:$0x1E980] =	vst v63  }
0x7d: {  	_ =	swait.ge [sflag:s22], $0x80  }
0x7e: {  	[sflag:s22] =	ssyncset.done $0x0  }
0x7f: {  	s9 =	simm.s32 $0x100;
	[sflag:s22] =	ssyncadd.s32 $0xFFFFFF80  }
0x80: {  	[tilespmem:s21], [sflag:$0x1] =	stream.indirect.gather [hbm4b:s1+s25], $0x80, s9, s25, $0xb8;
	[tilespmem:$0x1E980] =	vst v63  }
0x81: {  	_ =	swait.ge [sflag:s24], $0x4000  }
0x82: {  	[sflag:s24] =	ssyncset.done $0x0  }
0x83: {  	s10 =	simm.s32 $0x1480;
	[sflag:s24] =	ssyncadd.s32 $0xFFFFC000  }
0x84: {  	[spmem:s2] =	stream.indirect.scatter.add.f32 [tilespmem:s26], [sflag:$0x3], $0x80, s10, s25, $0xb8;
	[tilespmem:$0x1E980] =	vst v63  }
0x85: {  	_ =	swait.ge [sflag:s22], $0x4000  }
0x86: {  	[sflag:s22] =	ssyncset.done $0x0  }
0x87: {  	[sflag:s22] =	ssyncadd.s32 $0xFFFFC000  }
0x88: {  	[spmem:s3] =	stream.indirect.scatter.add.f32 [tilespmem:s29], [sflag:$0x3], $0x1, s10, s25, $0xb8;
	[tilespmem:$0x1E980] =	vst v63  }
0x89: {  	_ =	swait.ge [sflag:s22], $0x80  }
0x8a: {  	s4 =	simm.s32 $0x100;
	s6 =	simm.s32 $0x800;
	[sflag:s22] =	ssyncset.done $0x0  }
.LBB2_2:
0x8b: {  	s7 =	sadd.s32 $0x80, s4  }
0x8c: {  	[sflag:s22] =	ssyncadd.s32 $0xFFFFFF80;
	s9 =	smov.u32 s6;
	s10 =	sadd.s32 $0x400, s6  }
0x8d: {  	[tilespmem:s26], [sflag:$0x2] =	stream.indirect.gather [hbm4b:s1+s25], $0x80, s7, s25, $0xb8;
	[tilespmem:$0x1E980] =	vst v63  }
0x8e: {  	p0 =	sne.s32 s6, $0x4800;
	_ =	swait.ge [sflag:s28], $0x4000  }
0x8f: {  	[sflag:s28] =	ssyncset.done $0x0  }
0x90: {  	s6 =	sadd.s32 $0x1400, s4;
	[sflag:s28] =	ssyncadd.s32 $0xFFFFC000  }
0x91: {  	[spmem:s2] =	stream.indirect.scatter.add.f32 [tilespmem:s21], [sflag:$0x3], $0x80, s6, s25, $0xb8;
	[tilespmem:$0x1E980] =	vst v63  }
0x92: {  	_ =	swait.ge [sflag:s22], $0x4000  }
0x93: {  	[sflag:s22] =	ssyncset.done $0x0  }
0x94: {  	[sflag:s22] =	ssyncadd.s32 $0xFFFFC000  }
0x95: {  	[spmem:s3] =	stream.indirect.scatter.add.f32 [tilespmem:s29], [sflag:$0x3], $0x1, s6, s25, $0xb8;
	[tilespmem:$0x1E980] =	vst v63  }
0x96: {  	_ =	swait.ge [sflag:s22], $0x80  }
0x97: {  	[sflag:s22] =	ssyncset.done $0x0  }
0x98: {  	s6 =	sadd.s32 $0x100, s4;
	[sflag:s22] =	ssyncadd.s32 $0xFFFFFF80  }
0x99: {  	[tilespmem:s21], [sflag:$0x1] =	stream.indirect.gather [hbm4b:s1+s25], $0x80, s6, s25, $0xb8;
	[tilespmem:$0x1E980] =	vst v63  }
0x9a: {  	_ =	swait.ge [sflag:s24], $0x4000  }
0x9b: {  	[sflag:s24] =	ssyncset.done $0x0  }
0x9c: {  	s4 =	sadd.s32 $0x1480, s4;
	[sflag:s24] =	ssyncadd.s32 $0xFFFFC000  }
0x9d: {  	[spmem:s2] =	stream.indirect.scatter.add.f32 [tilespmem:s26], [sflag:$0x3], $0x80, s4, s25, $0xb8;
	[tilespmem:$0x1E980] =	vst v63  }
0x9e: {  	_ =	swait.ge [sflag:s22], $0x4000  }
.Ltmp0:
0x9f: {  	[sflag:s22] =	ssyncset.done $0x0;
	(pc) =	sbr.rel @p0 .LBB2_2-.Ltmp0, $4  }
0xa0: {  	[sflag:s22] =	ssyncadd.s32 $0xFFFFC000  }
0xa1: {  	[spmem:s3] =	stream.indirect.scatter.add.f32 [tilespmem:s29], [sflag:$0x3], $0x1, s4, s25, $0xb8;
	[tilespmem:$0x1E980] =	vst v63  }
0xa2: {  	_ =	swait.ge [sflag:s22], $0x80  }
0xa3: {  	s6 =	smov.u32 s10;
	s4 =	sshra.s32 s9, $0x2;
	[sflag:s22] =	ssyncset.done $0x0  }
0xa4: {  	s6 =	sadd.s32 $0x80, s4;
	[sflag:s22] =	ssyncadd.s32 $0xFFFFFF80  }
0xa5: {  	[tilespmem:s26], [sflag:$0x2] =	stream.indirect.gather [hbm4b:s1+s25], $0x80, s6, s25, $0xb8;
	[tilespmem:$0x1E980] =	vst v63  }
0xa6: {  	_ =	swait.ge [sflag:s28], $0x4000  }
0xa7: {  	[sflag:s28] =	ssyncset.done $0x0  }
0xa8: {  	s10 =	sadd.s32 $0x1400, s4;
	[sflag:s28] =	ssyncadd.s32 $0xFFFFC000  }
0xa9: {  	[spmem:s2] =	stream.indirect.scatter.add.f32 [tilespmem:s21], [sflag:$0x3], $0x80, s10, s25, $0xb8;
	[tilespmem:$0x1E980] =	vst v63  }
0xaa: {  	_ =	swait.ge [sflag:s22], $0x4000  }
0xab: {  	[sflag:s22] =	ssyncset.done $0x0  }
0xac: {  	[sflag:s22] =	ssyncadd.s32 $0xFFFFC000  }
0xad: {  	[spmem:s3] =	stream.indirect.scatter.add.f32 [tilespmem:s29], [sflag:$0x3], $0x1, s10, s25, $0xb8;
	[tilespmem:$0x1E980] =	vst v63  }
0xae: {  	_ =	swait.ge [sflag:s22], $0x80  }
0xaf: {  	[sflag:s22] =	ssyncset.done $0x0  }
0xb0: {  	s7 =	sadd.s32 $0x100, s4;
	[sflag:s22] =	ssyncadd.s32 $0xFFFFFF80  }
0xb1: {  	[tilespmem:s21], [sflag:$0x1] =	stream.indirect.gather [hbm4b:s1+s25], $0x80, s7, s25, $0xb8;
	[tilespmem:$0x1E980] =	vst v63  }
0xb2: {  	_ =	swait.ge [sflag:s24], $0x4000  }
0xb3: {  	[sflag:s24] =	ssyncset.done $0x0  }
0xb4: {  	s9 =	sadd.s32 $0x1480, s4;
	[sflag:s24] =	ssyncadd.s32 $0xFFFFC000  }
0xb5: {  	[spmem:s2] =	stream.indirect.scatter.add.f32 [tilespmem:s26], [sflag:$0x3], $0x80, s9, s25, $0xb8;
	[tilespmem:$0x1E980] =	vst v63  }
0xb6: {  	_ =	swait.ge [sflag:s22], $0x4000  }
0xb7: {  	[sflag:s22] =	ssyncset.done $0x0  }
0xb8: {  	[sflag:s22] =	ssyncadd.s32 $0xFFFFC000  }
0xb9: {  	[spmem:s3] =	stream.indirect.scatter.add.f32 [tilespmem:s29], [sflag:$0x3], $0x1, s9, s25, $0xb8;
	[tilespmem:$0x1E980] =	vst v63  }
0xba: {  	_ =	swait.ge [sflag:s22], $0x80  }
0xbb: {  	[sflag:s22] =	ssyncset.done $0x0  }
0xbc: {  	[sflag:s22] =	ssyncadd.s32 $0xFFFFFF80  }
0xbd: {  	[tilespmem:s26], [sflag:$0x2] =	stream.indirect.gather [hbm4b:s1+s25], $0x80, s30, s25, $0xb8;
	[tilespmem:$0x1E980] =	vst v63  }
0xbe: {  	_ =	swait.ge [sflag:s28], $0x4000  }
0xbf: {  	[sflag:s28] =	ssyncset.done $0x0  }
0xc0: {  	[sflag:s28] =	ssyncadd.s32 $0xFFFFC000  }
0xc1: {  	[spmem:s2] =	stream.indirect.scatter.add.f32 [tilespmem:s21], [sflag:$0x3], $0x80, s31, s25, $0xb8;
	[tilespmem:$0x1E980] =	vst v63  }
0xc2: {  	_ =	swait.ge [sflag:s22], $0x4000  }
0xc3: {  	[sflag:s22] =	ssyncset.done $0x0  }
0xc4: {  	[sflag:s22] =	ssyncadd.s32 $0xFFFFC000  }
0xc5: {  	[spmem:s3] =	stream.indirect.scatter.add.f32 [tilespmem:s29], [sflag:$0x3], $0x1, s31, s25, $0xb8;
	[tilespmem:$0x1E980] =	vst v63  }
0xc6: {  	_ =	swait.ge [sflag:s22], $0x80  }
0xc7: {  	[sflag:s22] =	ssyncset.done $0x0  }
0xc8: {  	[sflag:s22] =	ssyncadd.s32 $0xFFFFFF80  }
0xc9: {  	_ =	swait.ge [sflag:s24], $0x4000  }
0xca: {  	[sflag:s24] =	ssyncset.done $0x0  }
0xcb: {  	[sflag:s24] =	ssyncadd.s32 $0xFFFFC000  }
0xcc: {  	[spmem:s2] =	stream.indirect.scatter.add.f32 [tilespmem:s26], [sflag:$0x3], $0x80, s0, s25, $0xb8;
	[tilespmem:$0x1E980] =	vst v63  }
0xcd: {  	_ =	swait.ge [sflag:s22], $0x4000  }
0xce: {  	[sflag:s22] =	ssyncset.done $0x0  }
0xcf: {  	[sflag:s22] =	ssyncadd.s32 $0xFFFFC000  }
0xd0: {  	[spmem:s3] =	stream.indirect.scatter.add.f32 [tilespmem:s29], [sflag:$0x3], $0x1, s0, s25, $0xb8;
	[tilespmem:$0x1E980] =	vst v63  }
0xd1: {  	_ =	swait.ge [sflag:s22], $0x80  }
0xd2: {  	[sflag:s22] =	ssyncset.done $0x0  }
0xd3: {  	s10 =	simm.s32 $0x0;
	[sflag:s22] =	ssyncadd.s32 $0xFFFFFF80  }
0xd4: {  	[tilespmem:s10], [sflag:$0x3] =	stream.linear.gather [hbm4b:s15+s10], $0x1400, $0x38;
	[tilespmem:$0x1E980] =	vst v63  }
0xd5: {  	_ =	swait.ge [sflag:s22], $0x1400  }
0xd6: {  	[sflag:s22] =	ssyncset.done $0x0  }
0xd7: {  	[sflag:s22] =	ssyncadd.s32 $0xFFFFEC00  }
0xd8: {  	[tilespmem:s20], [sflag:$0x3] =	stream.linear.gather [hbm4b:s16+s10], $0x1400, $0x38;
	[tilespmem:$0x1E980] =	vst v63  }
0xd9: {  	_ =	swait.ge [sflag:s22], $0x1400  }
0xda: {  	[sflag:s22] =	ssyncset.done $0x0  }
0xdb: {  	[sflag:s22] =	ssyncadd.s32 $0xFFFFEC00  }
0xdc: {  	[tilespmem:s21], [sflag:$0x1] =	stream.indirect.gather [hbm4b:s1+s25], $0x80, s10, s25, $0xb8;
	[tilespmem:$0x1E980] =	vst v63  }
0xdd: {  	s6 =	simm.s32 $0x80  }
0xde: {  	[tilespmem:s26], [sflag:$0x2] =	stream.indirect.gather [hbm4b:s1+s25], $0x80, s6, s25, $0xb8;
	[tilespmem:$0x1E980] =	vst v63  }
0xdf: {  	_ =	swait.ge [sflag:s28], $0x4000  }
0xe0: {  	[sflag:s28] =	ssyncset.done $0x0  }
0xe1: {  	s7 =	simm.s32 $0x1400;
	[sflag:s28] =	ssyncadd.s32 $0xFFFFC000  }
0xe2: {  	[spmem:s2] =	stream.indirect.scatter.add.f32 [tilespmem:s21], [sflag:$0x3], $0x80, s7, s25, $0xb8;
	[tilespmem:$0x1E980] =	vst v63  }
0xe3: {  	_ =	swait.ge [sflag:s22], $0x4000  }
0xe4: {  	[sflag:s22] =	ssyncset.done $0x0  }
0xe5: {  	[sflag:s22] =	ssyncadd.s32 $0xFFFFC000  }
0xe6: {  	[spmem:s3] =	stream.indirect.scatter.add.f32 [tilespmem:s29], [sflag:$0x3], $0x1, s7, s25, $0xb8;
	[tilespmem:$0x1E980] =	vst v63  }
0xe7: {  	_ =	swait.ge [sflag:s22], $0x80  }
0xe8: {  	[sflag:s22] =	ssyncset.done $0x0  }
0xe9: {  	s9 =	simm.s32 $0x100;
	[sflag:s22] =	ssyncadd.s32 $0xFFFFFF80  }
0xea: {  	[tilespmem:s21], [sflag:$0x1] =	stream.indirect.gather [hbm4b:s1+s25], $0x80, s9, s25, $0xb8;
	[tilespmem:$0x1E980] =	vst v63  }
0xeb: {  	_ =	swait.ge [sflag:s24], $0x4000  }
0xec: {  	[sflag:s24] =	ssyncset.done $0x0  }
0xed: {  	s10 =	simm.s32 $0x1480;
	[sflag:s24] =	ssyncadd.s32 $0xFFFFC000  }
0xee: {  	[spmem:s2] =	stream.indirect.scatter.add.f32 [tilespmem:s26], [sflag:$0x3], $0x80, s10, s25, $0xb8;
	[tilespmem:$0x1E980] =	vst v63  }
0xef: {  	_ =	swait.ge [sflag:s22], $0x4000  }
0xf0: {  	[sflag:s22] =	ssyncset.done $0x0  }
0xf1: {  	[sflag:s22] =	ssyncadd.s32 $0xFFFFC000  }
0xf2: {  	[spmem:s3] =	stream.indirect.scatter.add.f32 [tilespmem:s29], [sflag:$0x3], $0x1, s10, s25, $0xb8;
	[tilespmem:$0x1E980] =	vst v63  }
0xf3: {  	_ =	swait.ge [sflag:s22], $0x80  }
0xf4: {  	s4 =	simm.s32 $0x100;
	s6 =	simm.s32 $0x800;
	[sflag:s22] =	ssyncset.done $0x0  }
.LBB2_4:
0xf5: {  	s7 =	sadd.s32 $0x80, s4  }
0xf6: {  	[sflag:s22] =	ssyncadd.s32 $0xFFFFFF80;
	s9 =	smov.u32 s6;
	s10 =	sadd.s32 $0x400, s6  }
0xf7: {  	[tilespmem:s26], [sflag:$0x2] =	stream.indirect.gather [hbm4b:s1+s25], $0x80, s7, s25, $0xb8;
	[tilespmem:$0x1E980] =	vst v63  }
0xf8: {  	p0 =	sne.s32 s6, $0x4800;
	_ =	swait.ge [sflag:s28], $0x4000  }
0xf9: {  	[sflag:s28] =	ssyncset.done $0x0  }
0xfa: {  	s6 =	sadd.s32 $0x1400, s4;
	[sflag:s28] =	ssyncadd.s32 $0xFFFFC000  }
0xfb: {  	[spmem:s2] =	stream.indirect.scatter.add.f32 [tilespmem:s21], [sflag:$0x3], $0x80, s6, s25, $0xb8;
	[tilespmem:$0x1E980] =	vst v63  }
0xfc: {  	_ =	swait.ge [sflag:s22], $0x4000  }
0xfd: {  	[sflag:s22] =	ssyncset.done $0x0  }
0xfe: {  	[sflag:s22] =	ssyncadd.s32 $0xFFFFC000  }
0xff: {  	[spmem:s3] =	stream.indirect.scatter.add.f32 [tilespmem:s29], [sflag:$0x3], $0x1, s6, s25, $0xb8;
	[tilespmem:$0x1E980] =	vst v63  }
0x100: {  	_ =	swait.ge [sflag:s22], $0x80  }
0x101: {  	[sflag:s22] =	ssyncset.done $0x0  }
0x102: {  	s6 =	sadd.s32 $0x100, s4;
	[sflag:s22] =	ssyncadd.s32 $0xFFFFFF80  }
0x103: {  	[tilespmem:s21], [sflag:$0x1] =	stream.indirect.gather [hbm4b:s1+s25], $0x80, s6, s25, $0xb8;
	[tilespmem:$0x1E980] =	vst v63  }
0x104: {  	_ =	swait.ge [sflag:s24], $0x4000  }
0x105: {  	[sflag:s24] =	ssyncset.done $0x0  }
0x106: {  	s4 =	sadd.s32 $0x1480, s4;
	[sflag:s24] =	ssyncadd.s32 $0xFFFFC000  }
0x107: {  	[spmem:s2] =	stream.indirect.scatter.add.f32 [tilespmem:s26], [sflag:$0x3], $0x80, s4, s25, $0xb8;
	[tilespmem:$0x1E980] =	vst v63  }
0x108: {  	_ =	swait.ge [sflag:s22], $0x4000  }
.Ltmp1:
0x109: {  	[sflag:s22] =	ssyncset.done $0x0;
	(pc) =	sbr.rel @p0 .LBB2_4-.Ltmp1, $4  }
0x10a: {  	[sflag:s22] =	ssyncadd.s32 $0xFFFFC000  }
0x10b: {  	[spmem:s3] =	stream.indirect.scatter.add.f32 [tilespmem:s29], [sflag:$0x3], $0x1, s4, s25, $0xb8;
	[tilespmem:$0x1E980] =	vst v63  }
0x10c: {  	_ =	swait.ge [sflag:s22], $0x80  }
0x10d: {  	s6 =	smov.u32 s10;
	s4 =	sshra.s32 s9, $0x2;
	[sflag:s22] =	ssyncset.done $0x0  }
0x10e: {  	s6 =	sadd.s32 $0x80, s4;
	[sflag:s22] =	ssyncadd.s32 $0xFFFFFF80  }
0x10f: {  	[tilespmem:s26], [sflag:$0x2] =	stream.indirect.gather [hbm4b:s1+s25], $0x80, s6, s25, $0xb8;
	[tilespmem:$0x1E980] =	vst v63  }
0x110: {  	_ =	swait.ge [sflag:s28], $0x4000  }
0x111: {  	[sflag:s28] =	ssyncset.done $0x0  }
0x112: {  	s9 =	sadd.s32 $0x1400, s4;
	[sflag:s28] =	ssyncadd.s32 $0xFFFFC000  }
0x113: {  	[spmem:s2] =	stream.indirect.scatter.add.f32 [tilespmem:s21], [sflag:$0x3], $0x80, s9, s25, $0xb8;
	[tilespmem:$0x1E980] =	vst v63  }
0x114: {  	_ =	swait.ge [sflag:s22], $0x4000  }
0x115: {  	[sflag:s22] =	ssyncset.done $0x0  }
0x116: {  	[sflag:s22] =	ssyncadd.s32 $0xFFFFC000  }
0x117: {  	[spmem:s3] =	stream.indirect.scatter.add.f32 [tilespmem:s29], [sflag:$0x3], $0x1, s9, s25, $0xb8;
	[tilespmem:$0x1E980] =	vst v63  }
0x118: {  	_ =	swait.ge [sflag:s22], $0x80  }
0x119: {  	[sflag:s22] =	ssyncset.done $0x0  }
0x11a: {  	s10 =	sadd.s32 $0x100, s4;
	[sflag:s22] =	ssyncadd.s32 $0xFFFFFF80  }
0x11b: {  	[tilespmem:s21], [sflag:$0x1] =	stream.indirect.gather [hbm4b:s1+s25], $0x80, s10, s25, $0xb8;
	[tilespmem:$0x1E980] =	vst v63  }
0x11c: {  	_ =	swait.ge [sflag:s24], $0x4000  }
0x11d: {  	[sflag:s24] =	ssyncset.done $0x0  }
0x11e: {  	s6 =	sadd.s32 $0x1480, s4;
	[sflag:s24] =	ssyncadd.s32 $0xFFFFC000  }
0x11f: {  	[spmem:s2] =	stream.indirect.scatter.add.f32 [tilespmem:s26], [sflag:$0x3], $0x80, s6, s25, $0xb8;
	[tilespmem:$0x1E980] =	vst v63  }
0x120: {  	_ =	swait.ge [sflag:s22], $0x4000  }
0x121: {  	[sflag:s22] =	ssyncset.done $0x0  }
0x122: {  	[sflag:s22] =	ssyncadd.s32 $0xFFFFC000  }
0x123: {  	[spmem:s3] =	stream.indirect.scatter.add.f32 [tilespmem:s29], [sflag:$0x3], $0x1, s6, s25, $0xb8;
	[tilespmem:$0x1E980] =	vst v63  }
0x124: {  	_ =	swait.ge [sflag:s22], $0x80  }
0x125: {  	[sflag:s22] =	ssyncset.done $0x0  }
0x126: {  	[sflag:s22] =	ssyncadd.s32 $0xFFFFFF80  }
0x127: {  	[tilespmem:s26], [sflag:$0x2] =	stream.indirect.gather [hbm4b:s1+s25], $0x80, s30, s25, $0xb8;
	[tilespmem:$0x1E980] =	vst v63  }
0x128: {  	_ =	swait.ge [sflag:s28], $0x4000  }
0x129: {  	[sflag:s28] =	ssyncset.done $0x0  }
0x12a: {  	[sflag:s28] =	ssyncadd.s32 $0xFFFFC000  }
0x12b: {  	[spmem:s2] =	stream.indirect.scatter.add.f32 [tilespmem:s21], [sflag:$0x3], $0x80, s31, s25, $0xb8;
	[tilespmem:$0x1E980] =	vst v63  }
0x12c: {  	_ =	swait.ge [sflag:s22], $0x4000  }
0x12d: {  	[sflag:s22] =	ssyncset.done $0x0  }
0x12e: {  	[sflag:s22] =	ssyncadd.s32 $0xFFFFC000  }
0x12f: {  	[spmem:s3] =	stream.indirect.scatter.add.f32 [tilespmem:s29], [sflag:$0x3], $0x1, s31, s25, $0xb8;
	[tilespmem:$0x1E980] =	vst v63  }
0x130: {  	_ =	swait.ge [sflag:s22], $0x80  }
0x131: {  	[sflag:s22] =	ssyncset.done $0x0  }
0x132: {  	[sflag:s22] =	ssyncadd.s32 $0xFFFFFF80  }
0x133: {  	_ =	swait.ge [sflag:s24], $0x4000  }
0x134: {  	[sflag:s24] =	ssyncset.done $0x0  }
0x135: {  	[sflag:s24] =	ssyncadd.s32 $0xFFFFC000  }
0x136: {  	[spmem:s2] =	stream.indirect.scatter.add.f32 [tilespmem:s26], [sflag:$0x3], $0x80, s0, s25, $0xb8;
	[tilespmem:$0x1E980] =	vst v63  }
0x137: {  	_ =	swait.ge [sflag:s22], $0x4000  }
0x138: {  	[sflag:s22] =	ssyncset.done $0x0  }
0x139: {  	[sflag:s22] =	ssyncadd.s32 $0xFFFFC000  }
0x13a: {  	[spmem:s3] =	stream.indirect.scatter.add.f32 [tilespmem:s29], [sflag:$0x3], $0x1, s0, s25, $0xb8;
	[tilespmem:$0x1E980] =	vst v63  }
0x13b: {  	_ =	swait.ge [sflag:s22], $0x80  }
0x13c: {  	s7 =	stileid.u32;
	[sflag:s22] =	ssyncset.done $0x0  }
0x13d: {  	s4 =	sshll.u32 s7, $0x6;
	[sflag:s22] =	ssyncadd.s32 $0xFFFFFF80  }
0x13e: {  	s4 =	sor.u32 $0x1C03, s4;
	s9 =	sshrl.u32 s8, $0x3;
	[bflag:$0x0] =	sbarrier.arrive $0xFFFF  }
0x13f: {  	[hbm:s17], [sflag:s4] =	dma.local [spmem:s9], $0x2780  }
0x140: {  	s23 =	sadd.s32 $0x1, s23;
	s7 =	simm.s32 $0x20;
	_ =	swait.ge [sflag:s22], $0x2780  }
0x141: {  	p0 =	sne.s32 s23, s19;
	s10 =	sshrl.u32 s14, $0x3;
	[sflag:s22] =	ssyncset.done $0x0  }
.Ltmp2:
0x142: {  	s9 =	simm.s32 $0x10;
	[sflag:s22] =	ssyncadd.s32 $0xFFFFD880;
	(pc) =	sbr.rel @p0 .LBB2_1-.Ltmp2, $4  }
0x143: {  	[hbm:s18@s7], [sflag:s4] =	dma.strided [spmem:s10@s9], $0x50, s28, $0x10   }
0x144: {  	_ =	swait.ge [sflag:s22], $0x50  }
0x145: {  	[sflag:s22] =	ssyncset.done $0x0  }
0x146: {  	[sflag:s22] =	ssyncadd.s32 $0xFFFFFFB0  }
0x147: {  	_ =	sfence.sel $0x180000  }
0x148: {  	[bflag:$0x0] =	sbarrier.arrive $0xFFFF  }
0x149: {  	_ =	strace $0x90000047  }
0x14a: {  	s0 =	stileid.u32;
	[bflag:$0x2] =	sbarrier.arrive $0xFFFF  }
0x14b: {  	p0 =	sne.s32 s0, $0x0;
	s0 =	rddreg [dreg:$0x5]  }
0x14c: {  	s0 =	sadd.s32 @!p0 $0x100000, s0  }
0x14d: {  	[sflag:s0] =	ssyncadd.tile.s32 @!p0 $0x1;
	_ =	shalt  }
.Lfunc_end2:
_tile_overlayer_lowered:
.L_overlay_start_2:
0x14e: {  	(tag) =	ssettag $0x2  }
0x14f: {  	s0 =	rddreg [dreg:$0x0];
	s2 =	stileid.u32  }
0x150: {  	s1 =	rddreg [dreg:$0x1];
	p0 =	sne.s32 s2, $0x0  }
0x151: {  	s3 =	rddreg [dreg:$0x2];
	[bflag:$0x3] =	sbarrier.arrive $0xFFFF;
	s2 =	simm.s32 @!p0 $0x1C03  }
0x152: {  	[timem:s3], [sflag:s2] =	dma.local @!p0 [hbm:s0], s1  }
0x153: {  	s0 =	simm.s32 @!p0 $0x3  }
0x154: {  	_ =	swait.ge @!p0 [sflag:s0], s1  }
0x155: {  	s1 =	ssub.s32 @!p0 $0x0, s1;
	[sflag:s0] =	ssyncset.done @!p0 $0x0  }
0x156: {  	[sflag:s0] =	ssyncadd.s32 @!p0 s1  }
0x157: {  	[bflag:$0x3] =	sbarrier.arrive $0xFFFF  }
0x158: {  	_ =	shalt  }

</sc_bundles>
